<compile_context>
chip_gen: v7x
topology: tpu7x:2x2x1
jax: 0.10.2.dev20260603
libtpu: 0.0.44.dev20260713+nightly
codegen_flags: <defaults>
</compile_context>

<pallas_src>
import functools
import math

import jax
import jax.numpy as jnp
from jax import lax
from jax.experimental import pallas as pl
from jax.experimental.pallas import tpu as pltpu

_IMG_H = 1024.0
_IMG_W = 1024.0
_PRE = 2000
_POST = 1000
_PAD = 2048
_BLK = 128
_NBLK = _PAD // _BLK
_THRESH = 0.7
_MIN_SIZE = 16.0
_LOG_MAX = math.log(1000.0 / 16.0)
_NEG_INF = float("-inf")


def _nms_body(ax1, ay1, ax2, ay2, dx, dy, dw, dh, s_ref,
              px1, py1, px2, py2, kept,
              keep, areas):
    w = ax2[...] - ax1[...]
    h = ay2[...] - ay1[...]
    cx = ax1[...] + 0.5 * w
    cy = ay1[...] + 0.5 * h
    dwc = jnp.minimum(dw[...], _LOG_MAX)
    dhc = jnp.minimum(dh[...], _LOG_MAX)
    pcx = dx[...] * w + cx
    pcy = dy[...] * h + cy
    pw = jnp.exp(dwc) * w
    ph = jnp.exp(dhc) * h
    x1 = jnp.clip(pcx - 0.5 * pw, 0.0, _IMG_W)
    y1 = jnp.clip(pcy - 0.5 * ph, 0.0, _IMG_H)
    x2 = jnp.clip(pcx + 0.5 * pw, 0.0, _IMG_W)
    y2 = jnp.clip(pcy + 0.5 * ph, 0.0, _IMG_H)
    px1[...] = x1
    py1[...] = y1
    px2[...] = x2
    py2[...] = y2

    ws = x2 - x1
    hs = y2 - y1
    valid = (ws >= _MIN_SIZE) & (hs >= _MIN_SIZE)
    keep[...] = valid.astype(jnp.float32)
    areas[...] = jnp.maximum(ws, 0.0) * jnp.maximum(hs, 0.0)

    for b in range(_NBLK):
        base = b * _BLK
        width = _PAD - base

        tx1 = px1[:, base:]
        ty1 = py1[:, base:]
        tx2 = px2[:, base:]
        ty2 = py2[:, base:]
        tar = areas[:, base:]
        jcol = lax.broadcasted_iota(jnp.int32, (8, width), 1)
        bx1 = px1[:, base:base + _BLK]
        by1 = py1[:, base:base + _BLK]
        bx2 = px2[:, base:base + _BLK]
        by2 = py2[:, base:base + _BLK]
        bar = areas[:, base:base + _BLK]
        icol = lax.broadcasted_iota(jnp.int32, (8, _BLK), 1)

        def _col(block, i):
            return jnp.where(icol == i, block, 0.0).sum(axis=1, keepdims=True)

        def body(i, _, base=base, width=width, tx1=tx1, ty1=ty1,
                 tx2=tx2, ty2=ty2, tar=tar, jcol=jcol,
                 bx1=bx1, by1=by1, bx2=bx2, by2=by2, bar=bar):
            rx1 = _col(bx1, i)
            ry1 = _col(by1, i)
            rx2 = _col(bx2, i)
            ry2 = _col(by2, i)
            rar = _col(bar, i)
            gate = _col(keep[:, base:base + _BLK], i)

            xx1 = jnp.maximum(rx1, tx1)
            yy1 = jnp.maximum(ry1, ty1)
            xx2 = jnp.minimum(rx2, tx2)
            yy2 = jnp.minimum(ry2, ty2)
            inter = jnp.maximum(xx2 - xx1, 0.0) * jnp.maximum(yy2 - yy1, 0.0)
            denom = jnp.maximum(rar + tar - inter, 1e-9)
            sup = (inter > _THRESH * denom) & (jcol > i)
            supf = sup.astype(jnp.float32) * gate
            ktail = keep[:, base:]
            keep[:, base:] = ktail * (1.0 - supf)
            return 0

        lax.fori_loop(0, _BLK, body, 0)

    kept[...] = jnp.where(keep[...] > 0.5, s_ref[...], _NEG_INF)


@jax.jit
def kernel(anchors, scores, regs):
    B, N = scores.shape
    top_scores, top_idx = lax.top_k(scores, _PRE)
    ta = jnp.take_along_axis(anchors, top_idx[..., None], axis=1)
    tr = jnp.take_along_axis(regs, top_idx[..., None], axis=1)

    pad = _PAD - _PRE
    s = jnp.pad(top_scores, ((0, 0), (0, pad)), constant_values=_NEG_INF)
    ta = jnp.pad(ta, ((0, 0), (0, pad), (0, 0)))
    tr = jnp.pad(tr, ((0, 0), (0, pad), (0, 0)))

    shape = jax.ShapeDtypeStruct((B, _PAD), jnp.float32)
    px1, py1, px2, py2, kept = pl.pallas_call(
        _nms_body,
        out_shape=(shape,) * 5,
        scratch_shapes=[pltpu.VMEM((B, _PAD), jnp.float32)] * 2,
    )(ta[..., 0], ta[..., 1], ta[..., 2], ta[..., 3],
      tr[..., 0], tr[..., 1], tr[..., 2], tr[..., 3], s)

    top_vals, top = lax.top_k(kept, _POST)
    valid = (top_vals > _NEG_INF).astype(jnp.float32)
    gx1 = jnp.take_along_axis(px1, top, axis=1)
    gy1 = jnp.take_along_axis(py1, top, axis=1)
    gx2 = jnp.take_along_axis(px2, top, axis=1)
    gy2 = jnp.take_along_axis(py2, top, axis=1)
    boxes = jnp.stack([gx1, gy1, gx2, gy2], axis=-1)
    return boxes * valid[..., None]

# --- scband reference (transcript-rebuilt; emitter-appended) ---
"""Pipeline reference for scband-rpn-27736898798121 (READ-ONLY COPY).

The authoritative reference and input builder live on the scoring server;
editing this copy changes nothing except your own understanding.
"""

import jax, jax.numpy as jnp
import numpy as np

IMG_H = 1024.0
IMG_W = 1024.0
NUM_PRE_NMS = 2000
NUM_POST_NMS = 1000
NMS_THRESH = 0.7
MIN_SIZE = 16.0


def setup_inputs(seed: int = 0) -> dict:
    key = jax.random.key(seed)
    k1, k2, k3, k4 = jax.random.split(key, 4)
    B, N = 8, 20000
    xy = jax.random.uniform(k1, (B, N, 2), dtype=jnp.float32) * jnp.array([IMG_W - 64.0, IMG_H - 64.0], dtype=jnp.float32)
    wh = jax.random.uniform(k2, (B, N, 2), dtype=jnp.float32) * 192.0 + 8.0
    anchors = jnp.concatenate([xy, xy + wh], axis=-1)
    scores = jax.random.normal(k3, (B, N), dtype=jnp.float32)
    regs = jax.random.normal(k4, (B, N, 4), dtype=jnp.float32) * 0.1
    return {"anchors": anchors, "scores": scores, "regs": regs}


def _box_regression(anchors, deltas):
    w = anchors[..., 2] - anchors[..., 0]
    h = anchors[..., 3] - anchors[..., 1]
    cx = anchors[..., 0] + 0.5 * w
    cy = anchors[..., 1] + 0.5 * h
    dx = deltas[..., 0]
    dy = deltas[..., 1]
    dw = jnp.minimum(deltas[..., 2], jnp.log(1000.0 / 16.0))
    dh = jnp.minimum(deltas[..., 3], jnp.log(1000.0 / 16.0))
    pcx = dx * w + cx
    pcy = dy * h + cy
    pw = jnp.exp(dw) * w
    ph = jnp.exp(dh) * h
    return jnp.stack([pcx - 0.5 * pw, pcy - 0.5 * ph, pcx + 0.5 * pw, pcy + 0.5 * ph], axis=-1)


def _box_clip(boxes):
    x1 = jnp.clip(boxes[..., 0], 0.0, IMG_W)
    y1 = jnp.clip(boxes[..., 1], 0.0, IMG_H)
    x2 = jnp.clip(boxes[..., 2], 0.0, IMG_W)
    y2 = jnp.clip(boxes[..., 3], 0.0, IMG_H)
    return jnp.stack([x1, y1, x2, y2], axis=-1)


def _nms_single(boxes, scores):
    # boxes: [K,4], scores: [K] (-inf marks invalid/small boxes)
    order = jnp.argsort(-scores)
    b = boxes[order]
    s = scores[order]
    n = b.shape[0]
    idxs = jnp.arange(n)
    areas = jnp.maximum(b[:, 2] - b[:, 0], 0.0) * jnp.maximum(b[:, 3] - b[:, 1], 0.0)

    def body(i, keep):
        ref = b[i]
        xx1 = jnp.maximum(ref[0], b[:, 0])
        yy1 = jnp.maximum(ref[1], b[:, 1])
        xx2 = jnp.minimum(ref[2], b[:, 2])
        yy2 = jnp.minimum(ref[3], b[:, 3])
        inter = jnp.maximum(xx2 - xx1, 0.0) * jnp.maximum(yy2 - yy1, 0.0)
        ref_area = jnp.maximum(ref[2] - ref[0], 0.0) * jnp.maximum(ref[3] - ref[1], 0.0)
        iou = inter / jnp.maximum(ref_area + areas - inter, 1e-9)
        suppress = (iou > NMS_THRESH) & (idxs > i)
        return jnp.where(keep[i], keep & (~suppress), keep)

    keep = jax.lax.fori_loop(0, n, body, jnp.ones((n,), dtype=bool))
    kept_scores = jnp.where(keep, s, -jnp.inf)
    _, top = jax.lax.top_k(kept_scores, NUM_POST_NMS)
    valid = (kept_scores[top] > -jnp.inf).astype(b.dtype)
    return b[top] * valid[:, None]


def reference(anchors, scores, regs):
    # Inference path of the RPN: per-image pre-NMS top-k, box decoding,
    # clipping, small-box removal (via score masking), greedy NMS, post-NMS top-k.
    top_scores, top_idx = jax.lax.top_k(scores, NUM_PRE_NMS)
    top_anchors = jnp.take_along_axis(anchors, top_idx[..., None], axis=1)
    top_regs = jnp.take_along_axis(regs, top_idx[..., None], axis=1)
    proposals = _box_regression(top_anchors, top_regs)
    proposals = _box_clip(proposals)
    ws = proposals[..., 2] - proposals[..., 0]
    hs = proposals[..., 3] - proposals[..., 1]
    valid = (ws >= MIN_SIZE) & (hs >= MIN_SIZE)
    masked_scores = jnp.where(valid, top_scores, -jnp.inf)
    out = jax.vmap(_nms_single)(proposals, masked_scores)
    return out

if __name__ == "__main__":
    import jax
    _d = setup_inputs()
    print(jax.jit(kernel)(*tuple(_d.values())))

</pallas_src>

<mosaic_0001>
module attributes {stable_mosaic.version = 14 : i64} {
  func.func @_nms_body(%arg0: memref<8x2048xf32, #tpu.memory_space<vmem>>, %arg1: memref<8x2048xf32, #tpu.memory_space<vmem>>, %arg2: memref<8x2048xf32, #tpu.memory_space<vmem>>, %arg3: memref<8x2048xf32, #tpu.memory_space<vmem>>, %arg4: memref<8x2048xf32, #tpu.memory_space<vmem>>, %arg5: memref<8x2048xf32, #tpu.memory_space<vmem>>, %arg6: memref<8x2048xf32, #tpu.memory_space<vmem>>, %arg7: memref<8x2048xf32, #tpu.memory_space<vmem>>, %arg8: memref<8x2048xf32, #tpu.memory_space<vmem>>, %arg9: memref<8x2048xf32, #tpu.memory_space<vmem>>, %arg10: memref<8x2048xf32, #tpu.memory_space<vmem>>, %arg11: memref<8x2048xf32, #tpu.memory_space<vmem>>, %arg12: memref<8x2048xf32, #tpu.memory_space<vmem>>, %arg13: memref<8x2048xf32, #tpu.memory_space<vmem>>, %arg14: memref<8x2048xf32, #tpu.memory_space<vmem>>, %arg15: memref<8x2048xf32, #tpu.memory_space<vmem>>) attributes {dimension_semantics = [], scalar_prefetch = 0 : i64, scratch_operands = 2 : i64, tpu.core_type = #tpu.core_type<tc>} {
    %get3A = arith.constant 0 : index
    %get3A_0 = arith.constant 0 : index
    %get3A_1 = vector.load %arg2[%get3A, %get3A_0] : memref<8x2048xf32, #tpu.memory_space<vmem>>, vector<8x2048xf32>
    %get3A_2 = arith.constant 0 : index
    %get3A_3 = arith.constant 0 : index
    %get3A_4 = vector.load %arg0[%get3A_2, %get3A_3] : memref<8x2048xf32, #tpu.memory_space<vmem>>, vector<8x2048xf32>
    %sub3A = arith.subf %get3A_1, %get3A_4 : vector<8x2048xf32>
    %get3A_5 = arith.constant 0 : index
    %get3A_6 = arith.constant 0 : index
    %get3A_7 = vector.load %arg3[%get3A_5, %get3A_6] : memref<8x2048xf32, #tpu.memory_space<vmem>>, vector<8x2048xf32>
    %get3A_8 = arith.constant 0 : index
    %get3A_9 = arith.constant 0 : index
    %get3A_10 = vector.load %arg1[%get3A_8, %get3A_9] : memref<8x2048xf32, #tpu.memory_space<vmem>>, vector<8x2048xf32>
    %sub3A_11 = arith.subf %get3A_7, %get3A_10 : vector<8x2048xf32>
    %get3A_12 = arith.constant 0 : index
    %get3A_13 = arith.constant 0 : index
    %get3A_14 = vector.load %arg0[%get3A_12, %get3A_13] : memref<8x2048xf32, #tpu.memory_space<vmem>>, vector<8x2048xf32>
    %mul3A = arith.constant 5.000000e-01 : f32
    %mul3A_15 = vector.broadcast %mul3A : f32 to vector<8x2048xf32>
    %mul3A_16 = arith.mulf %mul3A_15, %sub3A : vector<8x2048xf32>
    %add3A = arith.addf %get3A_14, %mul3A_16 : vector<8x2048xf32>
    %get3A_17 = arith.constant 0 : index
    %get3A_18 = arith.constant 0 : index
    %get3A_19 = vector.load %arg1[%get3A_17, %get3A_18] : memref<8x2048xf32, #tpu.memory_space<vmem>>, vector<8x2048xf32>
    %mul3A_20 = arith.constant 5.000000e-01 : f32
    %mul3A_21 = vector.broadcast %mul3A_20 : f32 to vector<8x2048xf32>
    %mul3A_22 = arith.mulf %mul3A_21, %sub3A_11 : vector<8x2048xf32>
    %add3A_23 = arith.addf %get3A_19, %mul3A_22 : vector<8x2048xf32>
    %get3A_24 = arith.constant 0 : index
    %get3A_25 = arith.constant 0 : index
    %get3A_26 = vector.load %arg6[%get3A_24, %get3A_25] : memref<8x2048xf32, #tpu.memory_space<vmem>>, vector<8x2048xf32>
    %min3A = arith.constant 4.13516665 : f32
    %min3A_27 = vector.broadcast %min3A : f32 to vector<8x2048xf32>
    %min3A_28 = arith.minimumf %get3A_26, %min3A_27 : vector<8x2048xf32>
    %get3A_29 = arith.constant 0 : index
    %get3A_30 = arith.constant 0 : index
    %get3A_31 = vector.load %arg7[%get3A_29, %get3A_30] : memref<8x2048xf32, #tpu.memory_space<vmem>>, vector<8x2048xf32>
    %min3A_32 = arith.constant 4.13516665 : f32
    %min3A_33 = vector.broadcast %min3A_32 : f32 to vector<8x2048xf32>
    %min3A_34 = arith.minimumf %get3A_31, %min3A_33 : vector<8x2048xf32>
    %get3A_35 = arith.constant 0 : index
    %get3A_36 = arith.constant 0 : index
    %get3A_37 = vector.load %arg4[%get3A_35, %get3A_36] : memref<8x2048xf32, #tpu.memory_space<vmem>>, vector<8x2048xf32>
    %mul3A_38 = arith.mulf %get3A_37, %sub3A : vector<8x2048xf32>
    %add3A_39 = arith.addf %mul3A_38, %add3A : vector<8x2048xf32>
    %get3A_40 = arith.constant 0 : index
    %get3A_41 = arith.constant 0 : index
    %get3A_42 = vector.load %arg5[%get3A_40, %get3A_41] : memref<8x2048xf32, #tpu.memory_space<vmem>>, vector<8x2048xf32>
    %mul3A_43 = arith.mulf %get3A_42, %sub3A_11 : vector<8x2048xf32>
    %add3A_44 = arith.addf %mul3A_43, %add3A_23 : vector<8x2048xf32>
    %exp3A = math.exp %min3A_28 : vector<8x2048xf32>
    %mul3A_45 = arith.mulf %exp3A, %sub3A : vector<8x2048xf32>
    %exp3A_46 = math.exp %min3A_34 : vector<8x2048xf32>
    %mul3A_47 = arith.mulf %exp3A_46, %sub3A_11 : vector<8x2048xf32>
    %mul3A_48 = arith.constant 5.000000e-01 : f32
    %mul3A_49 = vector.broadcast %mul3A_48 : f32 to vector<8x2048xf32>
    %mul3A_50 = arith.mulf %mul3A_49, %mul3A_45 : vector<8x2048xf32>
    %sub3A_51 = arith.subf %add3A_39, %mul3A_50 : vector<8x2048xf32>
    %jit3A = arith.constant 0.000000e+00 : f32
    %jit3A_52 = arith.constant 1.024000e+03 : f32
    %max3A = vector.broadcast %jit3A : f32 to vector<8x2048xf32>
    %max3A_53 = arith.maximumf %max3A, %sub3A_51 : vector<8x2048xf32>
    %min3A_54 = vector.broadcast %jit3A_52 : f32 to vector<8x2048xf32>
    %min3A_55 = arith.minimumf %min3A_54, %max3A_53 : vector<8x2048xf32>
    %mul3A_56 = arith.constant 5.000000e-01 : f32
    %mul3A_57 = vector.broadcast %mul3A_56 : f32 to vector<8x2048xf32>
    %mul3A_58 = arith.mulf %mul3A_57, %mul3A_47 : vector<8x2048xf32>
    %sub3A_59 = arith.subf %add3A_44, %mul3A_58 : vector<8x2048xf32>
    %jit3A_60 = arith.constant 0.000000e+00 : f32
    %jit3A_61 = arith.constant 1.024000e+03 : f32
    %max3A_62 = vector.broadcast %jit3A_60 : f32 to vector<8x2048xf32>
    %max3A_63 = arith.maximumf %max3A_62, %sub3A_59 : vector<8x2048xf32>
    %min3A_64 = vector.broadcast %jit3A_61 : f32 to vector<8x2048xf32>
    %min3A_65 = arith.minimumf %min3A_64, %max3A_63 : vector<8x2048xf32>
    %mul3A_66 = arith.constant 5.000000e-01 : f32
    %mul3A_67 = vector.broadcast %mul3A_66 : f32 to vector<8x2048xf32>
    %mul3A_68 = arith.mulf %mul3A_67, %mul3A_45 : vector<8x2048xf32>
    %add3A_69 = arith.addf %add3A_39, %mul3A_68 : vector<8x2048xf32>
    %jit3A_70 = arith.constant 0.000000e+00 : f32
    %jit3A_71 = arith.constant 1.024000e+03 : f32
    %max3A_72 = vector.broadcast %jit3A_70 : f32 to vector<8x2048xf32>
    %max3A_73 = arith.maximumf %max3A_72, %add3A_69 : vector<8x2048xf32>
    %min3A_74 = vector.broadcast %jit3A_71 : f32 to vector<8x2048xf32>
    %min3A_75 = arith.minimumf %min3A_74, %max3A_73 : vector<8x2048xf32>
    %mul3A_76 = arith.constant 5.000000e-01 : f32
    %mul3A_77 = vector.broadcast %mul3A_76 : f32 to vector<8x2048xf32>
    %mul3A_78 = arith.mulf %mul3A_77, %mul3A_47 : vector<8x2048xf32>
    %add3A_79 = arith.addf %add3A_44, %mul3A_78 : vector<8x2048xf32>
    %jit3A_80 = arith.constant 0.000000e+00 : f32
    %jit3A_81 = arith.constant 1.024000e+03 : f32
    %max3A_82 = vector.broadcast %jit3A_80 : f32 to vector<8x2048xf32>
    %max3A_83 = arith.maximumf %max3A_82, %add3A_79 : vector<8x2048xf32>
    %min3A_84 = vector.broadcast %jit3A_81 : f32 to vector<8x2048xf32>
    %min3A_85 = arith.minimumf %min3A_84, %max3A_83 : vector<8x2048xf32>
    %swap3A = arith.constant 0 : index
    %swap3A_86 = arith.constant 0 : index
    %swap3A_87 = vector.load %arg9[%swap3A, %swap3A_86] : memref<8x2048xf32, #tpu.memory_space<vmem>>, vector<8x2048xf32>
    tpu.vector_store %arg9[%swap3A, %swap3A_86], %min3A_55 {strides = array<i32>} : memref<8x2048xf32, #tpu.memory_space<vmem>>, vector<8x2048xf32>,
    %swap3A_88 = arith.constant 0 : index
    %swap3A_89 = arith.constant 0 : index
    %swap3A_90 = vector.load %arg10[%swap3A_88, %swap3A_89] : memref<8x2048xf32, #tpu.memory_space<vmem>>, vector<8x2048xf32>
    tpu.vector_store %arg10[%swap3A_88, %swap3A_89], %min3A_65 {strides = array<i32>} : memref<8x2048xf32, #tpu.memory_space<vmem>>, vector<8x2048xf32>,
    %swap3A_91 = arith.constant 0 : index
    %swap3A_92 = arith.constant 0 : index
    %swap3A_93 = vector.load %arg11[%swap3A_91, %swap3A_92] : memref<8x2048xf32, #tpu.memory_space<vmem>>, vector<8x2048xf32>
    tpu.vector_store %arg11[%swap3A_91, %swap3A_92], %min3A_75 {strides = array<i32>} : memref<8x2048xf32, #tpu.memory_space<vmem>>, vector<8x2048xf32>,
    %swap3A_94 = arith.constant 0 : index
    %swap3A_95 = arith.constant 0 : index
    %swap3A_96 = vector.load %arg12[%swap3A_94, %swap3A_95] : memref<8x2048xf32, #tpu.memory_space<vmem>>, vector<8x2048xf32>
    tpu.vector_store %arg12[%swap3A_94, %swap3A_95], %min3A_85 {strides = array<i32>} : memref<8x2048xf32, #tpu.memory_space<vmem>>, vector<8x2048xf32>,
    %sub3A_97 = arith.subf %min3A_75, %min3A_55 : vector<8x2048xf32>
    %sub3A_98 = arith.subf %min3A_85, %min3A_65 : vector<8x2048xf32>
    %ge3A = arith.constant 1.600000e+01 : f32
    %ge3A_99 = vector.broadcast %ge3A : f32 to vector<8x2048xf32>
    %ge3A_100 = arith.cmpf oge, %sub3A_97, %ge3A_99 : vector<8x2048xf32>
    %ge3A_101 = arith.constant 1.600000e+01 : f32
    %ge3A_102 = vector.broadcast %ge3A_101 : f32 to vector<8x2048xf32>
    %ge3A_103 = arith.cmpf oge, %sub3A_98, %ge3A_102 : vector<8x2048xf32>
    %and3A = arith.andi %ge3A_100, %ge3A_103 : vector<8x2048xi1>
    %convert_element_type3A = arith.extui %and3A : vector<8x2048xi1> to vector<8x2048xi32>
    %convert_element_type3A_104 = arith.sitofp %convert_element_type3A : vector<8x2048xi32> to vector<8x2048xf32>
    %swap3A_105 = arith.constant 0 : index
    %swap3A_106 = arith.constant 0 : index
    %swap3A_107 = vector.load %arg14[%swap3A_105, %swap3A_106] : memref<8x2048xf32, #tpu.memory_space<vmem>>, vector<8x2048xf32>
    tpu.vector_store %arg14[%swap3A_105, %swap3A_106], %convert_element_type3A_104 {strides = array<i32>} : memref<8x2048xf32, #tpu.memory_space<vmem>>, vector<8x2048xf32>,
    %max3A_108 = arith.constant 0.000000e+00 : f32
    %max3A_109 = vector.broadcast %max3A_108 : f32 to vector<8x2048xf32>
    %max3A_110 = arith.maximumf %sub3A_97, %max3A_109 : vector<8x2048xf32>
    %max3A_111 = arith.constant 0.000000e+00 : f32
    %max3A_112 = vector.broadcast %max3A_111 : f32 to vector<8x2048xf32>
    %max3A_113 = arith.maximumf %sub3A_98, %max3A_112 : vector<8x2048xf32>
    %mul3A_114 = arith.mulf %max3A_110, %max3A_113 : vector<8x2048xf32>
    %swap3A_115 = arith.constant 0 : index
    %swap3A_116 = arith.constant 0 : index
    %swap3A_117 = vector.load %arg15[%swap3A_115, %swap3A_116] : memref<8x2048xf32, #tpu.memory_space<vmem>>, vector<8x2048xf32>
    tpu.vector_store %arg15[%swap3A_115, %swap3A_116], %mul3A_114 {strides = array<i32>} : memref<8x2048xf32, #tpu.memory_space<vmem>>, vector<8x2048xf32>,
    %get3A_118 = arith.constant 0 : index
    %get3A_119 = arith.constant 0 : index
    %get3A_120 = vector.load %arg9[%get3A_118, %get3A_119] : memref<8x2048xf32, #tpu.memory_space<vmem>>, vector<8x2048xf32>
    %get3A_121 = arith.constant 0 : index
    %get3A_122 = arith.constant 0 : index
    %get3A_123 = vector.load %arg10[%get3A_121, %get3A_122] : memref<8x2048xf32, #tpu.memory_space<vmem>>, vector<8x2048xf32>
    %get3A_124 = arith.constant 0 : index
    %get3A_125 = arith.constant 0 : index
    %get3A_126 = vector.load %arg11[%get3A_124, %get3A_125] : memref<8x2048xf32, #tpu.memory_space<vmem>>, vector<8x2048xf32>
    %get3A_127 = arith.constant 0 : index
    %get3A_128 = arith.constant 0 : index
    %get3A_129 = vector.load %arg12[%get3A_127, %get3A_128] : memref<8x2048xf32, #tpu.memory_space<vmem>>, vector<8x2048xf32>
    %get3A_130 = arith.constant 0 : index
    %get3A_131 = arith.constant 0 : index
    %get3A_132 = vector.load %arg15[%get3A_130, %get3A_131] : memref<8x2048xf32, #tpu.memory_space<vmem>>, vector<8x2048xf32>
    %iota3A = tpu.iota {dimensions = array<i32: 1>} : vector<8x2048xi32>
    %get3A_133 = arith.constant 0 : index
    %get3A_134 = arith.constant 0 : index
    %get3A_135 = vector.load %arg9[%get3A_133, %get3A_134] : memref<8x2048xf32, #tpu.memory_space<vmem>>, vector<8x128xf32>
    %get3A_136 = arith.constant 0 : index
    %get3A_137 = arith.constant 0 : index
    %get3A_138 = vector.load %arg10[%get3A_136, %get3A_137] : memref<8x2048xf32, #tpu.memory_space<vmem>>, vector<8x128xf32>
    %get3A_139 = arith.constant 0 : index
    %get3A_140 = arith.constant 0 : index
    %get3A_141 = vector.load %arg11[%get3A_139, %get3A_140] : memref<8x2048xf32, #tpu.memory_space<vmem>>, vector<8x128xf32>
    %get3A_142 = arith.constant 0 : index
    %get3A_143 = arith.constant 0 : index
    %get3A_144 = vector.load %arg12[%get3A_142, %get3A_143] : memref<8x2048xf32, #tpu.memory_space<vmem>>, vector<8x128xf32>
    %get3A_145 = arith.constant 0 : index
    %get3A_146 = arith.constant 0 : index
    %get3A_147 = vector.load %arg15[%get3A_145, %get3A_146] : memref<8x2048xf32, #tpu.memory_space<vmem>>, vector<8x128xf32>
    %iota3A_148 = tpu.iota {dimensions = array<i32: 1>} : vector<8x128xi32>
    %scan3A = arith.constant 0 : i32
    %scan3A_149 = arith.constant 128 : i32
    %scan3A_150 = arith.addi %scan3A, %scan3A_149 : i32
    %scan3A_151 = arith.constant 1 : i32
    scf.for %scan3A_720 = %scan3A to %scan3A_150 step %scan3A_151  : i32 {
      %eq3A = vector.broadcast %scan3A_720 : i32 to vector<8x128xi32>
      %eq3A_721 = arith.cmpi eq, %iota3A_148, %eq3A : vector<8x128xi32>
      %jit3A_722 = arith.constant 0.000000e+00 : f32
      %broadcast_in_dim3A_723 = vector.broadcast %jit3A_722 : f32 to vector<8x128xf32>
      %select_n3A_724 = arith.select %eq3A_721, %get3A_135, %broadcast_in_dim3A_723 : vector<8x128xi1>, vector<8x128xf32>
      %reduce_sum3A = arith.constant dense<0.000000e+00> : vector<8xf32>
      %reduce_sum3A_725 = vector.multi_reduction <add>, %select_n3A_724, %reduce_sum3A [1] : vector<8x128xf32> to vector<8xf32>
      %broadcast_in_dim3A_726 = vector.shape_cast %reduce_sum3A_725 : vector<8xf32> to vector<8x1xf32>
      %eq3A_727 = vector.broadcast %scan3A_720 : i32 to vector<8x128xi32>
      %eq3A_728 = arith.cmpi eq, %iota3A_148, %eq3A_727 : vector<8x128xi32>
      %jit3A_729 = arith.constant 0.000000e+00 : f32
      %broadcast_in_dim3A_730 = vector.broadcast %jit3A_729 : f32 to vector<8x128xf32>
      %select_n3A_731 = arith.select %eq3A_728, %get3A_138, %broadcast_in_dim3A_730 : vector<8x128xi1>, vector<8x128xf32>
      %reduce_sum3A_732 = arith.constant dense<0.000000e+00> : vector<8xf32>
      %reduce_sum3A_733 = vector.multi_reduction <add>, %select_n3A_731, %reduce_sum3A_732 [1] : vector<8x128xf32> to vector<8xf32>
      %broadcast_in_dim3A_734 = vector.shape_cast %reduce_sum3A_733 : vector<8xf32> to vector<8x1xf32>
      %eq3A_735 = vector.broadcast %scan3A_720 : i32 to vector<8x128xi32>
      %eq3A_736 = arith.cmpi eq, %iota3A_148, %eq3A_735 : vector<8x128xi32>
      %jit3A_737 = arith.constant 0.000000e+00 : f32
      %broadcast_in_dim3A_738 = vector.broadcast %jit3A_737 : f32 to vector<8x128xf32>
      %select_n3A_739 = arith.select %eq3A_736, %get3A_141, %broadcast_in_dim3A_738 : vector<8x128xi1>, vector<8x128xf32>
      %reduce_sum3A_740 = arith.constant dense<0.000000e+00> : vector<8xf32>
      %reduce_sum3A_741 = vector.multi_reduction <add>, %select_n3A_739, %reduce_sum3A_740 [1] : vector<8x128xf32> to vector<8xf32>
      %broadcast_in_dim3A_742 = vector.shape_cast %reduce_sum3A_741 : vector<8xf32> to vector<8x1xf32>
      %eq3A_743 = vector.broadcast %scan3A_720 : i32 to vector<8x128xi32>
      %eq3A_744 = arith.cmpi eq, %iota3A_148, %eq3A_743 : vector<8x128xi32>
      %jit3A_745 = arith.constant 0.000000e+00 : f32
      %broadcast_in_dim3A_746 = vector.broadcast %jit3A_745 : f32 to vector<8x128xf32>
      %select_n3A_747 = arith.select %eq3A_744, %get3A_144, %broadcast_in_dim3A_746 : vector<8x128xi1>, vector<8x128xf32>
      %reduce_sum3A_748 = arith.constant dense<0.000000e+00> : vector<8xf32>
      %reduce_sum3A_749 = vector.multi_reduction <add>, %select_n3A_747, %reduce_sum3A_748 [1] : vector<8x128xf32> to vector<8xf32>
      %broadcast_in_dim3A_750 = vector.shape_cast %reduce_sum3A_749 : vector<8xf32> to vector<8x1xf32>
      %eq3A_751 = vector.broadcast %scan3A_720 : i32 to vector<8x128xi32>
      %eq3A_752 = arith.cmpi eq, %iota3A_148, %eq3A_751 : vector<8x128xi32>
      %jit3A_753 = arith.constant 0.000000e+00 : f32
      %broadcast_in_dim3A_754 = vector.broadcast %jit3A_753 : f32 to vector<8x128xf32>
      %select_n3A_755 = arith.select %eq3A_752, %get3A_147, %broadcast_in_dim3A_754 : vector<8x128xi1>, vector<8x128xf32>
      %reduce_sum3A_756 = arith.constant dense<0.000000e+00> : vector<8xf32>
      %reduce_sum3A_757 = vector.multi_reduction <add>, %select_n3A_755, %reduce_sum3A_756 [1] : vector<8x128xf32> to vector<8xf32>
      %broadcast_in_dim3A_758 = vector.shape_cast %reduce_sum3A_757 : vector<8xf32> to vector<8x1xf32>
      %get3A_759 = arith.constant 0 : index
      %get3A_760 = arith.constant 0 : index
      %get3A_761 = vector.load %arg14[%get3A_759, %get3A_760] : memref<8x2048xf32, #tpu.memory_space<vmem>>, vector<8x128xf32>
      %eq3A_762 = vector.broadcast %scan3A_720 : i32 to vector<8x128xi32>
      %eq3A_763 = arith.cmpi eq, %iota3A_148, %eq3A_762 : vector<8x128xi32>
      %jit3A_764 = arith.constant 0.000000e+00 : f32
      %broadcast_in_dim3A_765 = vector.broadcast %jit3A_764 : f32 to vector<8x128xf32>
      %select_n3A_766 = arith.select %eq3A_763, %get3A_761, %broadcast_in_dim3A_765 : vector<8x128xi1>, vector<8x128xf32>
      %reduce_sum3A_767 = arith.constant dense<0.000000e+00> : vector<8xf32>
      %reduce_sum3A_768 = vector.multi_reduction <add>, %select_n3A_766, %reduce_sum3A_767 [1] : vector<8x128xf32> to vector<8xf32>
      %broadcast_in_dim3A_769 = vector.shape_cast %reduce_sum3A_768 : vector<8xf32> to vector<8x1xf32>
      %max3A_770 = vector.broadcast %broadcast_in_dim3A_726 : vector<8x1xf32> to vector<8x2048xf32>
      %max3A_771 = arith.maximumf %max3A_770, %get3A_120 : vector<8x2048xf32>
      %max3A_772 = vector.broadcast %broadcast_in_dim3A_734 : vector<8x1xf32> to vector<8x2048xf32>
      %max3A_773 = arith.maximumf %max3A_772, %get3A_123 : vector<8x2048xf32>
      %min3A_774 = vector.broadcast %broadcast_in_dim3A_742 : vector<8x1xf32> to vector<8x2048xf32>
      %min3A_775 = arith.minimumf %min3A_774, %get3A_126 : vector<8x2048xf32>
      %min3A_776 = vector.broadcast %broadcast_in_dim3A_750 : vector<8x1xf32> to vector<8x2048xf32>
      %min3A_777 = arith.minimumf %min3A_776, %get3A_129 : vector<8x2048xf32>
      %sub3A_778 = arith.subf %min3A_775, %max3A_771 : vector<8x2048xf32>
      %max3A_779 = arith.constant 0.000000e+00 : f32
      %max3A_780 = vector.broadcast %max3A_779 : f32 to vector<8x2048xf32>
      %max3A_781 = arith.maximumf %sub3A_778, %max3A_780 : vector<8x2048xf32>
      %sub3A_782 = arith.subf %min3A_777, %max3A_773 : vector<8x2048xf32>
      %max3A_783 = arith.constant 0.000000e+00 : f32
      %max3A_784 = vector.broadcast %max3A_783 : f32 to vector<8x2048xf32>
      %max3A_785 = arith.maximumf %sub3A_782, %max3A_784 : vector<8x2048xf32>
      %mul3A_786 = arith.mulf %max3A_781, %max3A_785 : vector<8x2048xf32>
      %add3A_787 = vector.broadcast %broadcast_in_dim3A_758 : vector<8x1xf32> to vector<8x2048xf32>
      %add3A_788 = arith.addf %add3A_787, %get3A_132 : vector<8x2048xf32>
      %sub3A_789 = arith.subf %add3A_788, %mul3A_786 : vector<8x2048xf32>
      %max3A_790 = arith.constant 9.99999971E-10 : f32
      %max3A_791 = vector.broadcast %max3A_790 : f32 to vector<8x2048xf32>
      %max3A_792 = arith.maximumf %sub3A_789, %max3A_791 : vector<8x2048xf32>
      %mul3A_793 = arith.constant 0.699999988 : f32
      %mul3A_794 = vector.broadcast %mul3A_793 : f32 to vector<8x2048xf32>
      %mul3A_795 = arith.mulf %mul3A_794, %max3A_792 : vector<8x2048xf32>
      %gt3A_796 = arith.cmpf ogt, %mul3A_786, %mul3A_795 : vector<8x2048xf32>
      %gt3A_797 = vector.broadcast %scan3A_720 : i32 to vector<8x2048xi32>
      %gt3A_798 = arith.cmpi sgt, %iota3A, %gt3A_797 : vector<8x2048xi32>
      %and3A_799 = arith.andi %gt3A_796, %gt3A_798 : vector<8x2048xi1>
      %convert_element_type3A_800 = arith.extui %and3A_799 : vector<8x2048xi1> to vector<8x2048xi32>
      %convert_element_type3A_801 = arith.sitofp %convert_element_type3A_800 : vector<8x2048xi32> to vector<8x2048xf32>
      %mul3A_802 = vector.broadcast %broadcast_in_dim3A_769 : vector<8x1xf32> to vector<8x2048xf32>
      %mul3A_803 = arith.mulf %convert_element_type3A_801, %mul3A_802 : vector<8x2048xf32>
      %get3A_804 = arith.constant 0 : index
      %get3A_805 = arith.constant 0 : index
      %get3A_806 = vector.load %arg14[%get3A_804, %get3A_805] : memref<8x2048xf32, #tpu.memory_space<vmem>>, vector<8x2048xf32>
      %sub3A_807 = arith.constant 1.000000e+00 : f32
      %sub3A_808 = vector.broadcast %sub3A_807 : f32 to vector<8x2048xf32>
      %sub3A_809 = arith.subf %sub3A_808, %mul3A_803 : vector<8x2048xf32>
      %mul3A_810 = arith.mulf %get3A_806, %sub3A_809 : vector<8x2048xf32>
      %swap3A_811 = arith.constant 0 : index
      %swap3A_812 = arith.constant 0 : index
      %swap3A_813 = vector.load %arg14[%swap3A_811, %swap3A_812] : memref<8x2048xf32, #tpu.memory_space<vmem>>, vector<8x2048xf32>
      tpu.vector_store %arg14[%swap3A_811, %swap3A_812], %mul3A_810 {strides = array<i32>} : memref<8x2048xf32, #tpu.memory_space<vmem>>, vector<8x2048xf32>,
    }
    %scan3A_152 = arith.constant 128 : i32
    %get3A_153 = arith.constant 0 : index
    %get3A_154 = arith.constant 128 : index
    %get3A_155 = vector.load %arg9[%get3A_153, %get3A_154] : memref<8x2048xf32, #tpu.memory_space<vmem>>, vector<8x1920xf32>
    %get3A_156 = arith.constant 0 : index
    %get3A_157 = arith.constant 128 : index
    %get3A_158 = vector.load %arg10[%get3A_156, %get3A_157] : memref<8x2048xf32, #tpu.memory_space<vmem>>, vector<8x1920xf32>
    %get3A_159 = arith.constant 0 : index
    %get3A_160 = arith.constant 128 : index
    %get3A_161 = vector.load %arg11[%get3A_159, %get3A_160] : memref<8x2048xf32, #tpu.memory_space<vmem>>, vector<8x1920xf32>
    %get3A_162 = arith.constant 0 : index
    %get3A_163 = arith.constant 128 : index
    %get3A_164 = vector.load %arg12[%get3A_162, %get3A_163] : memref<8x2048xf32, #tpu.memory_space<vmem>>, vector<8x1920xf32>
    %get3A_165 = arith.constant 0 : index
    %get3A_166 = arith.constant 128 : index
    %get3A_167 = vector.load %arg15[%get3A_165, %get3A_166] : memref<8x2048xf32, #tpu.memory_space<vmem>>, vector<8x1920xf32>
    %iota3A_168 = tpu.iota {dimensions = array<i32: 1>} : vector<8x1920xi32>
    %get3A_169 = arith.constant 0 : index
    %get3A_170 = arith.constant 128 : index
    %get3A_171 = vector.load %arg9[%get3A_169, %get3A_170] : memref<8x2048xf32, #tpu.memory_space<vmem>>, vector<8x128xf32>
    %get3A_172 = arith.constant 0 : index
    %get3A_173 = arith.constant 128 : index
    %get3A_174 = vector.load %arg10[%get3A_172, %get3A_173] : memref<8x2048xf32, #tpu.memory_space<vmem>>, vector<8x128xf32>
    %get3A_175 = arith.constant 0 : index
    %get3A_176 = arith.constant 128 : index
    %get3A_177 = vector.load %arg11[%get3A_175, %get3A_176] : memref<8x2048xf32, #tpu.memory_space<vmem>>, vector<8x128xf32>
    %get3A_178 = arith.constant 0 : index
    %get3A_179 = arith.constant 128 : index
    %get3A_180 = vector.load %arg12[%get3A_178, %get3A_179] : memref<8x2048xf32, #tpu.memory_space<vmem>>, vector<8x128xf32>
    %get3A_181 = arith.constant 0 : index
    %get3A_182 = arith.constant 128 : index
    %get3A_183 = vector.load %arg15[%get3A_181, %get3A_182] : memref<8x2048xf32, #tpu.memory_space<vmem>>, vector<8x128xf32>
    %iota3A_184 = tpu.iota {dimensions = array<i32: 1>} : vector<8x128xi32>
    %scan3A_185 = arith.constant 0 : i32
    %scan3A_186 = arith.constant 128 : i32
    %scan3A_187 = arith.addi %scan3A_185, %scan3A_186 : i32
    %scan3A_188 = arith.constant 1 : i32
    scf.for %scan3A_720 = %scan3A_185 to %scan3A_187 step %scan3A_188  : i32 {
      %eq3A = vector.broadcast %scan3A_720 : i32 to vector<8x128xi32>
      %eq3A_721 = arith.cmpi eq, %iota3A_184, %eq3A : vector<8x128xi32>
      %jit3A_722 = arith.constant 0.000000e+00 : f32
      %broadcast_in_dim3A_723 = vector.broadcast %jit3A_722 : f32 to vector<8x128xf32>
      %select_n3A_724 = arith.select %eq3A_721, %get3A_171, %broadcast_in_dim3A_723 : vector<8x128xi1>, vector<8x128xf32>
      %reduce_sum3A = arith.constant dense<0.000000e+00> : vector<8xf32>
      %reduce_sum3A_725 = vector.multi_reduction <add>, %select_n3A_724, %reduce_sum3A [1] : vector<8x128xf32> to vector<8xf32>
      %broadcast_in_dim3A_726 = vector.shape_cast %reduce_sum3A_725 : vector<8xf32> to vector<8x1xf32>
      %eq3A_727 = vector.broadcast %scan3A_720 : i32 to vector<8x128xi32>
      %eq3A_728 = arith.cmpi eq, %iota3A_184, %eq3A_727 : vector<8x128xi32>
      %jit3A_729 = arith.constant 0.000000e+00 : f32
      %broadcast_in_dim3A_730 = vector.broadcast %jit3A_729 : f32 to vector<8x128xf32>
      %select_n3A_731 = arith.select %eq3A_728, %get3A_174, %broadcast_in_dim3A_730 : vector<8x128xi1>, vector<8x128xf32>
      %reduce_sum3A_732 = arith.constant dense<0.000000e+00> : vector<8xf32>
      %reduce_sum3A_733 = vector.multi_reduction <add>, %select_n3A_731, %reduce_sum3A_732 [1] : vector<8x128xf32> to vector<8xf32>
      %broadcast_in_dim3A_734 = vector.shape_cast %reduce_sum3A_733 : vector<8xf32> to vector<8x1xf32>
      %eq3A_735 = vector.broadcast %scan3A_720 : i32 to vector<8x128xi32>
      %eq3A_736 = arith.cmpi eq, %iota3A_184, %eq3A_735 : vector<8x128xi32>
      %jit3A_737 = arith.constant 0.000000e+00 : f32
      %broadcast_in_dim3A_738 = vector.broadcast %jit3A_737 : f32 to vector<8x128xf32>
      %select_n3A_739 = arith.select %eq3A_736, %get3A_177, %broadcast_in_dim3A_738 : vector<8x128xi1>, vector<8x128xf32>
      %reduce_sum3A_740 = arith.constant dense<0.000000e+00> : vector<8xf32>
      %reduce_sum3A_741 = vector.multi_reduction <add>, %select_n3A_739, %reduce_sum3A_740 [1] : vector<8x128xf32> to vector<8xf32>
      %broadcast_in_dim3A_742 = vector.shape_cast %reduce_sum3A_741 : vector<8xf32> to vector<8x1xf32>
      %eq3A_743 = vector.broadcast %scan3A_720 : i32 to vector<8x128xi32>
      %eq3A_744 = arith.cmpi eq, %iota3A_184, %eq3A_743 : vector<8x128xi32>
      %jit3A_745 = arith.constant 0.000000e+00 : f32
      %broadcast_in_dim3A_746 = vector.broadcast %jit3A_745 : f32 to vector<8x128xf32>
      %select_n3A_747 = arith.select %eq3A_744, %get3A_180, %broadcast_in_dim3A_746 : vector<8x128xi1>, vector<8x128xf32>
      %reduce_sum3A_748 = arith.constant dense<0.000000e+00> : vector<8xf32>
      %reduce_sum3A_749 = vector.multi_reduction <add>, %select_n3A_747, %reduce_sum3A_748 [1] : vector<8x128xf32> to vector<8xf32>
      %broadcast_in_dim3A_750 = vector.shape_cast %reduce_sum3A_749 : vector<8xf32> to vector<8x1xf32>
      %eq3A_751 = vector.broadcast %scan3A_720 : i32 to vector<8x128xi32>
      %eq3A_752 = arith.cmpi eq, %iota3A_184, %eq3A_751 : vector<8x128xi32>
      %jit3A_753 = arith.constant 0.000000e+00 : f32
      %broadcast_in_dim3A_754 = vector.broadcast %jit3A_753 : f32 to vector<8x128xf32>
      %select_n3A_755 = arith.select %eq3A_752, %get3A_183, %broadcast_in_dim3A_754 : vector<8x128xi1>, vector<8x128xf32>
      %reduce_sum3A_756 = arith.constant dense<0.000000e+00> : vector<8xf32>
      %reduce_sum3A_757 = vector.multi_reduction <add>, %select_n3A_755, %reduce_sum3A_756 [1] : vector<8x128xf32> to vector<8xf32>
      %broadcast_in_dim3A_758 = vector.shape_cast %reduce_sum3A_757 : vector<8xf32> to vector<8x1xf32>
      %get3A_759 = arith.constant 0 : index
      %get3A_760 = arith.constant 128 : index
      %get3A_761 = vector.load %arg14[%get3A_759, %get3A_760] : memref<8x2048xf32, #tpu.memory_space<vmem>>, vector<8x128xf32>
      %eq3A_762 = vector.broadcast %scan3A_720 : i32 to vector<8x128xi32>
      %eq3A_763 = arith.cmpi eq, %iota3A_184, %eq3A_762 : vector<8x128xi32>
      %jit3A_764 = arith.constant 0.000000e+00 : f32
      %broadcast_in_dim3A_765 = vector.broadcast %jit3A_764 : f32 to vector<8x128xf32>
      %select_n3A_766 = arith.select %eq3A_763, %get3A_761, %broadcast_in_dim3A_765 : vector<8x128xi1>, vector<8x128xf32>
      %reduce_sum3A_767 = arith.constant dense<0.000000e+00> : vector<8xf32>
      %reduce_sum3A_768 = vector.multi_reduction <add>, %select_n3A_766, %reduce_sum3A_767 [1] : vector<8x128xf32> to vector<8xf32>
      %broadcast_in_dim3A_769 = vector.shape_cast %reduce_sum3A_768 : vector<8xf32> to vector<8x1xf32>
      %max3A_770 = vector.broadcast %broadcast_in_dim3A_726 : vector<8x1xf32> to vector<8x1920xf32>
      %max3A_771 = arith.maximumf %max3A_770, %get3A_155 : vector<8x1920xf32>
      %max3A_772 = vector.broadcast %broadcast_in_dim3A_734 : vector<8x1xf32> to vector<8x1920xf32>
      %max3A_773 = arith.maximumf %max3A_772, %get3A_158 : vector<8x1920xf32>
      %min3A_774 = vector.broadcast %broadcast_in_dim3A_742 : vector<8x1xf32> to vector<8x1920xf32>
      %min3A_775 = arith.minimumf %min3A_774, %get3A_161 : vector<8x1920xf32>
      %min3A_776 = vector.broadcast %broadcast_in_dim3A_750 : vector<8x1xf32> to vector<8x1920xf32>
      %min3A_777 = arith.minimumf %min3A_776, %get3A_164 : vector<8x1920xf32>
      %sub3A_778 = arith.subf %min3A_775, %max3A_771 : vector<8x1920xf32>
      %max3A_779 = arith.constant 0.000000e+00 : f32
      %max3A_780 = vector.broadcast %max3A_779 : f32 to vector<8x1920xf32>
      %max3A_781 = arith.maximumf %sub3A_778, %max3A_780 : vector<8x1920xf32>
      %sub3A_782 = arith.subf %min3A_777, %max3A_773 : vector<8x1920xf32>
      %max3A_783 = arith.constant 0.000000e+00 : f32
      %max3A_784 = vector.broadcast %max3A_783 : f32 to vector<8x1920xf32>
      %max3A_785 = arith.maximumf %sub3A_782, %max3A_784 : vector<8x1920xf32>
      %mul3A_786 = arith.mulf %max3A_781, %max3A_785 : vector<8x1920xf32>
      %add3A_787 = vector.broadcast %broadcast_in_dim3A_758 : vector<8x1xf32> to vector<8x1920xf32>
      %add3A_788 = arith.addf %add3A_787, %get3A_167 : vector<8x1920xf32>
      %sub3A_789 = arith.subf %add3A_788, %mul3A_786 : vector<8x1920xf32>
      %max3A_790 = arith.constant 9.99999971E-10 : f32
      %max3A_791 = vector.broadcast %max3A_790 : f32 to vector<8x1920xf32>
      %max3A_792 = arith.maximumf %sub3A_789, %max3A_791 : vector<8x1920xf32>
      %mul3A_793 = arith.constant 0.699999988 : f32
      %mul3A_794 = vector.broadcast %mul3A_793 : f32 to vector<8x1920xf32>
      %mul3A_795 = arith.mulf %mul3A_794, %max3A_792 : vector<8x1920xf32>
      %gt3A_796 = arith.cmpf ogt, %mul3A_786, %mul3A_795 : vector<8x1920xf32>
      %gt3A_797 = vector.broadcast %scan3A_720 : i32 to vector<8x1920xi32>
      %gt3A_798 = arith.cmpi sgt, %iota3A_168, %gt3A_797 : vector<8x1920xi32>
      %and3A_799 = arith.andi %gt3A_796, %gt3A_798 : vector<8x1920xi1>
      %convert_element_type3A_800 = arith.extui %and3A_799 : vector<8x1920xi1> to vector<8x1920xi32>
      %convert_element_type3A_801 = arith.sitofp %convert_element_type3A_800 : vector<8x1920xi32> to vector<8x1920xf32>
      %mul3A_802 = vector.broadcast %broadcast_in_dim3A_769 : vector<8x1xf32> to vector<8x1920xf32>
      %mul3A_803 = arith.mulf %convert_element_type3A_801, %mul3A_802 : vector<8x1920xf32>
      %get3A_804 = arith.constant 0 : index
      %get3A_805 = arith.constant 128 : index
      %get3A_806 = vector.load %arg14[%get3A_804, %get3A_805] : memref<8x2048xf32, #tpu.memory_space<vmem>>, vector<8x1920xf32>
      %sub3A_807 = arith.constant 1.000000e+00 : f32
      %sub3A_808 = vector.broadcast %sub3A_807 : f32 to vector<8x1920xf32>
      %sub3A_809 = arith.subf %sub3A_808, %mul3A_803 : vector<8x1920xf32>
      %mul3A_810 = arith.mulf %get3A_806, %sub3A_809 : vector<8x1920xf32>
      %swap3A_811 = arith.constant 0 : index
      %swap3A_812 = arith.constant 128 : index
      %swap3A_813 = vector.load %arg14[%swap3A_811, %swap3A_812] : memref<8x2048xf32, #tpu.memory_space<vmem>>, vector<8x1920xf32>
      tpu.vector_store %arg14[%swap3A_811, %swap3A_812], %mul3A_810 {strides = array<i32>} : memref<8x2048xf32, #tpu.memory_space<vmem>>, vector<8x1920xf32>,
    }
    %scan3A_189 = arith.constant 128 : i32
    %get3A_190 = arith.constant 0 : index
    %get3A_191 = arith.constant 256 : index
    %get3A_192 = vector.load %arg9[%get3A_190, %get3A_191] : memref<8x2048xf32, #tpu.memory_space<vmem>>, vector<8x1792xf32>
    %get3A_193 = arith.constant 0 : index
    %get3A_194 = arith.constant 256 : index
    %get3A_195 = vector.load %arg10[%get3A_193, %get3A_194] : memref<8x2048xf32, #tpu.memory_space<vmem>>, vector<8x1792xf32>
    %get3A_196 = arith.constant 0 : index
    %get3A_197 = arith.constant 256 : index
    %get3A_198 = vector.load %arg11[%get3A_196, %get3A_197] : memref<8x2048xf32, #tpu.memory_space<vmem>>, vector<8x1792xf32>
    %get3A_199 = arith.constant 0 : index
    %get3A_200 = arith.constant 256 : index
    %get3A_201 = vector.load %arg12[%get3A_199, %get3A_200] : memref<8x2048xf32, #tpu.memory_space<vmem>>, vector<8x1792xf32>
    %get3A_202 = arith.constant 0 : index
    %get3A_203 = arith.constant 256 : index
    %get3A_204 = vector.load %arg15[%get3A_202, %get3A_203] : memref<8x2048xf32, #tpu.memory_space<vmem>>, vector<8x1792xf32>
    %iota3A_205 = tpu.iota {dimensions = array<i32: 1>} : vector<8x1792xi32>
    %get3A_206 = arith.constant 0 : index
    %get3A_207 = arith.constant 256 : index
    %get3A_208 = vector.load %arg9[%get3A_206, %get3A_207] : memref<8x2048xf32, #tpu.memory_space<vmem>>, vector<8x128xf32>
    %get3A_209 = arith.constant 0 : index
    %get3A_210 = arith.constant 256 : index
    %get3A_211 = vector.load %arg10[%get3A_209, %get3A_210] : memref<8x2048xf32, #tpu.memory_space<vmem>>, vector<8x128xf32>
    %get3A_212 = arith.constant 0 : index
    %get3A_213 = arith.constant 256 : index
    %get3A_214 = vector.load %arg11[%get3A_212, %get3A_213] : memref<8x2048xf32, #tpu.memory_space<vmem>>, vector<8x128xf32>
    %get3A_215 = arith.constant 0 : index
    %get3A_216 = arith.constant 256 : index
    %get3A_217 = vector.load %arg12[%get3A_215, %get3A_216] : memref<8x2048xf32, #tpu.memory_space<vmem>>, vector<8x128xf32>
    %get3A_218 = arith.constant 0 : index
    %get3A_219 = arith.constant 256 : index
    %get3A_220 = vector.load %arg15[%get3A_218, %get3A_219] : memref<8x2048xf32, #tpu.memory_space<vmem>>, vector<8x128xf32>
    %iota3A_221 = tpu.iota {dimensions = array<i32: 1>} : vector<8x128xi32>
    %scan3A_222 = arith.constant 0 : i32
    %scan3A_223 = arith.constant 128 : i32
    %scan3A_224 = arith.addi %scan3A_222, %scan3A_223 : i32
    %scan3A_225 = arith.constant 1 : i32
    scf.for %scan3A_720 = %scan3A_222 to %scan3A_224 step %scan3A_225  : i32 {
      %eq3A = vector.broadcast %scan3A_720 : i32 to vector<8x128xi32>
      %eq3A_721 = arith.cmpi eq, %iota3A_221, %eq3A : vector<8x128xi32>
      %jit3A_722 = arith.constant 0.000000e+00 : f32
      %broadcast_in_dim3A_723 = vector.broadcast %jit3A_722 : f32 to vector<8x128xf32>
      %select_n3A_724 = arith.select %eq3A_721, %get3A_208, %broadcast_in_dim3A_723 : vector<8x128xi1>, vector<8x128xf32>
      %reduce_sum3A = arith.constant dense<0.000000e+00> : vector<8xf32>
      %reduce_sum3A_725 = vector.multi_reduction <add>, %select_n3A_724, %reduce_sum3A [1] : vector<8x128xf32> to vector<8xf32>
      %broadcast_in_dim3A_726 = vector.shape_cast %reduce_sum3A_725 : vector<8xf32> to vector<8x1xf32>
      %eq3A_727 = vector.broadcast %scan3A_720 : i32 to vector<8x128xi32>
      %eq3A_728 = arith.cmpi eq, %iota3A_221, %eq3A_727 : vector<8x128xi32>
      %jit3A_729 = arith.constant 0.000000e+00 : f32
      %broadcast_in_dim3A_730 = vector.broadcast %jit3A_729 : f32 to vector<8x128xf32>
      %select_n3A_731 = arith.select %eq3A_728, %get3A_211, %broadcast_in_dim3A_730 : vector<8x128xi1>, vector<8x128xf32>
      %reduce_sum3A_732 = arith.constant dense<0.000000e+00> : vector<8xf32>
      %reduce_sum3A_733 = vector.multi_reduction <add>, %select_n3A_731, %reduce_sum3A_732 [1] : vector<8x128xf32> to vector<8xf32>
      %broadcast_in_dim3A_734 = vector.shape_cast %reduce_sum3A_733 : vector<8xf32> to vector<8x1xf32>
      %eq3A_735 = vector.broadcast %scan3A_720 : i32 to vector<8x128xi32>
      %eq3A_736 = arith.cmpi eq, %iota3A_221, %eq3A_735 : vector<8x128xi32>
      %jit3A_737 = arith.constant 0.000000e+00 : f32
      %broadcast_in_dim3A_738 = vector.broadcast %jit3A_737 : f32 to vector<8x128xf32>
      %select_n3A_739 = arith.select %eq3A_736, %get3A_214, %broadcast_in_dim3A_738 : vector<8x128xi1>, vector<8x128xf32>
      %reduce_sum3A_740 = arith.constant dense<0.000000e+00> : vector<8xf32>
      %reduce_sum3A_741 = vector.multi_reduction <add>, %select_n3A_739, %reduce_sum3A_740 [1] : vector<8x128xf32> to vector<8xf32>
      %broadcast_in_dim3A_742 = vector.shape_cast %reduce_sum3A_741 : vector<8xf32> to vector<8x1xf32>
      %eq3A_743 = vector.broadcast %scan3A_720 : i32 to vector<8x128xi32>
      %eq3A_744 = arith.cmpi eq, %iota3A_221, %eq3A_743 : vector<8x128xi32>
      %jit3A_745 = arith.constant 0.000000e+00 : f32
      %broadcast_in_dim3A_746 = vector.broadcast %jit3A_745 : f32 to vector<8x128xf32>
      %select_n3A_747 = arith.select %eq3A_744, %get3A_217, %broadcast_in_dim3A_746 : vector<8x128xi1>, vector<8x128xf32>
      %reduce_sum3A_748 = arith.constant dense<0.000000e+00> : vector<8xf32>
      %reduce_sum3A_749 = vector.multi_reduction <add>, %select_n3A_747, %reduce_sum3A_748 [1] : vector<8x128xf32> to vector<8xf32>
      %broadcast_in_dim3A_750 = vector.shape_cast %reduce_sum3A_749 : vector<8xf32> to vector<8x1xf32>
      %eq3A_751 = vector.broadcast %scan3A_720 : i32 to vector<8x128xi32>
      %eq3A_752 = arith.cmpi eq, %iota3A_221, %eq3A_751 : vector<8x128xi32>
      %jit3A_753 = arith.constant 0.000000e+00 : f32
      %broadcast_in_dim3A_754 = vector.broadcast %jit3A_753 : f32 to vector<8x128xf32>
      %select_n3A_755 = arith.select %eq3A_752, %get3A_220, %broadcast_in_dim3A_754 : vector<8x128xi1>, vector<8x128xf32>
      %reduce_sum3A_756 = arith.constant dense<0.000000e+00> : vector<8xf32>
      %reduce_sum3A_757 = vector.multi_reduction <add>, %select_n3A_755, %reduce_sum3A_756 [1] : vector<8x128xf32> to vector<8xf32>
      %broadcast_in_dim3A_758 = vector.shape_cast %reduce_sum3A_757 : vector<8xf32> to vector<8x1xf32>
      %get3A_759 = arith.constant 0 : index
      %get3A_760 = arith.constant 256 : index
      %get3A_761 = vector.load %arg14[%get3A_759, %get3A_760] : memref<8x2048xf32, #tpu.memory_space<vmem>>, vector<8x128xf32>
      %eq3A_762 = vector.broadcast %scan3A_720 : i32 to vector<8x128xi32>
      %eq3A_763 = arith.cmpi eq, %iota3A_221, %eq3A_762 : vector<8x128xi32>
      %jit3A_764 = arith.constant 0.000000e+00 : f32
      %broadcast_in_dim3A_765 = vector.broadcast %jit3A_764 : f32 to vector<8x128xf32>
      %select_n3A_766 = arith.select %eq3A_763, %get3A_761, %broadcast_in_dim3A_765 : vector<8x128xi1>, vector<8x128xf32>
      %reduce_sum3A_767 = arith.constant dense<0.000000e+00> : vector<8xf32>
      %reduce_sum3A_768 = vector.multi_reduction <add>, %select_n3A_766, %reduce_sum3A_767 [1] : vector<8x128xf32> to vector<8xf32>
      %broadcast_in_dim3A_769 = vector.shape_cast %reduce_sum3A_768 : vector<8xf32> to vector<8x1xf32>
      %max3A_770 = vector.broadcast %broadcast_in_dim3A_726 : vector<8x1xf32> to vector<8x1792xf32>
      %max3A_771 = arith.maximumf %max3A_770, %get3A_192 : vector<8x1792xf32>
      %max3A_772 = vector.broadcast %broadcast_in_dim3A_734 : vector<8x1xf32> to vector<8x1792xf32>
      %max3A_773 = arith.maximumf %max3A_772, %get3A_195 : vector<8x1792xf32>
      %min3A_774 = vector.broadcast %broadcast_in_dim3A_742 : vector<8x1xf32> to vector<8x1792xf32>
      %min3A_775 = arith.minimumf %min3A_774, %get3A_198 : vector<8x1792xf32>
      %min3A_776 = vector.broadcast %broadcast_in_dim3A_750 : vector<8x1xf32> to vector<8x1792xf32>
      %min3A_777 = arith.minimumf %min3A_776, %get3A_201 : vector<8x1792xf32>
      %sub3A_778 = arith.subf %min3A_775, %max3A_771 : vector<8x1792xf32>
      %max3A_779 = arith.constant 0.000000e+00 : f32
      %max3A_780 = vector.broadcast %max3A_779 : f32 to vector<8x1792xf32>
      %max3A_781 = arith.maximumf %sub3A_778, %max3A_780 : vector<8x1792xf32>
      %sub3A_782 = arith.subf %min3A_777, %max3A_773 : vector<8x1792xf32>
      %max3A_783 = arith.constant 0.000000e+00 : f32
      %max3A_784 = vector.broadcast %max3A_783 : f32 to vector<8x1792xf32>
      %max3A_785 = arith.maximumf %sub3A_782, %max3A_784 : vector<8x1792xf32>
      %mul3A_786 = arith.mulf %max3A_781, %max3A_785 : vector<8x1792xf32>
      %add3A_787 = vector.broadcast %broadcast_in_dim3A_758 : vector<8x1xf32> to vector<8x1792xf32>
      %add3A_788 = arith.addf %add3A_787, %get3A_204 : vector<8x1792xf32>
      %sub3A_789 = arith.subf %add3A_788, %mul3A_786 : vector<8x1792xf32>
      %max3A_790 = arith.constant 9.99999971E-10 : f32
      %max3A_791 = vector.broadcast %max3A_790 : f32 to vector<8x1792xf32>
      %max3A_792 = arith.maximumf %sub3A_789, %max3A_791 : vector<8x1792xf32>
      %mul3A_793 = arith.constant 0.699999988 : f32
      %mul3A_794 = vector.broadcast %mul3A_793 : f32 to vector<8x1792xf32>
      %mul3A_795 = arith.mulf %mul3A_794, %max3A_792 : vector<8x1792xf32>
      %gt3A_796 = arith.cmpf ogt, %mul3A_786, %mul3A_795 : vector<8x1792xf32>
      %gt3A_797 = vector.broadcast %scan3A_720 : i32 to vector<8x1792xi32>
      %gt3A_798 = arith.cmpi sgt, %iota3A_205, %gt3A_797 : vector<8x1792xi32>
      %and3A_799 = arith.andi %gt3A_796, %gt3A_798 : vector<8x1792xi1>
      %convert_element_type3A_800 = arith.extui %and3A_799 : vector<8x1792xi1> to vector<8x1792xi32>
      %convert_element_type3A_801 = arith.sitofp %convert_element_type3A_800 : vector<8x1792xi32> to vector<8x1792xf32>
      %mul3A_802 = vector.broadcast %broadcast_in_dim3A_769 : vector<8x1xf32> to vector<8x1792xf32>
      %mul3A_803 = arith.mulf %convert_element_type3A_801, %mul3A_802 : vector<8x1792xf32>
      %get3A_804 = arith.constant 0 : index
      %get3A_805 = arith.constant 256 : index
      %get3A_806 = vector.load %arg14[%get3A_804, %get3A_805] : memref<8x2048xf32, #tpu.memory_space<vmem>>, vector<8x1792xf32>
      %sub3A_807 = arith.constant 1.000000e+00 : f32
      %sub3A_808 = vector.broadcast %sub3A_807 : f32 to vector<8x1792xf32>
      %sub3A_809 = arith.subf %sub3A_808, %mul3A_803 : vector<8x1792xf32>
      %mul3A_810 = arith.mulf %get3A_806, %sub3A_809 : vector<8x1792xf32>
      %swap3A_811 = arith.constant 0 : index
      %swap3A_812 = arith.constant 256 : index
      %swap3A_813 = vector.load %arg14[%swap3A_811, %swap3A_812] : memref<8x2048xf32, #tpu.memory_space<vmem>>, vector<8x1792xf32>
      tpu.vector_store %arg14[%swap3A_811, %swap3A_812], %mul3A_810 {strides = array<i32>} : memref<8x2048xf32, #tpu.memory_space<vmem>>, vector<8x1792xf32>,
    }
    %scan3A_226 = arith.constant 128 : i32
    %get3A_227 = arith.constant 0 : index
    %get3A_228 = arith.constant 384 : index
    %get3A_229 = vector.load %arg9[%get3A_227, %get3A_228] : memref<8x2048xf32, #tpu.memory_space<vmem>>, vector<8x1664xf32>
    %get3A_230 = arith.constant 0 : index
    %get3A_231 = arith.constant 384 : index
    %get3A_232 = vector.load %arg10[%get3A_230, %get3A_231] : memref<8x2048xf32, #tpu.memory_space<vmem>>, vector<8x1664xf32>
    %get3A_233 = arith.constant 0 : index
    %get3A_234 = arith.constant 384 : index
    %get3A_235 = vector.load %arg11[%get3A_233, %get3A_234] : memref<8x2048xf32, #tpu.memory_space<vmem>>, vector<8x1664xf32>
    %get3A_236 = arith.constant 0 : index
    %get3A_237 = arith.constant 384 : index
    %get3A_238 = vector.load %arg12[%get3A_236, %get3A_237] : memref<8x2048xf32, #tpu.memory_space<vmem>>, vector<8x1664xf32>
    %get3A_239 = arith.constant 0 : index
    %get3A_240 = arith.constant 384 : index
    %get3A_241 = vector.load %arg15[%get3A_239, %get3A_240] : memref<8x2048xf32, #tpu.memory_space<vmem>>, vector<8x1664xf32>
    %iota3A_242 = tpu.iota {dimensions = array<i32: 1>} : vector<8x1664xi32>
    %get3A_243 = arith.constant 0 : index
    %get3A_244 = arith.constant 384 : index
    %get3A_245 = vector.load %arg9[%get3A_243, %get3A_244] : memref<8x2048xf32, #tpu.memory_space<vmem>>, vector<8x128xf32>
    %get3A_246 = arith.constant 0 : index
    %get3A_247 = arith.constant 384 : index
    %get3A_248 = vector.load %arg10[%get3A_246, %get3A_247] : memref<8x2048xf32, #tpu.memory_space<vmem>>, vector<8x128xf32>
    %get3A_249 = arith.constant 0 : index
    %get3A_250 = arith.constant 384 : index
    %get3A_251 = vector.load %arg11[%get3A_249, %get3A_250] : memref<8x2048xf32, #tpu.memory_space<vmem>>, vector<8x128xf32>
    %get3A_252 = arith.constant 0 : index
    %get3A_253 = arith.constant 384 : index
    %get3A_254 = vector.load %arg12[%get3A_252, %get3A_253] : memref<8x2048xf32, #tpu.memory_space<vmem>>, vector<8x128xf32>
    %get3A_255 = arith.constant 0 : index
    %get3A_256 = arith.constant 384 : index
    %get3A_257 = vector.load %arg15[%get3A_255, %get3A_256] : memref<8x2048xf32, #tpu.memory_space<vmem>>, vector<8x128xf32>
    %iota3A_258 = tpu.iota {dimensions = array<i32: 1>} : vector<8x128xi32>
    %scan3A_259 = arith.constant 0 : i32
    %scan3A_260 = arith.constant 128 : i32
    %scan3A_261 = arith.addi %scan3A_259, %scan3A_260 : i32
    %scan3A_262 = arith.constant 1 : i32
    scf.for %scan3A_720 = %scan3A_259 to %scan3A_261 step %scan3A_262  : i32 {
      %eq3A = vector.broadcast %scan3A_720 : i32 to vector<8x128xi32>
      %eq3A_721 = arith.cmpi eq, %iota3A_258, %eq3A : vector<8x128xi32>
      %jit3A_722 = arith.constant 0.000000e+00 : f32
      %broadcast_in_dim3A_723 = vector.broadcast %jit3A_722 : f32 to vector<8x128xf32>
      %select_n3A_724 = arith.select %eq3A_721, %get3A_245, %broadcast_in_dim3A_723 : vector<8x128xi1>, vector<8x128xf32>
      %reduce_sum3A = arith.constant dense<0.000000e+00> : vector<8xf32>
      %reduce_sum3A_725 = vector.multi_reduction <add>, %select_n3A_724, %reduce_sum3A [1] : vector<8x128xf32> to vector<8xf32>
      %broadcast_in_dim3A_726 = vector.shape_cast %reduce_sum3A_725 : vector<8xf32> to vector<8x1xf32>
      %eq3A_727 = vector.broadcast %scan3A_720 : i32 to vector<8x128xi32>
      %eq3A_728 = arith.cmpi eq, %iota3A_258, %eq3A_727 : vector<8x128xi32>
      %jit3A_729 = arith.constant 0.000000e+00 : f32
      %broadcast_in_dim3A_730 = vector.broadcast %jit3A_729 : f32 to vector<8x128xf32>
      %select_n3A_731 = arith.select %eq3A_728, %get3A_248, %broadcast_in_dim3A_730 : vector<8x128xi1>, vector<8x128xf32>
      %reduce_sum3A_732 = arith.constant dense<0.000000e+00> : vector<8xf32>
      %reduce_sum3A_733 = vector.multi_reduction <add>, %select_n3A_731, %reduce_sum3A_732 [1] : vector<8x128xf32> to vector<8xf32>
      %broadcast_in_dim3A_734 = vector.shape_cast %reduce_sum3A_733 : vector<8xf32> to vector<8x1xf32>
      %eq3A_735 = vector.broadcast %scan3A_720 : i32 to vector<8x128xi32>
      %eq3A_736 = arith.cmpi eq, %iota3A_258, %eq3A_735 : vector<8x128xi32>
      %jit3A_737 = arith.constant 0.000000e+00 : f32
      %broadcast_in_dim3A_738 = vector.broadcast %jit3A_737 : f32 to vector<8x128xf32>
      %select_n3A_739 = arith.select %eq3A_736, %get3A_251, %broadcast_in_dim3A_738 : vector<8x128xi1>, vector<8x128xf32>
      %reduce_sum3A_740 = arith.constant dense<0.000000e+00> : vector<8xf32>
      %reduce_sum3A_741 = vector.multi_reduction <add>, %select_n3A_739, %reduce_sum3A_740 [1] : vector<8x128xf32> to vector<8xf32>
      %broadcast_in_dim3A_742 = vector.shape_cast %reduce_sum3A_741 : vector<8xf32> to vector<8x1xf32>
      %eq3A_743 = vector.broadcast %scan3A_720 : i32 to vector<8x128xi32>
      %eq3A_744 = arith.cmpi eq, %iota3A_258, %eq3A_743 : vector<8x128xi32>
      %jit3A_745 = arith.constant 0.000000e+00 : f32
      %broadcast_in_dim3A_746 = vector.broadcast %jit3A_745 : f32 to vector<8x128xf32>
      %select_n3A_747 = arith.select %eq3A_744, %get3A_254, %broadcast_in_dim3A_746 : vector<8x128xi1>, vector<8x128xf32>
      %reduce_sum3A_748 = arith.constant dense<0.000000e+00> : vector<8xf32>
      %reduce_sum3A_749 = vector.multi_reduction <add>, %select_n3A_747, %reduce_sum3A_748 [1] : vector<8x128xf32> to vector<8xf32>
      %broadcast_in_dim3A_750 = vector.shape_cast %reduce_sum3A_749 : vector<8xf32> to vector<8x1xf32>
      %eq3A_751 = vector.broadcast %scan3A_720 : i32 to vector<8x128xi32>
      %eq3A_752 = arith.cmpi eq, %iota3A_258, %eq3A_751 : vector<8x128xi32>
      %jit3A_753 = arith.constant 0.000000e+00 : f32
      %broadcast_in_dim3A_754 = vector.broadcast %jit3A_753 : f32 to vector<8x128xf32>
      %select_n3A_755 = arith.select %eq3A_752, %get3A_257, %broadcast_in_dim3A_754 : vector<8x128xi1>, vector<8x128xf32>
      %reduce_sum3A_756 = arith.constant dense<0.000000e+00> : vector<8xf32>
      %reduce_sum3A_757 = vector.multi_reduction <add>, %select_n3A_755, %reduce_sum3A_756 [1] : vector<8x128xf32> to vector<8xf32>
      %broadcast_in_dim3A_758 = vector.shape_cast %reduce_sum3A_757 : vector<8xf32> to vector<8x1xf32>
      %get3A_759 = arith.constant 0 : index
      %get3A_760 = arith.constant 384 : index
      %get3A_761 = vector.load %arg14[%get3A_759, %get3A_760] : memref<8x2048xf32, #tpu.memory_space<vmem>>, vector<8x128xf32>
      %eq3A_762 = vector.broadcast %scan3A_720 : i32 to vector<8x128xi32>
      %eq3A_763 = arith.cmpi eq, %iota3A_258, %eq3A_762 : vector<8x128xi32>
      %jit3A_764 = arith.constant 0.000000e+00 : f32
      %broadcast_in_dim3A_765 = vector.broadcast %jit3A_764 : f32 to vector<8x128xf32>
      %select_n3A_766 = arith.select %eq3A_763, %get3A_761, %broadcast_in_dim3A_765 : vector<8x128xi1>, vector<8x128xf32>
      %reduce_sum3A_767 = arith.constant dense<0.000000e+00> : vector<8xf32>
      %reduce_sum3A_768 = vector.multi_reduction <add>, %select_n3A_766, %reduce_sum3A_767 [1] : vector<8x128xf32> to vector<8xf32>
      %broadcast_in_dim3A_769 = vector.shape_cast %reduce_sum3A_768 : vector<8xf32> to vector<8x1xf32>
      %max3A_770 = vector.broadcast %broadcast_in_dim3A_726 : vector<8x1xf32> to vector<8x1664xf32>
      %max3A_771 = arith.maximumf %max3A_770, %get3A_229 : vector<8x1664xf32>
      %max3A_772 = vector.broadcast %broadcast_in_dim3A_734 : vector<8x1xf32> to vector<8x1664xf32>
      %max3A_773 = arith.maximumf %max3A_772, %get3A_232 : vector<8x1664xf32>
      %min3A_774 = vector.broadcast %broadcast_in_dim3A_742 : vector<8x1xf32> to vector<8x1664xf32>
      %min3A_775 = arith.minimumf %min3A_774, %get3A_235 : vector<8x1664xf32>
      %min3A_776 = vector.broadcast %broadcast_in_dim3A_750 : vector<8x1xf32> to vector<8x1664xf32>
      %min3A_777 = arith.minimumf %min3A_776, %get3A_238 : vector<8x1664xf32>
      %sub3A_778 = arith.subf %min3A_775, %max3A_771 : vector<8x1664xf32>
      %max3A_779 = arith.constant 0.000000e+00 : f32
      %max3A_780 = vector.broadcast %max3A_779 : f32 to vector<8x1664xf32>
      %max3A_781 = arith.maximumf %sub3A_778, %max3A_780 : vector<8x1664xf32>
      %sub3A_782 = arith.subf %min3A_777, %max3A_773 : vector<8x1664xf32>
      %max3A_783 = arith.constant 0.000000e+00 : f32
      %max3A_784 = vector.broadcast %max3A_783 : f32 to vector<8x1664xf32>
      %max3A_785 = arith.maximumf %sub3A_782, %max3A_784 : vector<8x1664xf32>
      %mul3A_786 = arith.mulf %max3A_781, %max3A_785 : vector<8x1664xf32>
      %add3A_787 = vector.broadcast %broadcast_in_dim3A_758 : vector<8x1xf32> to vector<8x1664xf32>
      %add3A_788 = arith.addf %add3A_787, %get3A_241 : vector<8x1664xf32>
      %sub3A_789 = arith.subf %add3A_788, %mul3A_786 : vector<8x1664xf32>
      %max3A_790 = arith.constant 9.99999971E-10 : f32
      %max3A_791 = vector.broadcast %max3A_790 : f32 to vector<8x1664xf32>
      %max3A_792 = arith.maximumf %sub3A_789, %max3A_791 : vector<8x1664xf32>
      %mul3A_793 = arith.constant 0.699999988 : f32
      %mul3A_794 = vector.broadcast %mul3A_793 : f32 to vector<8x1664xf32>
      %mul3A_795 = arith.mulf %mul3A_794, %max3A_792 : vector<8x1664xf32>
      %gt3A_796 = arith.cmpf ogt, %mul3A_786, %mul3A_795 : vector<8x1664xf32>
      %gt3A_797 = vector.broadcast %scan3A_720 : i32 to vector<8x1664xi32>
      %gt3A_798 = arith.cmpi sgt, %iota3A_242, %gt3A_797 : vector<8x1664xi32>
      %and3A_799 = arith.andi %gt3A_796, %gt3A_798 : vector<8x1664xi1>
      %convert_element_type3A_800 = arith.extui %and3A_799 : vector<8x1664xi1> to vector<8x1664xi32>
      %convert_element_type3A_801 = arith.sitofp %convert_element_type3A_800 : vector<8x1664xi32> to vector<8x1664xf32>
      %mul3A_802 = vector.broadcast %broadcast_in_dim3A_769 : vector<8x1xf32> to vector<8x1664xf32>
      %mul3A_803 = arith.mulf %convert_element_type3A_801, %mul3A_802 : vector<8x1664xf32>
      %get3A_804 = arith.constant 0 : index
      %get3A_805 = arith.constant 384 : index
      %get3A_806 = vector.load %arg14[%get3A_804, %get3A_805] : memref<8x2048xf32, #tpu.memory_space<vmem>>, vector<8x1664xf32>
      %sub3A_807 = arith.constant 1.000000e+00 : f32
      %sub3A_808 = vector.broadcast %sub3A_807 : f32 to vector<8x1664xf32>
      %sub3A_809 = arith.subf %sub3A_808, %mul3A_803 : vector<8x1664xf32>
      %mul3A_810 = arith.mulf %get3A_806, %sub3A_809 : vector<8x1664xf32>
      %swap3A_811 = arith.constant 0 : index
      %swap3A_812 = arith.constant 384 : index
      %swap3A_813 = vector.load %arg14[%swap3A_811, %swap3A_812] : memref<8x2048xf32, #tpu.memory_space<vmem>>, vector<8x1664xf32>
      tpu.vector_store %arg14[%swap3A_811, %swap3A_812], %mul3A_810 {strides = array<i32>} : memref<8x2048xf32, #tpu.memory_space<vmem>>, vector<8x1664xf32>,
    }
    %scan3A_263 = arith.constant 128 : i32
    %get3A_264 = arith.constant 0 : index
    %get3A_265 = arith.constant 512 : index
    %get3A_266 = vector.load %arg9[%get3A_264, %get3A_265] : memref<8x2048xf32, #tpu.memory_space<vmem>>, vector<8x1536xf32>
    %get3A_267 = arith.constant 0 : index
    %get3A_268 = arith.constant 512 : index
    %get3A_269 = vector.load %arg10[%get3A_267, %get3A_268] : memref<8x2048xf32, #tpu.memory_space<vmem>>, vector<8x1536xf32>
    %get3A_270 = arith.constant 0 : index
    %get3A_271 = arith.constant 512 : index
    %get3A_272 = vector.load %arg11[%get3A_270, %get3A_271] : memref<8x2048xf32, #tpu.memory_space<vmem>>, vector<8x1536xf32>
    %get3A_273 = arith.constant 0 : index
    %get3A_274 = arith.constant 512 : index
    %get3A_275 = vector.load %arg12[%get3A_273, %get3A_274] : memref<8x2048xf32, #tpu.memory_space<vmem>>, vector<8x1536xf32>
    %get3A_276 = arith.constant 0 : index
    %get3A_277 = arith.constant 512 : index
    %get3A_278 = vector.load %arg15[%get3A_276, %get3A_277] : memref<8x2048xf32, #tpu.memory_space<vmem>>, vector<8x1536xf32>
    %iota3A_279 = tpu.iota {dimensions = array<i32: 1>} : vector<8x1536xi32>
    %get3A_280 = arith.constant 0 : index
    %get3A_281 = arith.constant 512 : index
    %get3A_282 = vector.load %arg9[%get3A_280, %get3A_281] : memref<8x2048xf32, #tpu.memory_space<vmem>>, vector<8x128xf32>
    %get3A_283 = arith.constant 0 : index
    %get3A_284 = arith.constant 512 : index
    %get3A_285 = vector.load %arg10[%get3A_283, %get3A_284] : memref<8x2048xf32, #tpu.memory_space<vmem>>, vector<8x128xf32>
    %get3A_286 = arith.constant 0 : index
    %get3A_287 = arith.constant 512 : index
    %get3A_288 = vector.load %arg11[%get3A_286, %get3A_287] : memref<8x2048xf32, #tpu.memory_space<vmem>>, vector<8x128xf32>
    %get3A_289 = arith.constant 0 : index
    %get3A_290 = arith.constant 512 : index
    %get3A_291 = vector.load %arg12[%get3A_289, %get3A_290] : memref<8x2048xf32, #tpu.memory_space<vmem>>, vector<8x128xf32>
    %get3A_292 = arith.constant 0 : index
    %get3A_293 = arith.constant 512 : index
    %get3A_294 = vector.load %arg15[%get3A_292, %get3A_293] : memref<8x2048xf32, #tpu.memory_space<vmem>>, vector<8x128xf32>
    %iota3A_295 = tpu.iota {dimensions = array<i32: 1>} : vector<8x128xi32>
    %scan3A_296 = arith.constant 0 : i32
    %scan3A_297 = arith.constant 128 : i32
    %scan3A_298 = arith.addi %scan3A_296, %scan3A_297 : i32
    %scan3A_299 = arith.constant 1 : i32
    scf.for %scan3A_720 = %scan3A_296 to %scan3A_298 step %scan3A_299  : i32 {
      %eq3A = vector.broadcast %scan3A_720 : i32 to vector<8x128xi32>
      %eq3A_721 = arith.cmpi eq, %iota3A_295, %eq3A : vector<8x128xi32>
      %jit3A_722 = arith.constant 0.000000e+00 : f32
      %broadcast_in_dim3A_723 = vector.broadcast %jit3A_722 : f32 to vector<8x128xf32>
      %select_n3A_724 = arith.select %eq3A_721, %get3A_282, %broadcast_in_dim3A_723 : vector<8x128xi1>, vector<8x128xf32>
      %reduce_sum3A = arith.constant dense<0.000000e+00> : vector<8xf32>
      %reduce_sum3A_725 = vector.multi_reduction <add>, %select_n3A_724, %reduce_sum3A [1] : vector<8x128xf32> to vector<8xf32>
      %broadcast_in_dim3A_726 = vector.shape_cast %reduce_sum3A_725 : vector<8xf32> to vector<8x1xf32>
      %eq3A_727 = vector.broadcast %scan3A_720 : i32 to vector<8x128xi32>
      %eq3A_728 = arith.cmpi eq, %iota3A_295, %eq3A_727 : vector<8x128xi32>
      %jit3A_729 = arith.constant 0.000000e+00 : f32
      %broadcast_in_dim3A_730 = vector.broadcast %jit3A_729 : f32 to vector<8x128xf32>
      %select_n3A_731 = arith.select %eq3A_728, %get3A_285, %broadcast_in_dim3A_730 : vector<8x128xi1>, vector<8x128xf32>
      %reduce_sum3A_732 = arith.constant dense<0.000000e+00> : vector<8xf32>
      %reduce_sum3A_733 = vector.multi_reduction <add>, %select_n3A_731, %reduce_sum3A_732 [1] : vector<8x128xf32> to vector<8xf32>
      %broadcast_in_dim3A_734 = vector.shape_cast %reduce_sum3A_733 : vector<8xf32> to vector<8x1xf32>
      %eq3A_735 = vector.broadcast %scan3A_720 : i32 to vector<8x128xi32>
      %eq3A_736 = arith.cmpi eq, %iota3A_295, %eq3A_735 : vector<8x128xi32>
      %jit3A_737 = arith.constant 0.000000e+00 : f32
      %broadcast_in_dim3A_738 = vector.broadcast %jit3A_737 : f32 to vector<8x128xf32>
      %select_n3A_739 = arith.select %eq3A_736, %get3A_288, %broadcast_in_dim3A_738 : vector<8x128xi1>, vector<8x128xf32>
      %reduce_sum3A_740 = arith.constant dense<0.000000e+00> : vector<8xf32>
      %reduce_sum3A_741 = vector.multi_reduction <add>, %select_n3A_739, %reduce_sum3A_740 [1] : vector<8x128xf32> to vector<8xf32>
      %broadcast_in_dim3A_742 = vector.shape_cast %reduce_sum3A_741 : vector<8xf32> to vector<8x1xf32>
      %eq3A_743 = vector.broadcast %scan3A_720 : i32 to vector<8x128xi32>
      %eq3A_744 = arith.cmpi eq, %iota3A_295, %eq3A_743 : vector<8x128xi32>
      %jit3A_745 = arith.constant 0.000000e+00 : f32
      %broadcast_in_dim3A_746 = vector.broadcast %jit3A_745 : f32 to vector<8x128xf32>
      %select_n3A_747 = arith.select %eq3A_744, %get3A_291, %broadcast_in_dim3A_746 : vector<8x128xi1>, vector<8x128xf32>
      %reduce_sum3A_748 = arith.constant dense<0.000000e+00> : vector<8xf32>
      %reduce_sum3A_749 = vector.multi_reduction <add>, %select_n3A_747, %reduce_sum3A_748 [1] : vector<8x128xf32> to vector<8xf32>
      %broadcast_in_dim3A_750 = vector.shape_cast %reduce_sum3A_749 : vector<8xf32> to vector<8x1xf32>
      %eq3A_751 = vector.broadcast %scan3A_720 : i32 to vector<8x128xi32>
      %eq3A_752 = arith.cmpi eq, %iota3A_295, %eq3A_751 : vector<8x128xi32>
      %jit3A_753 = arith.constant 0.000000e+00 : f32
      %broadcast_in_dim3A_754 = vector.broadcast %jit3A_753 : f32 to vector<8x128xf32>
      %select_n3A_755 = arith.select %eq3A_752, %get3A_294, %broadcast_in_dim3A_754 : vector<8x128xi1>, vector<8x128xf32>
      %reduce_sum3A_756 = arith.constant dense<0.000000e+00> : vector<8xf32>
      %reduce_sum3A_757 = vector.multi_reduction <add>, %select_n3A_755, %reduce_sum3A_756 [1] : vector<8x128xf32> to vector<8xf32>
      %broadcast_in_dim3A_758 = vector.shape_cast %reduce_sum3A_757 : vector<8xf32> to vector<8x1xf32>
      %get3A_759 = arith.constant 0 : index
      %get3A_760 = arith.constant 512 : index
      %get3A_761 = vector.load %arg14[%get3A_759, %get3A_760] : memref<8x2048xf32, #tpu.memory_space<vmem>>, vector<8x128xf32>
      %eq3A_762 = vector.broadcast %scan3A_720 : i32 to vector<8x128xi32>
      %eq3A_763 = arith.cmpi eq, %iota3A_295, %eq3A_762 : vector<8x128xi32>
      %jit3A_764 = arith.constant 0.000000e+00 : f32
      %broadcast_in_dim3A_765 = vector.broadcast %jit3A_764 : f32 to vector<8x128xf32>
      %select_n3A_766 = arith.select %eq3A_763, %get3A_761, %broadcast_in_dim3A_765 : vector<8x128xi1>, vector<8x128xf32>
      %reduce_sum3A_767 = arith.constant dense<0.000000e+00> : vector<8xf32>
      %reduce_sum3A_768 = vector.multi_reduction <add>, %select_n3A_766, %reduce_sum3A_767 [1] : vector<8x128xf32> to vector<8xf32>
      %broadcast_in_dim3A_769 = vector.shape_cast %reduce_sum3A_768 : vector<8xf32> to vector<8x1xf32>
      %max3A_770 = vector.broadcast %broadcast_in_dim3A_726 : vector<8x1xf32> to vector<8x1536xf32>
      %max3A_771 = arith.maximumf %max3A_770, %get3A_266 : vector<8x1536xf32>
      %max3A_772 = vector.broadcast %broadcast_in_dim3A_734 : vector<8x1xf32> to vector<8x1536xf32>
      %max3A_773 = arith.maximumf %max3A_772, %get3A_269 : vector<8x1536xf32>
      %min3A_774 = vector.broadcast %broadcast_in_dim3A_742 : vector<8x1xf32> to vector<8x1536xf32>
      %min3A_775 = arith.minimumf %min3A_774, %get3A_272 : vector<8x1536xf32>
      %min3A_776 = vector.broadcast %broadcast_in_dim3A_750 : vector<8x1xf32> to vector<8x1536xf32>
      %min3A_777 = arith.minimumf %min3A_776, %get3A_275 : vector<8x1536xf32>
      %sub3A_778 = arith.subf %min3A_775, %max3A_771 : vector<8x1536xf32>
      %max3A_779 = arith.constant 0.000000e+00 : f32
      %max3A_780 = vector.broadcast %max3A_779 : f32 to vector<8x1536xf32>
      %max3A_781 = arith.maximumf %sub3A_778, %max3A_780 : vector<8x1536xf32>
      %sub3A_782 = arith.subf %min3A_777, %max3A_773 : vector<8x1536xf32>
      %max3A_783 = arith.constant 0.000000e+00 : f32
      %max3A_784 = vector.broadcast %max3A_783 : f32 to vector<8x1536xf32>
      %max3A_785 = arith.maximumf %sub3A_782, %max3A_784 : vector<8x1536xf32>
      %mul3A_786 = arith.mulf %max3A_781, %max3A_785 : vector<8x1536xf32>
      %add3A_787 = vector.broadcast %broadcast_in_dim3A_758 : vector<8x1xf32> to vector<8x1536xf32>
      %add3A_788 = arith.addf %add3A_787, %get3A_278 : vector<8x1536xf32>
      %sub3A_789 = arith.subf %add3A_788, %mul3A_786 : vector<8x1536xf32>
      %max3A_790 = arith.constant 9.99999971E-10 : f32
      %max3A_791 = vector.broadcast %max3A_790 : f32 to vector<8x1536xf32>
      %max3A_792 = arith.maximumf %sub3A_789, %max3A_791 : vector<8x1536xf32>
      %mul3A_793 = arith.constant 0.699999988 : f32
      %mul3A_794 = vector.broadcast %mul3A_793 : f32 to vector<8x1536xf32>
      %mul3A_795 = arith.mulf %mul3A_794, %max3A_792 : vector<8x1536xf32>
      %gt3A_796 = arith.cmpf ogt, %mul3A_786, %mul3A_795 : vector<8x1536xf32>
      %gt3A_797 = vector.broadcast %scan3A_720 : i32 to vector<8x1536xi32>
      %gt3A_798 = arith.cmpi sgt, %iota3A_279, %gt3A_797 : vector<8x1536xi32>
      %and3A_799 = arith.andi %gt3A_796, %gt3A_798 : vector<8x1536xi1>
      %convert_element_type3A_800 = arith.extui %and3A_799 : vector<8x1536xi1> to vector<8x1536xi32>
      %convert_element_type3A_801 = arith.sitofp %convert_element_type3A_800 : vector<8x1536xi32> to vector<8x1536xf32>
      %mul3A_802 = vector.broadcast %broadcast_in_dim3A_769 : vector<8x1xf32> to vector<8x1536xf32>
      %mul3A_803 = arith.mulf %convert_element_type3A_801, %mul3A_802 : vector<8x1536xf32>
      %get3A_804 = arith.constant 0 : index
      %get3A_805 = arith.constant 512 : index
      %get3A_806 = vector.load %arg14[%get3A_804, %get3A_805] : memref<8x2048xf32, #tpu.memory_space<vmem>>, vector<8x1536xf32>
      %sub3A_807 = arith.constant 1.000000e+00 : f32
      %sub3A_808 = vector.broadcast %sub3A_807 : f32 to vector<8x1536xf32>
      %sub3A_809 = arith.subf %sub3A_808, %mul3A_803 : vector<8x1536xf32>
      %mul3A_810 = arith.mulf %get3A_806, %sub3A_809 : vector<8x1536xf32>
      %swap3A_811 = arith.constant 0 : index
      %swap3A_812 = arith.constant 512 : index
      %swap3A_813 = vector.load %arg14[%swap3A_811, %swap3A_812] : memref<8x2048xf32, #tpu.memory_space<vmem>>, vector<8x1536xf32>
      tpu.vector_store %arg14[%swap3A_811, %swap3A_812], %mul3A_810 {strides = array<i32>} : memref<8x2048xf32, #tpu.memory_space<vmem>>, vector<8x1536xf32>,
    }
    %scan3A_300 = arith.constant 128 : i32
    %get3A_301 = arith.constant 0 : index
    %get3A_302 = arith.constant 640 : index
    %get3A_303 = vector.load %arg9[%get3A_301, %get3A_302] : memref<8x2048xf32, #tpu.memory_space<vmem>>, vector<8x1408xf32>
    %get3A_304 = arith.constant 0 : index
    %get3A_305 = arith.constant 640 : index
    %get3A_306 = vector.load %arg10[%get3A_304, %get3A_305] : memref<8x2048xf32, #tpu.memory_space<vmem>>, vector<8x1408xf32>
    %get3A_307 = arith.constant 0 : index
    %get3A_308 = arith.constant 640 : index
    %get3A_309 = vector.load %arg11[%get3A_307, %get3A_308] : memref<8x2048xf32, #tpu.memory_space<vmem>>, vector<8x1408xf32>
    %get3A_310 = arith.constant 0 : index
    %get3A_311 = arith.constant 640 : index
    %get3A_312 = vector.load %arg12[%get3A_310, %get3A_311] : memref<8x2048xf32, #tpu.memory_space<vmem>>, vector<8x1408xf32>
    %get3A_313 = arith.constant 0 : index
    %get3A_314 = arith.constant 640 : index
    %get3A_315 = vector.load %arg15[%get3A_313, %get3A_314] : memref<8x2048xf32, #tpu.memory_space<vmem>>, vector<8x1408xf32>
    %iota3A_316 = tpu.iota {dimensions = array<i32: 1>} : vector<8x1408xi32>
    %get3A_317 = arith.constant 0 : index
    %get3A_318 = arith.constant 640 : index
    %get3A_319 = vector.load %arg9[%get3A_317, %get3A_318] : memref<8x2048xf32, #tpu.memory_space<vmem>>, vector<8x128xf32>
    %get3A_320 = arith.constant 0 : index
    %get3A_321 = arith.constant 640 : index
    %get3A_322 = vector.load %arg10[%get3A_320, %get3A_321] : memref<8x2048xf32, #tpu.memory_space<vmem>>, vector<8x128xf32>
    %get3A_323 = arith.constant 0 : index
    %get3A_324 = arith.constant 640 : index
    %get3A_325 = vector.load %arg11[%get3A_323, %get3A_324] : memref<8x2048xf32, #tpu.memory_space<vmem>>, vector<8x128xf32>
    %get3A_326 = arith.constant 0 : index
    %get3A_327 = arith.constant 640 : index
    %get3A_328 = vector.load %arg12[%get3A_326, %get3A_327] : memref<8x2048xf32, #tpu.memory_space<vmem>>, vector<8x128xf32>
    %get3A_329 = arith.constant 0 : index
    %get3A_330 = arith.constant 640 : index
    %get3A_331 = vector.load %arg15[%get3A_329, %get3A_330] : memref<8x2048xf32, #tpu.memory_space<vmem>>, vector<8x128xf32>
    %iota3A_332 = tpu.iota {dimensions = array<i32: 1>} : vector<8x128xi32>
    %scan3A_333 = arith.constant 0 : i32
    %scan3A_334 = arith.constant 128 : i32
    %scan3A_335 = arith.addi %scan3A_333, %scan3A_334 : i32
    %scan3A_336 = arith.constant 1 : i32
    scf.for %scan3A_720 = %scan3A_333 to %scan3A_335 step %scan3A_336  : i32 {
      %eq3A = vector.broadcast %scan3A_720 : i32 to vector<8x128xi32>
      %eq3A_721 = arith.cmpi eq, %iota3A_332, %eq3A : vector<8x128xi32>
      %jit3A_722 = arith.constant 0.000000e+00 : f32
      %broadcast_in_dim3A_723 = vector.broadcast %jit3A_722 : f32 to vector<8x128xf32>
      %select_n3A_724 = arith.select %eq3A_721, %get3A_319, %broadcast_in_dim3A_723 : vector<8x128xi1>, vector<8x128xf32>
      %reduce_sum3A = arith.constant dense<0.000000e+00> : vector<8xf32>
      %reduce_sum3A_725 = vector.multi_reduction <add>, %select_n3A_724, %reduce_sum3A [1] : vector<8x128xf32> to vector<8xf32>
      %broadcast_in_dim3A_726 = vector.shape_cast %reduce_sum3A_725 : vector<8xf32> to vector<8x1xf32>
      %eq3A_727 = vector.broadcast %scan3A_720 : i32 to vector<8x128xi32>
      %eq3A_728 = arith.cmpi eq, %iota3A_332, %eq3A_727 : vector<8x128xi32>
      %jit3A_729 = arith.constant 0.000000e+00 : f32
      %broadcast_in_dim3A_730 = vector.broadcast %jit3A_729 : f32 to vector<8x128xf32>
      %select_n3A_731 = arith.select %eq3A_728, %get3A_322, %broadcast_in_dim3A_730 : vector<8x128xi1>, vector<8x128xf32>
      %reduce_sum3A_732 = arith.constant dense<0.000000e+00> : vector<8xf32>
      %reduce_sum3A_733 = vector.multi_reduction <add>, %select_n3A_731, %reduce_sum3A_732 [1] : vector<8x128xf32> to vector<8xf32>
      %broadcast_in_dim3A_734 = vector.shape_cast %reduce_sum3A_733 : vector<8xf32> to vector<8x1xf32>
      %eq3A_735 = vector.broadcast %scan3A_720 : i32 to vector<8x128xi32>
      %eq3A_736 = arith.cmpi eq, %iota3A_332, %eq3A_735 : vector<8x128xi32>
      %jit3A_737 = arith.constant 0.000000e+00 : f32
      %broadcast_in_dim3A_738 = vector.broadcast %jit3A_737 : f32 to vector<8x128xf32>
      %select_n3A_739 = arith.select %eq3A_736, %get3A_325, %broadcast_in_dim3A_738 : vector<8x128xi1>, vector<8x128xf32>
      %reduce_sum3A_740 = arith.constant dense<0.000000e+00> : vector<8xf32>
      %reduce_sum3A_741 = vector.multi_reduction <add>, %select_n3A_739, %reduce_sum3A_740 [1] : vector<8x128xf32> to vector<8xf32>
      %broadcast_in_dim3A_742 = vector.shape_cast %reduce_sum3A_741 : vector<8xf32> to vector<8x1xf32>
      %eq3A_743 = vector.broadcast %scan3A_720 : i32 to vector<8x128xi32>
      %eq3A_744 = arith.cmpi eq, %iota3A_332, %eq3A_743 : vector<8x128xi32>
      %jit3A_745 = arith.constant 0.000000e+00 : f32
      %broadcast_in_dim3A_746 = vector.broadcast %jit3A_745 : f32 to vector<8x128xf32>
      %select_n3A_747 = arith.select %eq3A_744, %get3A_328, %broadcast_in_dim3A_746 : vector<8x128xi1>, vector<8x128xf32>
      %reduce_sum3A_748 = arith.constant dense<0.000000e+00> : vector<8xf32>
      %reduce_sum3A_749 = vector.multi_reduction <add>, %select_n3A_747, %reduce_sum3A_748 [1] : vector<8x128xf32> to vector<8xf32>
      %broadcast_in_dim3A_750 = vector.shape_cast %reduce_sum3A_749 : vector<8xf32> to vector<8x1xf32>
      %eq3A_751 = vector.broadcast %scan3A_720 : i32 to vector<8x128xi32>
      %eq3A_752 = arith.cmpi eq, %iota3A_332, %eq3A_751 : vector<8x128xi32>
      %jit3A_753 = arith.constant 0.000000e+00 : f32
      %broadcast_in_dim3A_754 = vector.broadcast %jit3A_753 : f32 to vector<8x128xf32>
      %select_n3A_755 = arith.select %eq3A_752, %get3A_331, %broadcast_in_dim3A_754 : vector<8x128xi1>, vector<8x128xf32>
      %reduce_sum3A_756 = arith.constant dense<0.000000e+00> : vector<8xf32>
      %reduce_sum3A_757 = vector.multi_reduction <add>, %select_n3A_755, %reduce_sum3A_756 [1] : vector<8x128xf32> to vector<8xf32>
      %broadcast_in_dim3A_758 = vector.shape_cast %reduce_sum3A_757 : vector<8xf32> to vector<8x1xf32>
      %get3A_759 = arith.constant 0 : index
      %get3A_760 = arith.constant 640 : index
      %get3A_761 = vector.load %arg14[%get3A_759, %get3A_760] : memref<8x2048xf32, #tpu.memory_space<vmem>>, vector<8x128xf32>
      %eq3A_762 = vector.broadcast %scan3A_720 : i32 to vector<8x128xi32>
      %eq3A_763 = arith.cmpi eq, %iota3A_332, %eq3A_762 : vector<8x128xi32>
      %jit3A_764 = arith.constant 0.000000e+00 : f32
      %broadcast_in_dim3A_765 = vector.broadcast %jit3A_764 : f32 to vector<8x128xf32>
      %select_n3A_766 = arith.select %eq3A_763, %get3A_761, %broadcast_in_dim3A_765 : vector<8x128xi1>, vector<8x128xf32>
      %reduce_sum3A_767 = arith.constant dense<0.000000e+00> : vector<8xf32>
      %reduce_sum3A_768 = vector.multi_reduction <add>, %select_n3A_766, %reduce_sum3A_767 [1] : vector<8x128xf32> to vector<8xf32>
      %broadcast_in_dim3A_769 = vector.shape_cast %reduce_sum3A_768 : vector<8xf32> to vector<8x1xf32>
      %max3A_770 = vector.broadcast %broadcast_in_dim3A_726 : vector<8x1xf32> to vector<8x1408xf32>
      %max3A_771 = arith.maximumf %max3A_770, %get3A_303 : vector<8x1408xf32>
      %max3A_772 = vector.broadcast %broadcast_in_dim3A_734 : vector<8x1xf32> to vector<8x1408xf32>
      %max3A_773 = arith.maximumf %max3A_772, %get3A_306 : vector<8x1408xf32>
      %min3A_774 = vector.broadcast %broadcast_in_dim3A_742 : vector<8x1xf32> to vector<8x1408xf32>
      %min3A_775 = arith.minimumf %min3A_774, %get3A_309 : vector<8x1408xf32>
      %min3A_776 = vector.broadcast %broadcast_in_dim3A_750 : vector<8x1xf32> to vector<8x1408xf32>
      %min3A_777 = arith.minimumf %min3A_776, %get3A_312 : vector<8x1408xf32>
      %sub3A_778 = arith.subf %min3A_775, %max3A_771 : vector<8x1408xf32>
      %max3A_779 = arith.constant 0.000000e+00 : f32
      %max3A_780 = vector.broadcast %max3A_779 : f32 to vector<8x1408xf32>
      %max3A_781 = arith.maximumf %sub3A_778, %max3A_780 : vector<8x1408xf32>
      %sub3A_782 = arith.subf %min3A_777, %max3A_773 : vector<8x1408xf32>
      %max3A_783 = arith.constant 0.000000e+00 : f32
      %max3A_784 = vector.broadcast %max3A_783 : f32 to vector<8x1408xf32>
      %max3A_785 = arith.maximumf %sub3A_782, %max3A_784 : vector<8x1408xf32>
      %mul3A_786 = arith.mulf %max3A_781, %max3A_785 : vector<8x1408xf32>
      %add3A_787 = vector.broadcast %broadcast_in_dim3A_758 : vector<8x1xf32> to vector<8x1408xf32>
      %add3A_788 = arith.addf %add3A_787, %get3A_315 : vector<8x1408xf32>
      %sub3A_789 = arith.subf %add3A_788, %mul3A_786 : vector<8x1408xf32>
      %max3A_790 = arith.constant 9.99999971E-10 : f32
      %max3A_791 = vector.broadcast %max3A_790 : f32 to vector<8x1408xf32>
      %max3A_792 = arith.maximumf %sub3A_789, %max3A_791 : vector<8x1408xf32>
      %mul3A_793 = arith.constant 0.699999988 : f32
      %mul3A_794 = vector.broadcast %mul3A_793 : f32 to vector<8x1408xf32>
      %mul3A_795 = arith.mulf %mul3A_794, %max3A_792 : vector<8x1408xf32>
      %gt3A_796 = arith.cmpf ogt, %mul3A_786, %mul3A_795 : vector<8x1408xf32>
      %gt3A_797 = vector.broadcast %scan3A_720 : i32 to vector<8x1408xi32>
      %gt3A_798 = arith.cmpi sgt, %iota3A_316, %gt3A_797 : vector<8x1408xi32>
      %and3A_799 = arith.andi %gt3A_796, %gt3A_798 : vector<8x1408xi1>
      %convert_element_type3A_800 = arith.extui %and3A_799 : vector<8x1408xi1> to vector<8x1408xi32>
      %convert_element_type3A_801 = arith.sitofp %convert_element_type3A_800 : vector<8x1408xi32> to vector<8x1408xf32>
      %mul3A_802 = vector.broadcast %broadcast_in_dim3A_769 : vector<8x1xf32> to vector<8x1408xf32>
      %mul3A_803 = arith.mulf %convert_element_type3A_801, %mul3A_802 : vector<8x1408xf32>
      %get3A_804 = arith.constant 0 : index
      %get3A_805 = arith.constant 640 : index
      %get3A_806 = vector.load %arg14[%get3A_804, %get3A_805] : memref<8x2048xf32, #tpu.memory_space<vmem>>, vector<8x1408xf32>
      %sub3A_807 = arith.constant 1.000000e+00 : f32
      %sub3A_808 = vector.broadcast %sub3A_807 : f32 to vector<8x1408xf32>
      %sub3A_809 = arith.subf %sub3A_808, %mul3A_803 : vector<8x1408xf32>
      %mul3A_810 = arith.mulf %get3A_806, %sub3A_809 : vector<8x1408xf32>
      %swap3A_811 = arith.constant 0 : index
      %swap3A_812 = arith.constant 640 : index
      %swap3A_813 = vector.load %arg14[%swap3A_811, %swap3A_812] : memref<8x2048xf32, #tpu.memory_space<vmem>>, vector<8x1408xf32>
      tpu.vector_store %arg14[%swap3A_811, %swap3A_812], %mul3A_810 {strides = array<i32>} : memref<8x2048xf32, #tpu.memory_space<vmem>>, vector<8x1408xf32>,
    }
    %scan3A_337 = arith.constant 128 : i32
    %get3A_338 = arith.constant 0 : index
    %get3A_339 = arith.constant 768 : index
    %get3A_340 = vector.load %arg9[%get3A_338, %get3A_339] : memref<8x2048xf32, #tpu.memory_space<vmem>>, vector<8x1280xf32>
    %get3A_341 = arith.constant 0 : index
    %get3A_342 = arith.constant 768 : index
    %get3A_343 = vector.load %arg10[%get3A_341, %get3A_342] : memref<8x2048xf32, #tpu.memory_space<vmem>>, vector<8x1280xf32>
    %get3A_344 = arith.constant 0 : index
    %get3A_345 = arith.constant 768 : index
    %get3A_346 = vector.load %arg11[%get3A_344, %get3A_345] : memref<8x2048xf32, #tpu.memory_space<vmem>>, vector<8x1280xf32>
    %get3A_347 = arith.constant 0 : index
    %get3A_348 = arith.constant 768 : index
    %get3A_349 = vector.load %arg12[%get3A_347, %get3A_348] : memref<8x2048xf32, #tpu.memory_space<vmem>>, vector<8x1280xf32>
    %get3A_350 = arith.constant 0 : index
    %get3A_351 = arith.constant 768 : index
    %get3A_352 = vector.load %arg15[%get3A_350, %get3A_351] : memref<8x2048xf32, #tpu.memory_space<vmem>>, vector<8x1280xf32>
    %iota3A_353 = tpu.iota {dimensions = array<i32: 1>} : vector<8x1280xi32>
    %get3A_354 = arith.constant 0 : index
    %get3A_355 = arith.constant 768 : index
    %get3A_356 = vector.load %arg9[%get3A_354, %get3A_355] : memref<8x2048xf32, #tpu.memory_space<vmem>>, vector<8x128xf32>
    %get3A_357 = arith.constant 0 : index
    %get3A_358 = arith.constant 768 : index
    %get3A_359 = vector.load %arg10[%get3A_357, %get3A_358] : memref<8x2048xf32, #tpu.memory_space<vmem>>, vector<8x128xf32>
    %get3A_360 = arith.constant 0 : index
    %get3A_361 = arith.constant 768 : index
    %get3A_362 = vector.load %arg11[%get3A_360, %get3A_361] : memref<8x2048xf32, #tpu.memory_space<vmem>>, vector<8x128xf32>
    %get3A_363 = arith.constant 0 : index
    %get3A_364 = arith.constant 768 : index
    %get3A_365 = vector.load %arg12[%get3A_363, %get3A_364] : memref<8x2048xf32, #tpu.memory_space<vmem>>, vector<8x128xf32>
    %get3A_366 = arith.constant 0 : index
    %get3A_367 = arith.constant 768 : index
    %get3A_368 = vector.load %arg15[%get3A_366, %get3A_367] : memref<8x2048xf32, #tpu.memory_space<vmem>>, vector<8x128xf32>
    %iota3A_369 = tpu.iota {dimensions = array<i32: 1>} : vector<8x128xi32>
    %scan3A_370 = arith.constant 0 : i32
    %scan3A_371 = arith.constant 128 : i32
    %scan3A_372 = arith.addi %scan3A_370, %scan3A_371 : i32
    %scan3A_373 = arith.constant 1 : i32
    scf.for %scan3A_720 = %scan3A_370 to %scan3A_372 step %scan3A_373  : i32 {
      %eq3A = vector.broadcast %scan3A_720 : i32 to vector<8x128xi32>
      %eq3A_721 = arith.cmpi eq, %iota3A_369, %eq3A : vector<8x128xi32>
      %jit3A_722 = arith.constant 0.000000e+00 : f32
      %broadcast_in_dim3A_723 = vector.broadcast %jit3A_722 : f32 to vector<8x128xf32>
      %select_n3A_724 = arith.select %eq3A_721, %get3A_356, %broadcast_in_dim3A_723 : vector<8x128xi1>, vector<8x128xf32>
      %reduce_sum3A = arith.constant dense<0.000000e+00> : vector<8xf32>
      %reduce_sum3A_725 = vector.multi_reduction <add>, %select_n3A_724, %reduce_sum3A [1] : vector<8x128xf32> to vector<8xf32>
      %broadcast_in_dim3A_726 = vector.shape_cast %reduce_sum3A_725 : vector<8xf32> to vector<8x1xf32>
      %eq3A_727 = vector.broadcast %scan3A_720 : i32 to vector<8x128xi32>
      %eq3A_728 = arith.cmpi eq, %iota3A_369, %eq3A_727 : vector<8x128xi32>
      %jit3A_729 = arith.constant 0.000000e+00 : f32
      %broadcast_in_dim3A_730 = vector.broadcast %jit3A_729 : f32 to vector<8x128xf32>
      %select_n3A_731 = arith.select %eq3A_728, %get3A_359, %broadcast_in_dim3A_730 : vector<8x128xi1>, vector<8x128xf32>
      %reduce_sum3A_732 = arith.constant dense<0.000000e+00> : vector<8xf32>
      %reduce_sum3A_733 = vector.multi_reduction <add>, %select_n3A_731, %reduce_sum3A_732 [1] : vector<8x128xf32> to vector<8xf32>
      %broadcast_in_dim3A_734 = vector.shape_cast %reduce_sum3A_733 : vector<8xf32> to vector<8x1xf32>
      %eq3A_735 = vector.broadcast %scan3A_720 : i32 to vector<8x128xi32>
      %eq3A_736 = arith.cmpi eq, %iota3A_369, %eq3A_735 : vector<8x128xi32>
      %jit3A_737 = arith.constant 0.000000e+00 : f32
      %broadcast_in_dim3A_738 = vector.broadcast %jit3A_737 : f32 to vector<8x128xf32>
      %select_n3A_739 = arith.select %eq3A_736, %get3A_362, %broadcast_in_dim3A_738 : vector<8x128xi1>, vector<8x128xf32>
      %reduce_sum3A_740 = arith.constant dense<0.000000e+00> : vector<8xf32>
      %reduce_sum3A_741 = vector.multi_reduction <add>, %select_n3A_739, %reduce_sum3A_740 [1] : vector<8x128xf32> to vector<8xf32>
      %broadcast_in_dim3A_742 = vector.shape_cast %reduce_sum3A_741 : vector<8xf32> to vector<8x1xf32>
      %eq3A_743 = vector.broadcast %scan3A_720 : i32 to vector<8x128xi32>
      %eq3A_744 = arith.cmpi eq, %iota3A_369, %eq3A_743 : vector<8x128xi32>
      %jit3A_745 = arith.constant 0.000000e+00 : f32
      %broadcast_in_dim3A_746 = vector.broadcast %jit3A_745 : f32 to vector<8x128xf32>
      %select_n3A_747 = arith.select %eq3A_744, %get3A_365, %broadcast_in_dim3A_746 : vector<8x128xi1>, vector<8x128xf32>
      %reduce_sum3A_748 = arith.constant dense<0.000000e+00> : vector<8xf32>
      %reduce_sum3A_749 = vector.multi_reduction <add>, %select_n3A_747, %reduce_sum3A_748 [1] : vector<8x128xf32> to vector<8xf32>
      %broadcast_in_dim3A_750 = vector.shape_cast %reduce_sum3A_749 : vector<8xf32> to vector<8x1xf32>
      %eq3A_751 = vector.broadcast %scan3A_720 : i32 to vector<8x128xi32>
      %eq3A_752 = arith.cmpi eq, %iota3A_369, %eq3A_751 : vector<8x128xi32>
      %jit3A_753 = arith.constant 0.000000e+00 : f32
      %broadcast_in_dim3A_754 = vector.broadcast %jit3A_753 : f32 to vector<8x128xf32>
      %select_n3A_755 = arith.select %eq3A_752, %get3A_368, %broadcast_in_dim3A_754 : vector<8x128xi1>, vector<8x128xf32>
      %reduce_sum3A_756 = arith.constant dense<0.000000e+00> : vector<8xf32>
      %reduce_sum3A_757 = vector.multi_reduction <add>, %select_n3A_755, %reduce_sum3A_756 [1] : vector<8x128xf32> to vector<8xf32>
      %broadcast_in_dim3A_758 = vector.shape_cast %reduce_sum3A_757 : vector<8xf32> to vector<8x1xf32>
      %get3A_759 = arith.constant 0 : index
      %get3A_760 = arith.constant 768 : index
      %get3A_761 = vector.load %arg14[%get3A_759, %get3A_760] : memref<8x2048xf32, #tpu.memory_space<vmem>>, vector<8x128xf32>
      %eq3A_762 = vector.broadcast %scan3A_720 : i32 to vector<8x128xi32>
      %eq3A_763 = arith.cmpi eq, %iota3A_369, %eq3A_762 : vector<8x128xi32>
      %jit3A_764 = arith.constant 0.000000e+00 : f32
      %broadcast_in_dim3A_765 = vector.broadcast %jit3A_764 : f32 to vector<8x128xf32>
      %select_n3A_766 = arith.select %eq3A_763, %get3A_761, %broadcast_in_dim3A_765 : vector<8x128xi1>, vector<8x128xf32>
      %reduce_sum3A_767 = arith.constant dense<0.000000e+00> : vector<8xf32>
      %reduce_sum3A_768 = vector.multi_reduction <add>, %select_n3A_766, %reduce_sum3A_767 [1] : vector<8x128xf32> to vector<8xf32>
      %broadcast_in_dim3A_769 = vector.shape_cast %reduce_sum3A_768 : vector<8xf32> to vector<8x1xf32>
      %max3A_770 = vector.broadcast %broadcast_in_dim3A_726 : vector<8x1xf32> to vector<8x1280xf32>
      %max3A_771 = arith.maximumf %max3A_770, %get3A_340 : vector<8x1280xf32>
      %max3A_772 = vector.broadcast %broadcast_in_dim3A_734 : vector<8x1xf32> to vector<8x1280xf32>
      %max3A_773 = arith.maximumf %max3A_772, %get3A_343 : vector<8x1280xf32>
      %min3A_774 = vector.broadcast %broadcast_in_dim3A_742 : vector<8x1xf32> to vector<8x1280xf32>
      %min3A_775 = arith.minimumf %min3A_774, %get3A_346 : vector<8x1280xf32>
      %min3A_776 = vector.broadcast %broadcast_in_dim3A_750 : vector<8x1xf32> to vector<8x1280xf32>
      %min3A_777 = arith.minimumf %min3A_776, %get3A_349 : vector<8x1280xf32>
      %sub3A_778 = arith.subf %min3A_775, %max3A_771 : vector<8x1280xf32>
      %max3A_779 = arith.constant 0.000000e+00 : f32
      %max3A_780 = vector.broadcast %max3A_779 : f32 to vector<8x1280xf32>
      %max3A_781 = arith.maximumf %sub3A_778, %max3A_780 : vector<8x1280xf32>
      %sub3A_782 = arith.subf %min3A_777, %max3A_773 : vector<8x1280xf32>
      %max3A_783 = arith.constant 0.000000e+00 : f32
      %max3A_784 = vector.broadcast %max3A_783 : f32 to vector<8x1280xf32>
      %max3A_785 = arith.maximumf %sub3A_782, %max3A_784 : vector<8x1280xf32>
      %mul3A_786 = arith.mulf %max3A_781, %max3A_785 : vector<8x1280xf32>
      %add3A_787 = vector.broadcast %broadcast_in_dim3A_758 : vector<8x1xf32> to vector<8x1280xf32>
      %add3A_788 = arith.addf %add3A_787, %get3A_352 : vector<8x1280xf32>
      %sub3A_789 = arith.subf %add3A_788, %mul3A_786 : vector<8x1280xf32>
      %max3A_790 = arith.constant 9.99999971E-10 : f32
      %max3A_791 = vector.broadcast %max3A_790 : f32 to vector<8x1280xf32>
      %max3A_792 = arith.maximumf %sub3A_789, %max3A_791 : vector<8x1280xf32>
      %mul3A_793 = arith.constant 0.699999988 : f32
      %mul3A_794 = vector.broadcast %mul3A_793 : f32 to vector<8x1280xf32>
      %mul3A_795 = arith.mulf %mul3A_794, %max3A_792 : vector<8x1280xf32>
      %gt3A_796 = arith.cmpf ogt, %mul3A_786, %mul3A_795 : vector<8x1280xf32>
      %gt3A_797 = vector.broadcast %scan3A_720 : i32 to vector<8x1280xi32>
      %gt3A_798 = arith.cmpi sgt, %iota3A_353, %gt3A_797 : vector<8x1280xi32>
      %and3A_799 = arith.andi %gt3A_796, %gt3A_798 : vector<8x1280xi1>
      %convert_element_type3A_800 = arith.extui %and3A_799 : vector<8x1280xi1> to vector<8x1280xi32>
      %convert_element_type3A_801 = arith.sitofp %convert_element_type3A_800 : vector<8x1280xi32> to vector<8x1280xf32>
      %mul3A_802 = vector.broadcast %broadcast_in_dim3A_769 : vector<8x1xf32> to vector<8x1280xf32>
      %mul3A_803 = arith.mulf %convert_element_type3A_801, %mul3A_802 : vector<8x1280xf32>
      %get3A_804 = arith.constant 0 : index
      %get3A_805 = arith.constant 768 : index
      %get3A_806 = vector.load %arg14[%get3A_804, %get3A_805] : memref<8x2048xf32, #tpu.memory_space<vmem>>, vector<8x1280xf32>
      %sub3A_807 = arith.constant 1.000000e+00 : f32
      %sub3A_808 = vector.broadcast %sub3A_807 : f32 to vector<8x1280xf32>
      %sub3A_809 = arith.subf %sub3A_808, %mul3A_803 : vector<8x1280xf32>
      %mul3A_810 = arith.mulf %get3A_806, %sub3A_809 : vector<8x1280xf32>
      %swap3A_811 = arith.constant 0 : index
      %swap3A_812 = arith.constant 768 : index
      %swap3A_813 = vector.load %arg14[%swap3A_811, %swap3A_812] : memref<8x2048xf32, #tpu.memory_space<vmem>>, vector<8x1280xf32>
      tpu.vector_store %arg14[%swap3A_811, %swap3A_812], %mul3A_810 {strides = array<i32>} : memref<8x2048xf32, #tpu.memory_space<vmem>>, vector<8x1280xf32>,
    }
    %scan3A_374 = arith.constant 128 : i32
    %get3A_375 = arith.constant 0 : index
    %get3A_376 = arith.constant 896 : index
    %get3A_377 = vector.load %arg9[%get3A_375, %get3A_376] : memref<8x2048xf32, #tpu.memory_space<vmem>>, vector<8x1152xf32>
    %get3A_378 = arith.constant 0 : index
    %get3A_379 = arith.constant 896 : index
    %get3A_380 = vector.load %arg10[%get3A_378, %get3A_379] : memref<8x2048xf32, #tpu.memory_space<vmem>>, vector<8x1152xf32>
    %get3A_381 = arith.constant 0 : index
    %get3A_382 = arith.constant 896 : index
    %get3A_383 = vector.load %arg11[%get3A_381, %get3A_382] : memref<8x2048xf32, #tpu.memory_space<vmem>>, vector<8x1152xf32>
    %get3A_384 = arith.constant 0 : index
    %get3A_385 = arith.constant 896 : index
    %get3A_386 = vector.load %arg12[%get3A_384, %get3A_385] : memref<8x2048xf32, #tpu.memory_space<vmem>>, vector<8x1152xf32>
    %get3A_387 = arith.constant 0 : index
    %get3A_388 = arith.constant 896 : index
    %get3A_389 = vector.load %arg15[%get3A_387, %get3A_388] : memref<8x2048xf32, #tpu.memory_space<vmem>>, vector<8x1152xf32>
    %iota3A_390 = tpu.iota {dimensions = array<i32: 1>} : vector<8x1152xi32>
    %get3A_391 = arith.constant 0 : index
    %get3A_392 = arith.constant 896 : index
    %get3A_393 = vector.load %arg9[%get3A_391, %get3A_392] : memref<8x2048xf32, #tpu.memory_space<vmem>>, vector<8x128xf32>
    %get3A_394 = arith.constant 0 : index
    %get3A_395 = arith.constant 896 : index
    %get3A_396 = vector.load %arg10[%get3A_394, %get3A_395] : memref<8x2048xf32, #tpu.memory_space<vmem>>, vector<8x128xf32>
    %get3A_397 = arith.constant 0 : index
    %get3A_398 = arith.constant 896 : index
    %get3A_399 = vector.load %arg11[%get3A_397, %get3A_398] : memref<8x2048xf32, #tpu.memory_space<vmem>>, vector<8x128xf32>
    %get3A_400 = arith.constant 0 : index
    %get3A_401 = arith.constant 896 : index
    %get3A_402 = vector.load %arg12[%get3A_400, %get3A_401] : memref<8x2048xf32, #tpu.memory_space<vmem>>, vector<8x128xf32>
    %get3A_403 = arith.constant 0 : index
    %get3A_404 = arith.constant 896 : index
    %get3A_405 = vector.load %arg15[%get3A_403, %get3A_404] : memref<8x2048xf32, #tpu.memory_space<vmem>>, vector<8x128xf32>
    %iota3A_406 = tpu.iota {dimensions = array<i32: 1>} : vector<8x128xi32>
    %scan3A_407 = arith.constant 0 : i32
    %scan3A_408 = arith.constant 128 : i32
    %scan3A_409 = arith.addi %scan3A_407, %scan3A_408 : i32
    %scan3A_410 = arith.constant 1 : i32
    scf.for %scan3A_720 = %scan3A_407 to %scan3A_409 step %scan3A_410  : i32 {
      %eq3A = vector.broadcast %scan3A_720 : i32 to vector<8x128xi32>
      %eq3A_721 = arith.cmpi eq, %iota3A_406, %eq3A : vector<8x128xi32>
      %jit3A_722 = arith.constant 0.000000e+00 : f32
      %broadcast_in_dim3A_723 = vector.broadcast %jit3A_722 : f32 to vector<8x128xf32>
      %select_n3A_724 = arith.select %eq3A_721, %get3A_393, %broadcast_in_dim3A_723 : vector<8x128xi1>, vector<8x128xf32>
      %reduce_sum3A = arith.constant dense<0.000000e+00> : vector<8xf32>
      %reduce_sum3A_725 = vector.multi_reduction <add>, %select_n3A_724, %reduce_sum3A [1] : vector<8x128xf32> to vector<8xf32>
      %broadcast_in_dim3A_726 = vector.shape_cast %reduce_sum3A_725 : vector<8xf32> to vector<8x1xf32>
      %eq3A_727 = vector.broadcast %scan3A_720 : i32 to vector<8x128xi32>
      %eq3A_728 = arith.cmpi eq, %iota3A_406, %eq3A_727 : vector<8x128xi32>
      %jit3A_729 = arith.constant 0.000000e+00 : f32
      %broadcast_in_dim3A_730 = vector.broadcast %jit3A_729 : f32 to vector<8x128xf32>
      %select_n3A_731 = arith.select %eq3A_728, %get3A_396, %broadcast_in_dim3A_730 : vector<8x128xi1>, vector<8x128xf32>
      %reduce_sum3A_732 = arith.constant dense<0.000000e+00> : vector<8xf32>
      %reduce_sum3A_733 = vector.multi_reduction <add>, %select_n3A_731, %reduce_sum3A_732 [1] : vector<8x128xf32> to vector<8xf32>
      %broadcast_in_dim3A_734 = vector.shape_cast %reduce_sum3A_733 : vector<8xf32> to vector<8x1xf32>
      %eq3A_735 = vector.broadcast %scan3A_720 : i32 to vector<8x128xi32>
      %eq3A_736 = arith.cmpi eq, %iota3A_406, %eq3A_735 : vector<8x128xi32>
      %jit3A_737 = arith.constant 0.000000e+00 : f32
      %broadcast_in_dim3A_738 = vector.broadcast %jit3A_737 : f32 to vector<8x128xf32>
      %select_n3A_739 = arith.select %eq3A_736, %get3A_399, %broadcast_in_dim3A_738 : vector<8x128xi1>, vector<8x128xf32>
      %reduce_sum3A_740 = arith.constant dense<0.000000e+00> : vector<8xf32>
      %reduce_sum3A_741 = vector.multi_reduction <add>, %select_n3A_739, %reduce_sum3A_740 [1] : vector<8x128xf32> to vector<8xf32>
      %broadcast_in_dim3A_742 = vector.shape_cast %reduce_sum3A_741 : vector<8xf32> to vector<8x1xf32>
      %eq3A_743 = vector.broadcast %scan3A_720 : i32 to vector<8x128xi32>
      %eq3A_744 = arith.cmpi eq, %iota3A_406, %eq3A_743 : vector<8x128xi32>
      %jit3A_745 = arith.constant 0.000000e+00 : f32
      %broadcast_in_dim3A_746 = vector.broadcast %jit3A_745 : f32 to vector<8x128xf32>
      %select_n3A_747 = arith.select %eq3A_744, %get3A_402, %broadcast_in_dim3A_746 : vector<8x128xi1>, vector<8x128xf32>
      %reduce_sum3A_748 = arith.constant dense<0.000000e+00> : vector<8xf32>
      %reduce_sum3A_749 = vector.multi_reduction <add>, %select_n3A_747, %reduce_sum3A_748 [1] : vector<8x128xf32> to vector<8xf32>
      %broadcast_in_dim3A_750 = vector.shape_cast %reduce_sum3A_749 : vector<8xf32> to vector<8x1xf32>
      %eq3A_751 = vector.broadcast %scan3A_720 : i32 to vector<8x128xi32>
      %eq3A_752 = arith.cmpi eq, %iota3A_406, %eq3A_751 : vector<8x128xi32>
      %jit3A_753 = arith.constant 0.000000e+00 : f32
      %broadcast_in_dim3A_754 = vector.broadcast %jit3A_753 : f32 to vector<8x128xf32>
      %select_n3A_755 = arith.select %eq3A_752, %get3A_405, %broadcast_in_dim3A_754 : vector<8x128xi1>, vector<8x128xf32>
      %reduce_sum3A_756 = arith.constant dense<0.000000e+00> : vector<8xf32>
      %reduce_sum3A_757 = vector.multi_reduction <add>, %select_n3A_755, %reduce_sum3A_756 [1] : vector<8x128xf32> to vector<8xf32>
      %broadcast_in_dim3A_758 = vector.shape_cast %reduce_sum3A_757 : vector<8xf32> to vector<8x1xf32>
      %get3A_759 = arith.constant 0 : index
      %get3A_760 = arith.constant 896 : index
      %get3A_761 = vector.load %arg14[%get3A_759, %get3A_760] : memref<8x2048xf32, #tpu.memory_space<vmem>>, vector<8x128xf32>
      %eq3A_762 = vector.broadcast %scan3A_720 : i32 to vector<8x128xi32>
      %eq3A_763 = arith.cmpi eq, %iota3A_406, %eq3A_762 : vector<8x128xi32>
      %jit3A_764 = arith.constant 0.000000e+00 : f32
      %broadcast_in_dim3A_765 = vector.broadcast %jit3A_764 : f32 to vector<8x128xf32>
      %select_n3A_766 = arith.select %eq3A_763, %get3A_761, %broadcast_in_dim3A_765 : vector<8x128xi1>, vector<8x128xf32>
      %reduce_sum3A_767 = arith.constant dense<0.000000e+00> : vector<8xf32>
      %reduce_sum3A_768 = vector.multi_reduction <add>, %select_n3A_766, %reduce_sum3A_767 [1] : vector<8x128xf32> to vector<8xf32>
      %broadcast_in_dim3A_769 = vector.shape_cast %reduce_sum3A_768 : vector<8xf32> to vector<8x1xf32>
      %max3A_770 = vector.broadcast %broadcast_in_dim3A_726 : vector<8x1xf32> to vector<8x1152xf32>
      %max3A_771 = arith.maximumf %max3A_770, %get3A_377 : vector<8x1152xf32>
      %max3A_772 = vector.broadcast %broadcast_in_dim3A_734 : vector<8x1xf32> to vector<8x1152xf32>
      %max3A_773 = arith.maximumf %max3A_772, %get3A_380 : vector<8x1152xf32>
      %min3A_774 = vector.broadcast %broadcast_in_dim3A_742 : vector<8x1xf32> to vector<8x1152xf32>
      %min3A_775 = arith.minimumf %min3A_774, %get3A_383 : vector<8x1152xf32>
      %min3A_776 = vector.broadcast %broadcast_in_dim3A_750 : vector<8x1xf32> to vector<8x1152xf32>
      %min3A_777 = arith.minimumf %min3A_776, %get3A_386 : vector<8x1152xf32>
      %sub3A_778 = arith.subf %min3A_775, %max3A_771 : vector<8x1152xf32>
      %max3A_779 = arith.constant 0.000000e+00 : f32
      %max3A_780 = vector.broadcast %max3A_779 : f32 to vector<8x1152xf32>
      %max3A_781 = arith.maximumf %sub3A_778, %max3A_780 : vector<8x1152xf32>
      %sub3A_782 = arith.subf %min3A_777, %max3A_773 : vector<8x1152xf32>
      %max3A_783 = arith.constant 0.000000e+00 : f32
      %max3A_784 = vector.broadcast %max3A_783 : f32 to vector<8x1152xf32>
      %max3A_785 = arith.maximumf %sub3A_782, %max3A_784 : vector<8x1152xf32>
      %mul3A_786 = arith.mulf %max3A_781, %max3A_785 : vector<8x1152xf32>
      %add3A_787 = vector.broadcast %broadcast_in_dim3A_758 : vector<8x1xf32> to vector<8x1152xf32>
      %add3A_788 = arith.addf %add3A_787, %get3A_389 : vector<8x1152xf32>
      %sub3A_789 = arith.subf %add3A_788, %mul3A_786 : vector<8x1152xf32>
      %max3A_790 = arith.constant 9.99999971E-10 : f32
      %max3A_791 = vector.broadcast %max3A_790 : f32 to vector<8x1152xf32>
      %max3A_792 = arith.maximumf %sub3A_789, %max3A_791 : vector<8x1152xf32>
      %mul3A_793 = arith.constant 0.699999988 : f32
      %mul3A_794 = vector.broadcast %mul3A_793 : f32 to vector<8x1152xf32>
      %mul3A_795 = arith.mulf %mul3A_794, %max3A_792 : vector<8x1152xf32>
      %gt3A_796 = arith.cmpf ogt, %mul3A_786, %mul3A_795 : vector<8x1152xf32>
      %gt3A_797 = vector.broadcast %scan3A_720 : i32 to vector<8x1152xi32>
      %gt3A_798 = arith.cmpi sgt, %iota3A_390, %gt3A_797 : vector<8x1152xi32>
      %and3A_799 = arith.andi %gt3A_796, %gt3A_798 : vector<8x1152xi1>
      %convert_element_type3A_800 = arith.extui %and3A_799 : vector<8x1152xi1> to vector<8x1152xi32>
      %convert_element_type3A_801 = arith.sitofp %convert_element_type3A_800 : vector<8x1152xi32> to vector<8x1152xf32>
      %mul3A_802 = vector.broadcast %broadcast_in_dim3A_769 : vector<8x1xf32> to vector<8x1152xf32>
      %mul3A_803 = arith.mulf %convert_element_type3A_801, %mul3A_802 : vector<8x1152xf32>
      %get3A_804 = arith.constant 0 : index
      %get3A_805 = arith.constant 896 : index
      %get3A_806 = vector.load %arg14[%get3A_804, %get3A_805] : memref<8x2048xf32, #tpu.memory_space<vmem>>, vector<8x1152xf32>
      %sub3A_807 = arith.constant 1.000000e+00 : f32
      %sub3A_808 = vector.broadcast %sub3A_807 : f32 to vector<8x1152xf32>
      %sub3A_809 = arith.subf %sub3A_808, %mul3A_803 : vector<8x1152xf32>
      %mul3A_810 = arith.mulf %get3A_806, %sub3A_809 : vector<8x1152xf32>
      %swap3A_811 = arith.constant 0 : index
      %swap3A_812 = arith.constant 896 : index
      %swap3A_813 = vector.load %arg14[%swap3A_811, %swap3A_812] : memref<8x2048xf32, #tpu.memory_space<vmem>>, vector<8x1152xf32>
      tpu.vector_store %arg14[%swap3A_811, %swap3A_812], %mul3A_810 {strides = array<i32>} : memref<8x2048xf32, #tpu.memory_space<vmem>>, vector<8x1152xf32>,
    }
    %scan3A_411 = arith.constant 128 : i32
    %get3A_412 = arith.constant 0 : index
    %get3A_413 = arith.constant 1024 : index
    %get3A_414 = vector.load %arg9[%get3A_412, %get3A_413] : memref<8x2048xf32, #tpu.memory_space<vmem>>, vector<8x1024xf32>
    %get3A_415 = arith.constant 0 : index
    %get3A_416 = arith.constant 1024 : index
    %get3A_417 = vector.load %arg10[%get3A_415, %get3A_416] : memref<8x2048xf32, #tpu.memory_space<vmem>>, vector<8x1024xf32>
    %get3A_418 = arith.constant 0 : index
    %get3A_419 = arith.constant 1024 : index
    %get3A_420 = vector.load %arg11[%get3A_418, %get3A_419] : memref<8x2048xf32, #tpu.memory_space<vmem>>, vector<8x1024xf32>
    %get3A_421 = arith.constant 0 : index
    %get3A_422 = arith.constant 1024 : index
    %get3A_423 = vector.load %arg12[%get3A_421, %get3A_422] : memref<8x2048xf32, #tpu.memory_space<vmem>>, vector<8x1024xf32>
    %get3A_424 = arith.constant 0 : index
    %get3A_425 = arith.constant 1024 : index
    %get3A_426 = vector.load %arg15[%get3A_424, %get3A_425] : memref<8x2048xf32, #tpu.memory_space<vmem>>, vector<8x1024xf32>
    %iota3A_427 = tpu.iota {dimensions = array<i32: 1>} : vector<8x1024xi32>
    %get3A_428 = arith.constant 0 : index
    %get3A_429 = arith.constant 1024 : index
    %get3A_430 = vector.load %arg9[%get3A_428, %get3A_429] : memref<8x2048xf32, #tpu.memory_space<vmem>>, vector<8x128xf32>
    %get3A_431 = arith.constant 0 : index
    %get3A_432 = arith.constant 1024 : index
    %get3A_433 = vector.load %arg10[%get3A_431, %get3A_432] : memref<8x2048xf32, #tpu.memory_space<vmem>>, vector<8x128xf32>
    %get3A_434 = arith.constant 0 : index
    %get3A_435 = arith.constant 1024 : index
    %get3A_436 = vector.load %arg11[%get3A_434, %get3A_435] : memref<8x2048xf32, #tpu.memory_space<vmem>>, vector<8x128xf32>
    %get3A_437 = arith.constant 0 : index
    %get3A_438 = arith.constant 1024 : index
    %get3A_439 = vector.load %arg12[%get3A_437, %get3A_438] : memref<8x2048xf32, #tpu.memory_space<vmem>>, vector<8x128xf32>
    %get3A_440 = arith.constant 0 : index
    %get3A_441 = arith.constant 1024 : index
    %get3A_442 = vector.load %arg15[%get3A_440, %get3A_441] : memref<8x2048xf32, #tpu.memory_space<vmem>>, vector<8x128xf32>
    %iota3A_443 = tpu.iota {dimensions = array<i32: 1>} : vector<8x128xi32>
    %scan3A_444 = arith.constant 0 : i32
    %scan3A_445 = arith.constant 128 : i32
    %scan3A_446 = arith.addi %scan3A_444, %scan3A_445 : i32
    %scan3A_447 = arith.constant 1 : i32
    scf.for %scan3A_720 = %scan3A_444 to %scan3A_446 step %scan3A_447  : i32 {
      %eq3A = vector.broadcast %scan3A_720 : i32 to vector<8x128xi32>
      %eq3A_721 = arith.cmpi eq, %iota3A_443, %eq3A : vector<8x128xi32>
      %jit3A_722 = arith.constant 0.000000e+00 : f32
      %broadcast_in_dim3A_723 = vector.broadcast %jit3A_722 : f32 to vector<8x128xf32>
      %select_n3A_724 = arith.select %eq3A_721, %get3A_430, %broadcast_in_dim3A_723 : vector<8x128xi1>, vector<8x128xf32>
      %reduce_sum3A = arith.constant dense<0.000000e+00> : vector<8xf32>
      %reduce_sum3A_725 = vector.multi_reduction <add>, %select_n3A_724, %reduce_sum3A [1] : vector<8x128xf32> to vector<8xf32>
      %broadcast_in_dim3A_726 = vector.shape_cast %reduce_sum3A_725 : vector<8xf32> to vector<8x1xf32>
      %eq3A_727 = vector.broadcast %scan3A_720 : i32 to vector<8x128xi32>
      %eq3A_728 = arith.cmpi eq, %iota3A_443, %eq3A_727 : vector<8x128xi32>
      %jit3A_729 = arith.constant 0.000000e+00 : f32
      %broadcast_in_dim3A_730 = vector.broadcast %jit3A_729 : f32 to vector<8x128xf32>
      %select_n3A_731 = arith.select %eq3A_728, %get3A_433, %broadcast_in_dim3A_730 : vector<8x128xi1>, vector<8x128xf32>
      %reduce_sum3A_732 = arith.constant dense<0.000000e+00> : vector<8xf32>
      %reduce_sum3A_733 = vector.multi_reduction <add>, %select_n3A_731, %reduce_sum3A_732 [1] : vector<8x128xf32> to vector<8xf32>
      %broadcast_in_dim3A_734 = vector.shape_cast %reduce_sum3A_733 : vector<8xf32> to vector<8x1xf32>
      %eq3A_735 = vector.broadcast %scan3A_720 : i32 to vector<8x128xi32>
      %eq3A_736 = arith.cmpi eq, %iota3A_443, %eq3A_735 : vector<8x128xi32>
      %jit3A_737 = arith.constant 0.000000e+00 : f32
      %broadcast_in_dim3A_738 = vector.broadcast %jit3A_737 : f32 to vector<8x128xf32>
      %select_n3A_739 = arith.select %eq3A_736, %get3A_436, %broadcast_in_dim3A_738 : vector<8x128xi1>, vector<8x128xf32>
      %reduce_sum3A_740 = arith.constant dense<0.000000e+00> : vector<8xf32>
      %reduce_sum3A_741 = vector.multi_reduction <add>, %select_n3A_739, %reduce_sum3A_740 [1] : vector<8x128xf32> to vector<8xf32>
      %broadcast_in_dim3A_742 = vector.shape_cast %reduce_sum3A_741 : vector<8xf32> to vector<8x1xf32>
      %eq3A_743 = vector.broadcast %scan3A_720 : i32 to vector<8x128xi32>
      %eq3A_744 = arith.cmpi eq, %iota3A_443, %eq3A_743 : vector<8x128xi32>
      %jit3A_745 = arith.constant 0.000000e+00 : f32
      %broadcast_in_dim3A_746 = vector.broadcast %jit3A_745 : f32 to vector<8x128xf32>
      %select_n3A_747 = arith.select %eq3A_744, %get3A_439, %broadcast_in_dim3A_746 : vector<8x128xi1>, vector<8x128xf32>
      %reduce_sum3A_748 = arith.constant dense<0.000000e+00> : vector<8xf32>
      %reduce_sum3A_749 = vector.multi_reduction <add>, %select_n3A_747, %reduce_sum3A_748 [1] : vector<8x128xf32> to vector<8xf32>
      %broadcast_in_dim3A_750 = vector.shape_cast %reduce_sum3A_749 : vector<8xf32> to vector<8x1xf32>
      %eq3A_751 = vector.broadcast %scan3A_720 : i32 to vector<8x128xi32>
      %eq3A_752 = arith.cmpi eq, %iota3A_443, %eq3A_751 : vector<8x128xi32>
      %jit3A_753 = arith.constant 0.000000e+00 : f32
      %broadcast_in_dim3A_754 = vector.broadcast %jit3A_753 : f32 to vector<8x128xf32>
      %select_n3A_755 = arith.select %eq3A_752, %get3A_442, %broadcast_in_dim3A_754 : vector<8x128xi1>, vector<8x128xf32>
      %reduce_sum3A_756 = arith.constant dense<0.000000e+00> : vector<8xf32>
      %reduce_sum3A_757 = vector.multi_reduction <add>, %select_n3A_755, %reduce_sum3A_756 [1] : vector<8x128xf32> to vector<8xf32>
      %broadcast_in_dim3A_758 = vector.shape_cast %reduce_sum3A_757 : vector<8xf32> to vector<8x1xf32>
      %get3A_759 = arith.constant 0 : index
      %get3A_760 = arith.constant 1024 : index
      %get3A_761 = vector.load %arg14[%get3A_759, %get3A_760] : memref<8x2048xf32, #tpu.memory_space<vmem>>, vector<8x128xf32>
      %eq3A_762 = vector.broadcast %scan3A_720 : i32 to vector<8x128xi32>
      %eq3A_763 = arith.cmpi eq, %iota3A_443, %eq3A_762 : vector<8x128xi32>
      %jit3A_764 = arith.constant 0.000000e+00 : f32
      %broadcast_in_dim3A_765 = vector.broadcast %jit3A_764 : f32 to vector<8x128xf32>
      %select_n3A_766 = arith.select %eq3A_763, %get3A_761, %broadcast_in_dim3A_765 : vector<8x128xi1>, vector<8x128xf32>
      %reduce_sum3A_767 = arith.constant dense<0.000000e+00> : vector<8xf32>
      %reduce_sum3A_768 = vector.multi_reduction <add>, %select_n3A_766, %reduce_sum3A_767 [1] : vector<8x128xf32> to vector<8xf32>
      %broadcast_in_dim3A_769 = vector.shape_cast %reduce_sum3A_768 : vector<8xf32> to vector<8x1xf32>
      %max3A_770 = vector.broadcast %broadcast_in_dim3A_726 : vector<8x1xf32> to vector<8x1024xf32>
      %max3A_771 = arith.maximumf %max3A_770, %get3A_414 : vector<8x1024xf32>
      %max3A_772 = vector.broadcast %broadcast_in_dim3A_734 : vector<8x1xf32> to vector<8x1024xf32>
      %max3A_773 = arith.maximumf %max3A_772, %get3A_417 : vector<8x1024xf32>
      %min3A_774 = vector.broadcast %broadcast_in_dim3A_742 : vector<8x1xf32> to vector<8x1024xf32>
      %min3A_775 = arith.minimumf %min3A_774, %get3A_420 : vector<8x1024xf32>
      %min3A_776 = vector.broadcast %broadcast_in_dim3A_750 : vector<8x1xf32> to vector<8x1024xf32>
      %min3A_777 = arith.minimumf %min3A_776, %get3A_423 : vector<8x1024xf32>
      %sub3A_778 = arith.subf %min3A_775, %max3A_771 : vector<8x1024xf32>
      %max3A_779 = arith.constant 0.000000e+00 : f32
      %max3A_780 = vector.broadcast %max3A_779 : f32 to vector<8x1024xf32>
      %max3A_781 = arith.maximumf %sub3A_778, %max3A_780 : vector<8x1024xf32>
      %sub3A_782 = arith.subf %min3A_777, %max3A_773 : vector<8x1024xf32>
      %max3A_783 = arith.constant 0.000000e+00 : f32
      %max3A_784 = vector.broadcast %max3A_783 : f32 to vector<8x1024xf32>
      %max3A_785 = arith.maximumf %sub3A_782, %max3A_784 : vector<8x1024xf32>
      %mul3A_786 = arith.mulf %max3A_781, %max3A_785 : vector<8x1024xf32>
      %add3A_787 = vector.broadcast %broadcast_in_dim3A_758 : vector<8x1xf32> to vector<8x1024xf32>
      %add3A_788 = arith.addf %add3A_787, %get3A_426 : vector<8x1024xf32>
      %sub3A_789 = arith.subf %add3A_788, %mul3A_786 : vector<8x1024xf32>
      %max3A_790 = arith.constant 9.99999971E-10 : f32
      %max3A_791 = vector.broadcast %max3A_790 : f32 to vector<8x1024xf32>
      %max3A_792 = arith.maximumf %sub3A_789, %max3A_791 : vector<8x1024xf32>
      %mul3A_793 = arith.constant 0.699999988 : f32
      %mul3A_794 = vector.broadcast %mul3A_793 : f32 to vector<8x1024xf32>
      %mul3A_795 = arith.mulf %mul3A_794, %max3A_792 : vector<8x1024xf32>
      %gt3A_796 = arith.cmpf ogt, %mul3A_786, %mul3A_795 : vector<8x1024xf32>
      %gt3A_797 = vector.broadcast %scan3A_720 : i32 to vector<8x1024xi32>
      %gt3A_798 = arith.cmpi sgt, %iota3A_427, %gt3A_797 : vector<8x1024xi32>
      %and3A_799 = arith.andi %gt3A_796, %gt3A_798 : vector<8x1024xi1>
      %convert_element_type3A_800 = arith.extui %and3A_799 : vector<8x1024xi1> to vector<8x1024xi32>
      %convert_element_type3A_801 = arith.sitofp %convert_element_type3A_800 : vector<8x1024xi32> to vector<8x1024xf32>
      %mul3A_802 = vector.broadcast %broadcast_in_dim3A_769 : vector<8x1xf32> to vector<8x1024xf32>
      %mul3A_803 = arith.mulf %convert_element_type3A_801, %mul3A_802 : vector<8x1024xf32>
      %get3A_804 = arith.constant 0 : index
      %get3A_805 = arith.constant 1024 : index
      %get3A_806 = vector.load %arg14[%get3A_804, %get3A_805] : memref<8x2048xf32, #tpu.memory_space<vmem>>, vector<8x1024xf32>
      %sub3A_807 = arith.constant 1.000000e+00 : f32
      %sub3A_808 = vector.broadcast %sub3A_807 : f32 to vector<8x1024xf32>
      %sub3A_809 = arith.subf %sub3A_808, %mul3A_803 : vector<8x1024xf32>
      %mul3A_810 = arith.mulf %get3A_806, %sub3A_809 : vector<8x1024xf32>
      %swap3A_811 = arith.constant 0 : index
      %swap3A_812 = arith.constant 1024 : index
      %swap3A_813 = vector.load %arg14[%swap3A_811, %swap3A_812] : memref<8x2048xf32, #tpu.memory_space<vmem>>, vector<8x1024xf32>
      tpu.vector_store %arg14[%swap3A_811, %swap3A_812], %mul3A_810 {strides = array<i32>} : memref<8x2048xf32, #tpu.memory_space<vmem>>, vector<8x1024xf32>,
    }
    %scan3A_448 = arith.constant 128 : i32
    %get3A_449 = arith.constant 0 : index
    %get3A_450 = arith.constant 1152 : index
    %get3A_451 = vector.load %arg9[%get3A_449, %get3A_450] : memref<8x2048xf32, #tpu.memory_space<vmem>>, vector<8x896xf32>
    %get3A_452 = arith.constant 0 : index
    %get3A_453 = arith.constant 1152 : index
    %get3A_454 = vector.load %arg10[%get3A_452, %get3A_453] : memref<8x2048xf32, #tpu.memory_space<vmem>>, vector<8x896xf32>
    %get3A_455 = arith.constant 0 : index
    %get3A_456 = arith.constant 1152 : index
    %get3A_457 = vector.load %arg11[%get3A_455, %get3A_456] : memref<8x2048xf32, #tpu.memory_space<vmem>>, vector<8x896xf32>
    %get3A_458 = arith.constant 0 : index
    %get3A_459 = arith.constant 1152 : index
    %get3A_460 = vector.load %arg12[%get3A_458, %get3A_459] : memref<8x2048xf32, #tpu.memory_space<vmem>>, vector<8x896xf32>
    %get3A_461 = arith.constant 0 : index
    %get3A_462 = arith.constant 1152 : index
    %get3A_463 = vector.load %arg15[%get3A_461, %get3A_462] : memref<8x2048xf32, #tpu.memory_space<vmem>>, vector<8x896xf32>
    %iota3A_464 = tpu.iota {dimensions = array<i32: 1>} : vector<8x896xi32>
    %get3A_465 = arith.constant 0 : index
    %get3A_466 = arith.constant 1152 : index
    %get3A_467 = vector.load %arg9[%get3A_465, %get3A_466] : memref<8x2048xf32, #tpu.memory_space<vmem>>, vector<8x128xf32>
    %get3A_468 = arith.constant 0 : index
    %get3A_469 = arith.constant 1152 : index
    %get3A_470 = vector.load %arg10[%get3A_468, %get3A_469] : memref<8x2048xf32, #tpu.memory_space<vmem>>, vector<8x128xf32>
    %get3A_471 = arith.constant 0 : index
    %get3A_472 = arith.constant 1152 : index
    %get3A_473 = vector.load %arg11[%get3A_471, %get3A_472] : memref<8x2048xf32, #tpu.memory_space<vmem>>, vector<8x128xf32>
    %get3A_474 = arith.constant 0 : index
    %get3A_475 = arith.constant 1152 : index
    %get3A_476 = vector.load %arg12[%get3A_474, %get3A_475] : memref<8x2048xf32, #tpu.memory_space<vmem>>, vector<8x128xf32>
    %get3A_477 = arith.constant 0 : index
    %get3A_478 = arith.constant 1152 : index
    %get3A_479 = vector.load %arg15[%get3A_477, %get3A_478] : memref<8x2048xf32, #tpu.memory_space<vmem>>, vector<8x128xf32>
    %iota3A_480 = tpu.iota {dimensions = array<i32: 1>} : vector<8x128xi32>
    %scan3A_481 = arith.constant 0 : i32
    %scan3A_482 = arith.constant 128 : i32
    %scan3A_483 = arith.addi %scan3A_481, %scan3A_482 : i32
    %scan3A_484 = arith.constant 1 : i32
    scf.for %scan3A_720 = %scan3A_481 to %scan3A_483 step %scan3A_484  : i32 {
      %eq3A = vector.broadcast %scan3A_720 : i32 to vector<8x128xi32>
      %eq3A_721 = arith.cmpi eq, %iota3A_480, %eq3A : vector<8x128xi32>
      %jit3A_722 = arith.constant 0.000000e+00 : f32
      %broadcast_in_dim3A_723 = vector.broadcast %jit3A_722 : f32 to vector<8x128xf32>
      %select_n3A_724 = arith.select %eq3A_721, %get3A_467, %broadcast_in_dim3A_723 : vector<8x128xi1>, vector<8x128xf32>
      %reduce_sum3A = arith.constant dense<0.000000e+00> : vector<8xf32>
      %reduce_sum3A_725 = vector.multi_reduction <add>, %select_n3A_724, %reduce_sum3A [1] : vector<8x128xf32> to vector<8xf32>
      %broadcast_in_dim3A_726 = vector.shape_cast %reduce_sum3A_725 : vector<8xf32> to vector<8x1xf32>
      %eq3A_727 = vector.broadcast %scan3A_720 : i32 to vector<8x128xi32>
      %eq3A_728 = arith.cmpi eq, %iota3A_480, %eq3A_727 : vector<8x128xi32>
      %jit3A_729 = arith.constant 0.000000e+00 : f32
      %broadcast_in_dim3A_730 = vector.broadcast %jit3A_729 : f32 to vector<8x128xf32>
      %select_n3A_731 = arith.select %eq3A_728, %get3A_470, %broadcast_in_dim3A_730 : vector<8x128xi1>, vector<8x128xf32>
      %reduce_sum3A_732 = arith.constant dense<0.000000e+00> : vector<8xf32>
      %reduce_sum3A_733 = vector.multi_reduction <add>, %select_n3A_731, %reduce_sum3A_732 [1] : vector<8x128xf32> to vector<8xf32>
      %broadcast_in_dim3A_734 = vector.shape_cast %reduce_sum3A_733 : vector<8xf32> to vector<8x1xf32>
      %eq3A_735 = vector.broadcast %scan3A_720 : i32 to vector<8x128xi32>
      %eq3A_736 = arith.cmpi eq, %iota3A_480, %eq3A_735 : vector<8x128xi32>
      %jit3A_737 = arith.constant 0.000000e+00 : f32
      %broadcast_in_dim3A_738 = vector.broadcast %jit3A_737 : f32 to vector<8x128xf32>
      %select_n3A_739 = arith.select %eq3A_736, %get3A_473, %broadcast_in_dim3A_738 : vector<8x128xi1>, vector<8x128xf32>
      %reduce_sum3A_740 = arith.constant dense<0.000000e+00> : vector<8xf32>
      %reduce_sum3A_741 = vector.multi_reduction <add>, %select_n3A_739, %reduce_sum3A_740 [1] : vector<8x128xf32> to vector<8xf32>
      %broadcast_in_dim3A_742 = vector.shape_cast %reduce_sum3A_741 : vector<8xf32> to vector<8x1xf32>
      %eq3A_743 = vector.broadcast %scan3A_720 : i32 to vector<8x128xi32>
      %eq3A_744 = arith.cmpi eq, %iota3A_480, %eq3A_743 : vector<8x128xi32>
      %jit3A_745 = arith.constant 0.000000e+00 : f32
      %broadcast_in_dim3A_746 = vector.broadcast %jit3A_745 : f32 to vector<8x128xf32>
      %select_n3A_747 = arith.select %eq3A_744, %get3A_476, %broadcast_in_dim3A_746 : vector<8x128xi1>, vector<8x128xf32>
      %reduce_sum3A_748 = arith.constant dense<0.000000e+00> : vector<8xf32>
      %reduce_sum3A_749 = vector.multi_reduction <add>, %select_n3A_747, %reduce_sum3A_748 [1] : vector<8x128xf32> to vector<8xf32>
      %broadcast_in_dim3A_750 = vector.shape_cast %reduce_sum3A_749 : vector<8xf32> to vector<8x1xf32>
      %eq3A_751 = vector.broadcast %scan3A_720 : i32 to vector<8x128xi32>
      %eq3A_752 = arith.cmpi eq, %iota3A_480, %eq3A_751 : vector<8x128xi32>
      %jit3A_753 = arith.constant 0.000000e+00 : f32
      %broadcast_in_dim3A_754 = vector.broadcast %jit3A_753 : f32 to vector<8x128xf32>
      %select_n3A_755 = arith.select %eq3A_752, %get3A_479, %broadcast_in_dim3A_754 : vector<8x128xi1>, vector<8x128xf32>
      %reduce_sum3A_756 = arith.constant dense<0.000000e+00> : vector<8xf32>
      %reduce_sum3A_757 = vector.multi_reduction <add>, %select_n3A_755, %reduce_sum3A_756 [1] : vector<8x128xf32> to vector<8xf32>
      %broadcast_in_dim3A_758 = vector.shape_cast %reduce_sum3A_757 : vector<8xf32> to vector<8x1xf32>
      %get3A_759 = arith.constant 0 : index
      %get3A_760 = arith.constant 1152 : index
      %get3A_761 = vector.load %arg14[%get3A_759, %get3A_760] : memref<8x2048xf32, #tpu.memory_space<vmem>>, vector<8x128xf32>
      %eq3A_762 = vector.broadcast %scan3A_720 : i32 to vector<8x128xi32>
      %eq3A_763 = arith.cmpi eq, %iota3A_480, %eq3A_762 : vector<8x128xi32>
      %jit3A_764 = arith.constant 0.000000e+00 : f32
      %broadcast_in_dim3A_765 = vector.broadcast %jit3A_764 : f32 to vector<8x128xf32>
      %select_n3A_766 = arith.select %eq3A_763, %get3A_761, %broadcast_in_dim3A_765 : vector<8x128xi1>, vector<8x128xf32>
      %reduce_sum3A_767 = arith.constant dense<0.000000e+00> : vector<8xf32>
      %reduce_sum3A_768 = vector.multi_reduction <add>, %select_n3A_766, %reduce_sum3A_767 [1] : vector<8x128xf32> to vector<8xf32>
      %broadcast_in_dim3A_769 = vector.shape_cast %reduce_sum3A_768 : vector<8xf32> to vector<8x1xf32>
      %max3A_770 = vector.broadcast %broadcast_in_dim3A_726 : vector<8x1xf32> to vector<8x896xf32>
      %max3A_771 = arith.maximumf %max3A_770, %get3A_451 : vector<8x896xf32>
      %max3A_772 = vector.broadcast %broadcast_in_dim3A_734 : vector<8x1xf32> to vector<8x896xf32>
      %max3A_773 = arith.maximumf %max3A_772, %get3A_454 : vector<8x896xf32>
      %min3A_774 = vector.broadcast %broadcast_in_dim3A_742 : vector<8x1xf32> to vector<8x896xf32>
      %min3A_775 = arith.minimumf %min3A_774, %get3A_457 : vector<8x896xf32>
      %min3A_776 = vector.broadcast %broadcast_in_dim3A_750 : vector<8x1xf32> to vector<8x896xf32>
      %min3A_777 = arith.minimumf %min3A_776, %get3A_460 : vector<8x896xf32>
      %sub3A_778 = arith.subf %min3A_775, %max3A_771 : vector<8x896xf32>
      %max3A_779 = arith.constant 0.000000e+00 : f32
      %max3A_780 = vector.broadcast %max3A_779 : f32 to vector<8x896xf32>
      %max3A_781 = arith.maximumf %sub3A_778, %max3A_780 : vector<8x896xf32>
      %sub3A_782 = arith.subf %min3A_777, %max3A_773 : vector<8x896xf32>
      %max3A_783 = arith.constant 0.000000e+00 : f32
      %max3A_784 = vector.broadcast %max3A_783 : f32 to vector<8x896xf32>
      %max3A_785 = arith.maximumf %sub3A_782, %max3A_784 : vector<8x896xf32>
      %mul3A_786 = arith.mulf %max3A_781, %max3A_785 : vector<8x896xf32>
      %add3A_787 = vector.broadcast %broadcast_in_dim3A_758 : vector<8x1xf32> to vector<8x896xf32>
      %add3A_788 = arith.addf %add3A_787, %get3A_463 : vector<8x896xf32>
      %sub3A_789 = arith.subf %add3A_788, %mul3A_786 : vector<8x896xf32>
      %max3A_790 = arith.constant 9.99999971E-10 : f32
      %max3A_791 = vector.broadcast %max3A_790 : f32 to vector<8x896xf32>
      %max3A_792 = arith.maximumf %sub3A_789, %max3A_791 : vector<8x896xf32>
      %mul3A_793 = arith.constant 0.699999988 : f32
      %mul3A_794 = vector.broadcast %mul3A_793 : f32 to vector<8x896xf32>
      %mul3A_795 = arith.mulf %mul3A_794, %max3A_792 : vector<8x896xf32>
      %gt3A_796 = arith.cmpf ogt, %mul3A_786, %mul3A_795 : vector<8x896xf32>
      %gt3A_797 = vector.broadcast %scan3A_720 : i32 to vector<8x896xi32>
      %gt3A_798 = arith.cmpi sgt, %iota3A_464, %gt3A_797 : vector<8x896xi32>
      %and3A_799 = arith.andi %gt3A_796, %gt3A_798 : vector<8x896xi1>
      %convert_element_type3A_800 = arith.extui %and3A_799 : vector<8x896xi1> to vector<8x896xi32>
      %convert_element_type3A_801 = arith.sitofp %convert_element_type3A_800 : vector<8x896xi32> to vector<8x896xf32>
      %mul3A_802 = vector.broadcast %broadcast_in_dim3A_769 : vector<8x1xf32> to vector<8x896xf32>
      %mul3A_803 = arith.mulf %convert_element_type3A_801, %mul3A_802 : vector<8x896xf32>
      %get3A_804 = arith.constant 0 : index
      %get3A_805 = arith.constant 1152 : index
      %get3A_806 = vector.load %arg14[%get3A_804, %get3A_805] : memref<8x2048xf32, #tpu.memory_space<vmem>>, vector<8x896xf32>
      %sub3A_807 = arith.constant 1.000000e+00 : f32
      %sub3A_808 = vector.broadcast %sub3A_807 : f32 to vector<8x896xf32>
      %sub3A_809 = arith.subf %sub3A_808, %mul3A_803 : vector<8x896xf32>
      %mul3A_810 = arith.mulf %get3A_806, %sub3A_809 : vector<8x896xf32>
      %swap3A_811 = arith.constant 0 : index
      %swap3A_812 = arith.constant 1152 : index
      %swap3A_813 = vector.load %arg14[%swap3A_811, %swap3A_812] : memref<8x2048xf32, #tpu.memory_space<vmem>>, vector<8x896xf32>
      tpu.vector_store %arg14[%swap3A_811, %swap3A_812], %mul3A_810 {strides = array<i32>} : memref<8x2048xf32, #tpu.memory_space<vmem>>, vector<8x896xf32>,
    }
    %scan3A_485 = arith.constant 128 : i32
    %get3A_486 = arith.constant 0 : index
    %get3A_487 = arith.constant 1280 : index
    %get3A_488 = vector.load %arg9[%get3A_486, %get3A_487] : memref<8x2048xf32, #tpu.memory_space<vmem>>, vector<8x768xf32>
    %get3A_489 = arith.constant 0 : index
    %get3A_490 = arith.constant 1280 : index
    %get3A_491 = vector.load %arg10[%get3A_489, %get3A_490] : memref<8x2048xf32, #tpu.memory_space<vmem>>, vector<8x768xf32>
    %get3A_492 = arith.constant 0 : index
    %get3A_493 = arith.constant 1280 : index
    %get3A_494 = vector.load %arg11[%get3A_492, %get3A_493] : memref<8x2048xf32, #tpu.memory_space<vmem>>, vector<8x768xf32>
    %get3A_495 = arith.constant 0 : index
    %get3A_496 = arith.constant 1280 : index
    %get3A_497 = vector.load %arg12[%get3A_495, %get3A_496] : memref<8x2048xf32, #tpu.memory_space<vmem>>, vector<8x768xf32>
    %get3A_498 = arith.constant 0 : index
    %get3A_499 = arith.constant 1280 : index
    %get3A_500 = vector.load %arg15[%get3A_498, %get3A_499] : memref<8x2048xf32, #tpu.memory_space<vmem>>, vector<8x768xf32>
    %iota3A_501 = tpu.iota {dimensions = array<i32: 1>} : vector<8x768xi32>
    %get3A_502 = arith.constant 0 : index
    %get3A_503 = arith.constant 1280 : index
    %get3A_504 = vector.load %arg9[%get3A_502, %get3A_503] : memref<8x2048xf32, #tpu.memory_space<vmem>>, vector<8x128xf32>
    %get3A_505 = arith.constant 0 : index
    %get3A_506 = arith.constant 1280 : index
    %get3A_507 = vector.load %arg10[%get3A_505, %get3A_506] : memref<8x2048xf32, #tpu.memory_space<vmem>>, vector<8x128xf32>
    %get3A_508 = arith.constant 0 : index
    %get3A_509 = arith.constant 1280 : index
    %get3A_510 = vector.load %arg11[%get3A_508, %get3A_509] : memref<8x2048xf32, #tpu.memory_space<vmem>>, vector<8x128xf32>
    %get3A_511 = arith.constant 0 : index
    %get3A_512 = arith.constant 1280 : index
    %get3A_513 = vector.load %arg12[%get3A_511, %get3A_512] : memref<8x2048xf32, #tpu.memory_space<vmem>>, vector<8x128xf32>
    %get3A_514 = arith.constant 0 : index
    %get3A_515 = arith.constant 1280 : index
    %get3A_516 = vector.load %arg15[%get3A_514, %get3A_515] : memref<8x2048xf32, #tpu.memory_space<vmem>>, vector<8x128xf32>
    %iota3A_517 = tpu.iota {dimensions = array<i32: 1>} : vector<8x128xi32>
    %scan3A_518 = arith.constant 0 : i32
    %scan3A_519 = arith.constant 128 : i32
    %scan3A_520 = arith.addi %scan3A_518, %scan3A_519 : i32
    %scan3A_521 = arith.constant 1 : i32
    scf.for %scan3A_720 = %scan3A_518 to %scan3A_520 step %scan3A_521  : i32 {
      %eq3A = vector.broadcast %scan3A_720 : i32 to vector<8x128xi32>
      %eq3A_721 = arith.cmpi eq, %iota3A_517, %eq3A : vector<8x128xi32>
      %jit3A_722 = arith.constant 0.000000e+00 : f32
      %broadcast_in_dim3A_723 = vector.broadcast %jit3A_722 : f32 to vector<8x128xf32>
      %select_n3A_724 = arith.select %eq3A_721, %get3A_504, %broadcast_in_dim3A_723 : vector<8x128xi1>, vector<8x128xf32>
      %reduce_sum3A = arith.constant dense<0.000000e+00> : vector<8xf32>
      %reduce_sum3A_725 = vector.multi_reduction <add>, %select_n3A_724, %reduce_sum3A [1] : vector<8x128xf32> to vector<8xf32>
      %broadcast_in_dim3A_726 = vector.shape_cast %reduce_sum3A_725 : vector<8xf32> to vector<8x1xf32>
      %eq3A_727 = vector.broadcast %scan3A_720 : i32 to vector<8x128xi32>
      %eq3A_728 = arith.cmpi eq, %iota3A_517, %eq3A_727 : vector<8x128xi32>
      %jit3A_729 = arith.constant 0.000000e+00 : f32
      %broadcast_in_dim3A_730 = vector.broadcast %jit3A_729 : f32 to vector<8x128xf32>
      %select_n3A_731 = arith.select %eq3A_728, %get3A_507, %broadcast_in_dim3A_730 : vector<8x128xi1>, vector<8x128xf32>
      %reduce_sum3A_732 = arith.constant dense<0.000000e+00> : vector<8xf32>
      %reduce_sum3A_733 = vector.multi_reduction <add>, %select_n3A_731, %reduce_sum3A_732 [1] : vector<8x128xf32> to vector<8xf32>
      %broadcast_in_dim3A_734 = vector.shape_cast %reduce_sum3A_733 : vector<8xf32> to vector<8x1xf32>
      %eq3A_735 = vector.broadcast %scan3A_720 : i32 to vector<8x128xi32>
      %eq3A_736 = arith.cmpi eq, %iota3A_517, %eq3A_735 : vector<8x128xi32>
      %jit3A_737 = arith.constant 0.000000e+00 : f32
      %broadcast_in_dim3A_738 = vector.broadcast %jit3A_737 : f32 to vector<8x128xf32>
      %select_n3A_739 = arith.select %eq3A_736, %get3A_510, %broadcast_in_dim3A_738 : vector<8x128xi1>, vector<8x128xf32>
      %reduce_sum3A_740 = arith.constant dense<0.000000e+00> : vector<8xf32>
      %reduce_sum3A_741 = vector.multi_reduction <add>, %select_n3A_739, %reduce_sum3A_740 [1] : vector<8x128xf32> to vector<8xf32>
      %broadcast_in_dim3A_742 = vector.shape_cast %reduce_sum3A_741 : vector<8xf32> to vector<8x1xf32>
      %eq3A_743 = vector.broadcast %scan3A_720 : i32 to vector<8x128xi32>
      %eq3A_744 = arith.cmpi eq, %iota3A_517, %eq3A_743 : vector<8x128xi32>
      %jit3A_745 = arith.constant 0.000000e+00 : f32
      %broadcast_in_dim3A_746 = vector.broadcast %jit3A_745 : f32 to vector<8x128xf32>
      %select_n3A_747 = arith.select %eq3A_744, %get3A_513, %broadcast_in_dim3A_746 : vector<8x128xi1>, vector<8x128xf32>
      %reduce_sum3A_748 = arith.constant dense<0.000000e+00> : vector<8xf32>
      %reduce_sum3A_749 = vector.multi_reduction <add>, %select_n3A_747, %reduce_sum3A_748 [1] : vector<8x128xf32> to vector<8xf32>
      %broadcast_in_dim3A_750 = vector.shape_cast %reduce_sum3A_749 : vector<8xf32> to vector<8x1xf32>
      %eq3A_751 = vector.broadcast %scan3A_720 : i32 to vector<8x128xi32>
      %eq3A_752 = arith.cmpi eq, %iota3A_517, %eq3A_751 : vector<8x128xi32>
      %jit3A_753 = arith.constant 0.000000e+00 : f32
      %broadcast_in_dim3A_754 = vector.broadcast %jit3A_753 : f32 to vector<8x128xf32>
      %select_n3A_755 = arith.select %eq3A_752, %get3A_516, %broadcast_in_dim3A_754 : vector<8x128xi1>, vector<8x128xf32>
      %reduce_sum3A_756 = arith.constant dense<0.000000e+00> : vector<8xf32>
      %reduce_sum3A_757 = vector.multi_reduction <add>, %select_n3A_755, %reduce_sum3A_756 [1] : vector<8x128xf32> to vector<8xf32>
      %broadcast_in_dim3A_758 = vector.shape_cast %reduce_sum3A_757 : vector<8xf32> to vector<8x1xf32>
      %get3A_759 = arith.constant 0 : index
      %get3A_760 = arith.constant 1280 : index
      %get3A_761 = vector.load %arg14[%get3A_759, %get3A_760] : memref<8x2048xf32, #tpu.memory_space<vmem>>, vector<8x128xf32>
      %eq3A_762 = vector.broadcast %scan3A_720 : i32 to vector<8x128xi32>
      %eq3A_763 = arith.cmpi eq, %iota3A_517, %eq3A_762 : vector<8x128xi32>
      %jit3A_764 = arith.constant 0.000000e+00 : f32
      %broadcast_in_dim3A_765 = vector.broadcast %jit3A_764 : f32 to vector<8x128xf32>
      %select_n3A_766 = arith.select %eq3A_763, %get3A_761, %broadcast_in_dim3A_765 : vector<8x128xi1>, vector<8x128xf32>
      %reduce_sum3A_767 = arith.constant dense<0.000000e+00> : vector<8xf32>
      %reduce_sum3A_768 = vector.multi_reduction <add>, %select_n3A_766, %reduce_sum3A_767 [1] : vector<8x128xf32> to vector<8xf32>
      %broadcast_in_dim3A_769 = vector.shape_cast %reduce_sum3A_768 : vector<8xf32> to vector<8x1xf32>
      %max3A_770 = vector.broadcast %broadcast_in_dim3A_726 : vector<8x1xf32> to vector<8x768xf32>
      %max3A_771 = arith.maximumf %max3A_770, %get3A_488 : vector<8x768xf32>
      %max3A_772 = vector.broadcast %broadcast_in_dim3A_734 : vector<8x1xf32> to vector<8x768xf32>
      %max3A_773 = arith.maximumf %max3A_772, %get3A_491 : vector<8x768xf32>
      %min3A_774 = vector.broadcast %broadcast_in_dim3A_742 : vector<8x1xf32> to vector<8x768xf32>
      %min3A_775 = arith.minimumf %min3A_774, %get3A_494 : vector<8x768xf32>
      %min3A_776 = vector.broadcast %broadcast_in_dim3A_750 : vector<8x1xf32> to vector<8x768xf32>
      %min3A_777 = arith.minimumf %min3A_776, %get3A_497 : vector<8x768xf32>
      %sub3A_778 = arith.subf %min3A_775, %max3A_771 : vector<8x768xf32>
      %max3A_779 = arith.constant 0.000000e+00 : f32
      %max3A_780 = vector.broadcast %max3A_779 : f32 to vector<8x768xf32>
      %max3A_781 = arith.maximumf %sub3A_778, %max3A_780 : vector<8x768xf32>
      %sub3A_782 = arith.subf %min3A_777, %max3A_773 : vector<8x768xf32>
      %max3A_783 = arith.constant 0.000000e+00 : f32
      %max3A_784 = vector.broadcast %max3A_783 : f32 to vector<8x768xf32>
      %max3A_785 = arith.maximumf %sub3A_782, %max3A_784 : vector<8x768xf32>
      %mul3A_786 = arith.mulf %max3A_781, %max3A_785 : vector<8x768xf32>
      %add3A_787 = vector.broadcast %broadcast_in_dim3A_758 : vector<8x1xf32> to vector<8x768xf32>
      %add3A_788 = arith.addf %add3A_787, %get3A_500 : vector<8x768xf32>
      %sub3A_789 = arith.subf %add3A_788, %mul3A_786 : vector<8x768xf32>
      %max3A_790 = arith.constant 9.99999971E-10 : f32
      %max3A_791 = vector.broadcast %max3A_790 : f32 to vector<8x768xf32>
      %max3A_792 = arith.maximumf %sub3A_789, %max3A_791 : vector<8x768xf32>
      %mul3A_793 = arith.constant 0.699999988 : f32
      %mul3A_794 = vector.broadcast %mul3A_793 : f32 to vector<8x768xf32>
      %mul3A_795 = arith.mulf %mul3A_794, %max3A_792 : vector<8x768xf32>
      %gt3A_796 = arith.cmpf ogt, %mul3A_786, %mul3A_795 : vector<8x768xf32>
      %gt3A_797 = vector.broadcast %scan3A_720 : i32 to vector<8x768xi32>
      %gt3A_798 = arith.cmpi sgt, %iota3A_501, %gt3A_797 : vector<8x768xi32>
      %and3A_799 = arith.andi %gt3A_796, %gt3A_798 : vector<8x768xi1>
      %convert_element_type3A_800 = arith.extui %and3A_799 : vector<8x768xi1> to vector<8x768xi32>
      %convert_element_type3A_801 = arith.sitofp %convert_element_type3A_800 : vector<8x768xi32> to vector<8x768xf32>
      %mul3A_802 = vector.broadcast %broadcast_in_dim3A_769 : vector<8x1xf32> to vector<8x768xf32>
      %mul3A_803 = arith.mulf %convert_element_type3A_801, %mul3A_802 : vector<8x768xf32>
      %get3A_804 = arith.constant 0 : index
      %get3A_805 = arith.constant 1280 : index
      %get3A_806 = vector.load %arg14[%get3A_804, %get3A_805] : memref<8x2048xf32, #tpu.memory_space<vmem>>, vector<8x768xf32>
      %sub3A_807 = arith.constant 1.000000e+00 : f32
      %sub3A_808 = vector.broadcast %sub3A_807 : f32 to vector<8x768xf32>
      %sub3A_809 = arith.subf %sub3A_808, %mul3A_803 : vector<8x768xf32>
      %mul3A_810 = arith.mulf %get3A_806, %sub3A_809 : vector<8x768xf32>
      %swap3A_811 = arith.constant 0 : index
      %swap3A_812 = arith.constant 1280 : index
      %swap3A_813 = vector.load %arg14[%swap3A_811, %swap3A_812] : memref<8x2048xf32, #tpu.memory_space<vmem>>, vector<8x768xf32>
      tpu.vector_store %arg14[%swap3A_811, %swap3A_812], %mul3A_810 {strides = array<i32>} : memref<8x2048xf32, #tpu.memory_space<vmem>>, vector<8x768xf32>,
    }
    %scan3A_522 = arith.constant 128 : i32
    %get3A_523 = arith.constant 0 : index
    %get3A_524 = arith.constant 1408 : index
    %get3A_525 = vector.load %arg9[%get3A_523, %get3A_524] : memref<8x2048xf32, #tpu.memory_space<vmem>>, vector<8x640xf32>
    %get3A_526 = arith.constant 0 : index
    %get3A_527 = arith.constant 1408 : index
    %get3A_528 = vector.load %arg10[%get3A_526, %get3A_527] : memref<8x2048xf32, #tpu.memory_space<vmem>>, vector<8x640xf32>
    %get3A_529 = arith.constant 0 : index
    %get3A_530 = arith.constant 1408 : index
    %get3A_531 = vector.load %arg11[%get3A_529, %get3A_530] : memref<8x2048xf32, #tpu.memory_space<vmem>>, vector<8x640xf32>
    %get3A_532 = arith.constant 0 : index
    %get3A_533 = arith.constant 1408 : index
    %get3A_534 = vector.load %arg12[%get3A_532, %get3A_533] : memref<8x2048xf32, #tpu.memory_space<vmem>>, vector<8x640xf32>
    %get3A_535 = arith.constant 0 : index
    %get3A_536 = arith.constant 1408 : index
    %get3A_537 = vector.load %arg15[%get3A_535, %get3A_536] : memref<8x2048xf32, #tpu.memory_space<vmem>>, vector<8x640xf32>
    %iota3A_538 = tpu.iota {dimensions = array<i32: 1>} : vector<8x640xi32>
    %get3A_539 = arith.constant 0 : index
    %get3A_540 = arith.constant 1408 : index
    %get3A_541 = vector.load %arg9[%get3A_539, %get3A_540] : memref<8x2048xf32, #tpu.memory_space<vmem>>, vector<8x128xf32>
    %get3A_542 = arith.constant 0 : index
    %get3A_543 = arith.constant 1408 : index
    %get3A_544 = vector.load %arg10[%get3A_542, %get3A_543] : memref<8x2048xf32, #tpu.memory_space<vmem>>, vector<8x128xf32>
    %get3A_545 = arith.constant 0 : index
    %get3A_546 = arith.constant 1408 : index
    %get3A_547 = vector.load %arg11[%get3A_545, %get3A_546] : memref<8x2048xf32, #tpu.memory_space<vmem>>, vector<8x128xf32>
    %get3A_548 = arith.constant 0 : index
    %get3A_549 = arith.constant 1408 : index
    %get3A_550 = vector.load %arg12[%get3A_548, %get3A_549] : memref<8x2048xf32, #tpu.memory_space<vmem>>, vector<8x128xf32>
    %get3A_551 = arith.constant 0 : index
    %get3A_552 = arith.constant 1408 : index
    %get3A_553 = vector.load %arg15[%get3A_551, %get3A_552] : memref<8x2048xf32, #tpu.memory_space<vmem>>, vector<8x128xf32>
    %iota3A_554 = tpu.iota {dimensions = array<i32: 1>} : vector<8x128xi32>
    %scan3A_555 = arith.constant 0 : i32
    %scan3A_556 = arith.constant 128 : i32
    %scan3A_557 = arith.addi %scan3A_555, %scan3A_556 : i32
    %scan3A_558 = arith.constant 1 : i32
    scf.for %scan3A_720 = %scan3A_555 to %scan3A_557 step %scan3A_558  : i32 {
      %eq3A = vector.broadcast %scan3A_720 : i32 to vector<8x128xi32>
      %eq3A_721 = arith.cmpi eq, %iota3A_554, %eq3A : vector<8x128xi32>
      %jit3A_722 = arith.constant 0.000000e+00 : f32
      %broadcast_in_dim3A_723 = vector.broadcast %jit3A_722 : f32 to vector<8x128xf32>
      %select_n3A_724 = arith.select %eq3A_721, %get3A_541, %broadcast_in_dim3A_723 : vector<8x128xi1>, vector<8x128xf32>
      %reduce_sum3A = arith.constant dense<0.000000e+00> : vector<8xf32>
      %reduce_sum3A_725 = vector.multi_reduction <add>, %select_n3A_724, %reduce_sum3A [1] : vector<8x128xf32> to vector<8xf32>
      %broadcast_in_dim3A_726 = vector.shape_cast %reduce_sum3A_725 : vector<8xf32> to vector<8x1xf32>
      %eq3A_727 = vector.broadcast %scan3A_720 : i32 to vector<8x128xi32>
      %eq3A_728 = arith.cmpi eq, %iota3A_554, %eq3A_727 : vector<8x128xi32>
      %jit3A_729 = arith.constant 0.000000e+00 : f32
      %broadcast_in_dim3A_730 = vector.broadcast %jit3A_729 : f32 to vector<8x128xf32>
      %select_n3A_731 = arith.select %eq3A_728, %get3A_544, %broadcast_in_dim3A_730 : vector<8x128xi1>, vector<8x128xf32>
      %reduce_sum3A_732 = arith.constant dense<0.000000e+00> : vector<8xf32>
      %reduce_sum3A_733 = vector.multi_reduction <add>, %select_n3A_731, %reduce_sum3A_732 [1] : vector<8x128xf32> to vector<8xf32>
      %broadcast_in_dim3A_734 = vector.shape_cast %reduce_sum3A_733 : vector<8xf32> to vector<8x1xf32>
      %eq3A_735 = vector.broadcast %scan3A_720 : i32 to vector<8x128xi32>
      %eq3A_736 = arith.cmpi eq, %iota3A_554, %eq3A_735 : vector<8x128xi32>
      %jit3A_737 = arith.constant 0.000000e+00 : f32
      %broadcast_in_dim3A_738 = vector.broadcast %jit3A_737 : f32 to vector<8x128xf32>
      %select_n3A_739 = arith.select %eq3A_736, %get3A_547, %broadcast_in_dim3A_738 : vector<8x128xi1>, vector<8x128xf32>
      %reduce_sum3A_740 = arith.constant dense<0.000000e+00> : vector<8xf32>
      %reduce_sum3A_741 = vector.multi_reduction <add>, %select_n3A_739, %reduce_sum3A_740 [1] : vector<8x128xf32> to vector<8xf32>
      %broadcast_in_dim3A_742 = vector.shape_cast %reduce_sum3A_741 : vector<8xf32> to vector<8x1xf32>
      %eq3A_743 = vector.broadcast %scan3A_720 : i32 to vector<8x128xi32>
      %eq3A_744 = arith.cmpi eq, %iota3A_554, %eq3A_743 : vector<8x128xi32>
      %jit3A_745 = arith.constant 0.000000e+00 : f32
      %broadcast_in_dim3A_746 = vector.broadcast %jit3A_745 : f32 to vector<8x128xf32>
      %select_n3A_747 = arith.select %eq3A_744, %get3A_550, %broadcast_in_dim3A_746 : vector<8x128xi1>, vector<8x128xf32>
      %reduce_sum3A_748 = arith.constant dense<0.000000e+00> : vector<8xf32>
      %reduce_sum3A_749 = vector.multi_reduction <add>, %select_n3A_747, %reduce_sum3A_748 [1] : vector<8x128xf32> to vector<8xf32>
      %broadcast_in_dim3A_750 = vector.shape_cast %reduce_sum3A_749 : vector<8xf32> to vector<8x1xf32>
      %eq3A_751 = vector.broadcast %scan3A_720 : i32 to vector<8x128xi32>
      %eq3A_752 = arith.cmpi eq, %iota3A_554, %eq3A_751 : vector<8x128xi32>
      %jit3A_753 = arith.constant 0.000000e+00 : f32
      %broadcast_in_dim3A_754 = vector.broadcast %jit3A_753 : f32 to vector<8x128xf32>
      %select_n3A_755 = arith.select %eq3A_752, %get3A_553, %broadcast_in_dim3A_754 : vector<8x128xi1>, vector<8x128xf32>
      %reduce_sum3A_756 = arith.constant dense<0.000000e+00> : vector<8xf32>
      %reduce_sum3A_757 = vector.multi_reduction <add>, %select_n3A_755, %reduce_sum3A_756 [1] : vector<8x128xf32> to vector<8xf32>
      %broadcast_in_dim3A_758 = vector.shape_cast %reduce_sum3A_757 : vector<8xf32> to vector<8x1xf32>
      %get3A_759 = arith.constant 0 : index
      %get3A_760 = arith.constant 1408 : index
      %get3A_761 = vector.load %arg14[%get3A_759, %get3A_760] : memref<8x2048xf32, #tpu.memory_space<vmem>>, vector<8x128xf32>
      %eq3A_762 = vector.broadcast %scan3A_720 : i32 to vector<8x128xi32>
      %eq3A_763 = arith.cmpi eq, %iota3A_554, %eq3A_762 : vector<8x128xi32>
      %jit3A_764 = arith.constant 0.000000e+00 : f32
      %broadcast_in_dim3A_765 = vector.broadcast %jit3A_764 : f32 to vector<8x128xf32>
      %select_n3A_766 = arith.select %eq3A_763, %get3A_761, %broadcast_in_dim3A_765 : vector<8x128xi1>, vector<8x128xf32>
      %reduce_sum3A_767 = arith.constant dense<0.000000e+00> : vector<8xf32>
      %reduce_sum3A_768 = vector.multi_reduction <add>, %select_n3A_766, %reduce_sum3A_767 [1] : vector<8x128xf32> to vector<8xf32>
      %broadcast_in_dim3A_769 = vector.shape_cast %reduce_sum3A_768 : vector<8xf32> to vector<8x1xf32>
      %max3A_770 = vector.broadcast %broadcast_in_dim3A_726 : vector<8x1xf32> to vector<8x640xf32>
      %max3A_771 = arith.maximumf %max3A_770, %get3A_525 : vector<8x640xf32>
      %max3A_772 = vector.broadcast %broadcast_in_dim3A_734 : vector<8x1xf32> to vector<8x640xf32>
      %max3A_773 = arith.maximumf %max3A_772, %get3A_528 : vector<8x640xf32>
      %min3A_774 = vector.broadcast %broadcast_in_dim3A_742 : vector<8x1xf32> to vector<8x640xf32>
      %min3A_775 = arith.minimumf %min3A_774, %get3A_531 : vector<8x640xf32>
      %min3A_776 = vector.broadcast %broadcast_in_dim3A_750 : vector<8x1xf32> to vector<8x640xf32>
      %min3A_777 = arith.minimumf %min3A_776, %get3A_534 : vector<8x640xf32>
      %sub3A_778 = arith.subf %min3A_775, %max3A_771 : vector<8x640xf32>
      %max3A_779 = arith.constant 0.000000e+00 : f32
      %max3A_780 = vector.broadcast %max3A_779 : f32 to vector<8x640xf32>
      %max3A_781 = arith.maximumf %sub3A_778, %max3A_780 : vector<8x640xf32>
      %sub3A_782 = arith.subf %min3A_777, %max3A_773 : vector<8x640xf32>
      %max3A_783 = arith.constant 0.000000e+00 : f32
      %max3A_784 = vector.broadcast %max3A_783 : f32 to vector<8x640xf32>
      %max3A_785 = arith.maximumf %sub3A_782, %max3A_784 : vector<8x640xf32>
      %mul3A_786 = arith.mulf %max3A_781, %max3A_785 : vector<8x640xf32>
      %add3A_787 = vector.broadcast %broadcast_in_dim3A_758 : vector<8x1xf32> to vector<8x640xf32>
      %add3A_788 = arith.addf %add3A_787, %get3A_537 : vector<8x640xf32>
      %sub3A_789 = arith.subf %add3A_788, %mul3A_786 : vector<8x640xf32>
      %max3A_790 = arith.constant 9.99999971E-10 : f32
      %max3A_791 = vector.broadcast %max3A_790 : f32 to vector<8x640xf32>
      %max3A_792 = arith.maximumf %sub3A_789, %max3A_791 : vector<8x640xf32>
      %mul3A_793 = arith.constant 0.699999988 : f32
      %mul3A_794 = vector.broadcast %mul3A_793 : f32 to vector<8x640xf32>
      %mul3A_795 = arith.mulf %mul3A_794, %max3A_792 : vector<8x640xf32>
      %gt3A_796 = arith.cmpf ogt, %mul3A_786, %mul3A_795 : vector<8x640xf32>
      %gt3A_797 = vector.broadcast %scan3A_720 : i32 to vector<8x640xi32>
      %gt3A_798 = arith.cmpi sgt, %iota3A_538, %gt3A_797 : vector<8x640xi32>
      %and3A_799 = arith.andi %gt3A_796, %gt3A_798 : vector<8x640xi1>
      %convert_element_type3A_800 = arith.extui %and3A_799 : vector<8x640xi1> to vector<8x640xi32>
      %convert_element_type3A_801 = arith.sitofp %convert_element_type3A_800 : vector<8x640xi32> to vector<8x640xf32>
      %mul3A_802 = vector.broadcast %broadcast_in_dim3A_769 : vector<8x1xf32> to vector<8x640xf32>
      %mul3A_803 = arith.mulf %convert_element_type3A_801, %mul3A_802 : vector<8x640xf32>
      %get3A_804 = arith.constant 0 : index
      %get3A_805 = arith.constant 1408 : index
      %get3A_806 = vector.load %arg14[%get3A_804, %get3A_805] : memref<8x2048xf32, #tpu.memory_space<vmem>>, vector<8x640xf32>
      %sub3A_807 = arith.constant 1.000000e+00 : f32
      %sub3A_808 = vector.broadcast %sub3A_807 : f32 to vector<8x640xf32>
      %sub3A_809 = arith.subf %sub3A_808, %mul3A_803 : vector<8x640xf32>
      %mul3A_810 = arith.mulf %get3A_806, %sub3A_809 : vector<8x640xf32>
      %swap3A_811 = arith.constant 0 : index
      %swap3A_812 = arith.constant 1408 : index
      %swap3A_813 = vector.load %arg14[%swap3A_811, %swap3A_812] : memref<8x2048xf32, #tpu.memory_space<vmem>>, vector<8x640xf32>
      tpu.vector_store %arg14[%swap3A_811, %swap3A_812], %mul3A_810 {strides = array<i32>} : memref<8x2048xf32, #tpu.memory_space<vmem>>, vector<8x640xf32>,
    }
    %scan3A_559 = arith.constant 128 : i32
    %get3A_560 = arith.constant 0 : index
    %get3A_561 = arith.constant 1536 : index
    %get3A_562 = vector.load %arg9[%get3A_560, %get3A_561] : memref<8x2048xf32, #tpu.memory_space<vmem>>, vector<8x512xf32>
    %get3A_563 = arith.constant 0 : index
    %get3A_564 = arith.constant 1536 : index
    %get3A_565 = vector.load %arg10[%get3A_563, %get3A_564] : memref<8x2048xf32, #tpu.memory_space<vmem>>, vector<8x512xf32>
    %get3A_566 = arith.constant 0 : index
    %get3A_567 = arith.constant 1536 : index
    %get3A_568 = vector.load %arg11[%get3A_566, %get3A_567] : memref<8x2048xf32, #tpu.memory_space<vmem>>, vector<8x512xf32>
    %get3A_569 = arith.constant 0 : index
    %get3A_570 = arith.constant 1536 : index
    %get3A_571 = vector.load %arg12[%get3A_569, %get3A_570] : memref<8x2048xf32, #tpu.memory_space<vmem>>, vector<8x512xf32>
    %get3A_572 = arith.constant 0 : index
    %get3A_573 = arith.constant 1536 : index
    %get3A_574 = vector.load %arg15[%get3A_572, %get3A_573] : memref<8x2048xf32, #tpu.memory_space<vmem>>, vector<8x512xf32>
    %iota3A_575 = tpu.iota {dimensions = array<i32: 1>} : vector<8x512xi32>
    %get3A_576 = arith.constant 0 : index
    %get3A_577 = arith.constant 1536 : index
    %get3A_578 = vector.load %arg9[%get3A_576, %get3A_577] : memref<8x2048xf32, #tpu.memory_space<vmem>>, vector<8x128xf32>
    %get3A_579 = arith.constant 0 : index
    %get3A_580 = arith.constant 1536 : index
    %get3A_581 = vector.load %arg10[%get3A_579, %get3A_580] : memref<8x2048xf32, #tpu.memory_space<vmem>>, vector<8x128xf32>
    %get3A_582 = arith.constant 0 : index
    %get3A_583 = arith.constant 1536 : index
    %get3A_584 = vector.load %arg11[%get3A_582, %get3A_583] : memref<8x2048xf32, #tpu.memory_space<vmem>>, vector<8x128xf32>
    %get3A_585 = arith.constant 0 : index
    %get3A_586 = arith.constant 1536 : index
    %get3A_587 = vector.load %arg12[%get3A_585, %get3A_586] : memref<8x2048xf32, #tpu.memory_space<vmem>>, vector<8x128xf32>
    %get3A_588 = arith.constant 0 : index
    %get3A_589 = arith.constant 1536 : index
    %get3A_590 = vector.load %arg15[%get3A_588, %get3A_589] : memref<8x2048xf32, #tpu.memory_space<vmem>>, vector<8x128xf32>
    %iota3A_591 = tpu.iota {dimensions = array<i32: 1>} : vector<8x128xi32>
    %scan3A_592 = arith.constant 0 : i32
    %scan3A_593 = arith.constant 128 : i32
    %scan3A_594 = arith.addi %scan3A_592, %scan3A_593 : i32
    %scan3A_595 = arith.constant 1 : i32
    scf.for %scan3A_720 = %scan3A_592 to %scan3A_594 step %scan3A_595  : i32 {
      %eq3A = vector.broadcast %scan3A_720 : i32 to vector<8x128xi32>
      %eq3A_721 = arith.cmpi eq, %iota3A_591, %eq3A : vector<8x128xi32>
      %jit3A_722 = arith.constant 0.000000e+00 : f32
      %broadcast_in_dim3A_723 = vector.broadcast %jit3A_722 : f32 to vector<8x128xf32>
      %select_n3A_724 = arith.select %eq3A_721, %get3A_578, %broadcast_in_dim3A_723 : vector<8x128xi1>, vector<8x128xf32>
      %reduce_sum3A = arith.constant dense<0.000000e+00> : vector<8xf32>
      %reduce_sum3A_725 = vector.multi_reduction <add>, %select_n3A_724, %reduce_sum3A [1] : vector<8x128xf32> to vector<8xf32>
      %broadcast_in_dim3A_726 = vector.shape_cast %reduce_sum3A_725 : vector<8xf32> to vector<8x1xf32>
      %eq3A_727 = vector.broadcast %scan3A_720 : i32 to vector<8x128xi32>
      %eq3A_728 = arith.cmpi eq, %iota3A_591, %eq3A_727 : vector<8x128xi32>
      %jit3A_729 = arith.constant 0.000000e+00 : f32
      %broadcast_in_dim3A_730 = vector.broadcast %jit3A_729 : f32 to vector<8x128xf32>
      %select_n3A_731 = arith.select %eq3A_728, %get3A_581, %broadcast_in_dim3A_730 : vector<8x128xi1>, vector<8x128xf32>
      %reduce_sum3A_732 = arith.constant dense<0.000000e+00> : vector<8xf32>
      %reduce_sum3A_733 = vector.multi_reduction <add>, %select_n3A_731, %reduce_sum3A_732 [1] : vector<8x128xf32> to vector<8xf32>
      %broadcast_in_dim3A_734 = vector.shape_cast %reduce_sum3A_733 : vector<8xf32> to vector<8x1xf32>
      %eq3A_735 = vector.broadcast %scan3A_720 : i32 to vector<8x128xi32>
      %eq3A_736 = arith.cmpi eq, %iota3A_591, %eq3A_735 : vector<8x128xi32>
      %jit3A_737 = arith.constant 0.000000e+00 : f32
      %broadcast_in_dim3A_738 = vector.broadcast %jit3A_737 : f32 to vector<8x128xf32>
      %select_n3A_739 = arith.select %eq3A_736, %get3A_584, %broadcast_in_dim3A_738 : vector<8x128xi1>, vector<8x128xf32>
      %reduce_sum3A_740 = arith.constant dense<0.000000e+00> : vector<8xf32>
      %reduce_sum3A_741 = vector.multi_reduction <add>, %select_n3A_739, %reduce_sum3A_740 [1] : vector<8x128xf32> to vector<8xf32>
      %broadcast_in_dim3A_742 = vector.shape_cast %reduce_sum3A_741 : vector<8xf32> to vector<8x1xf32>
      %eq3A_743 = vector.broadcast %scan3A_720 : i32 to vector<8x128xi32>
      %eq3A_744 = arith.cmpi eq, %iota3A_591, %eq3A_743 : vector<8x128xi32>
      %jit3A_745 = arith.constant 0.000000e+00 : f32
      %broadcast_in_dim3A_746 = vector.broadcast %jit3A_745 : f32 to vector<8x128xf32>
      %select_n3A_747 = arith.select %eq3A_744, %get3A_587, %broadcast_in_dim3A_746 : vector<8x128xi1>, vector<8x128xf32>
      %reduce_sum3A_748 = arith.constant dense<0.000000e+00> : vector<8xf32>
      %reduce_sum3A_749 = vector.multi_reduction <add>, %select_n3A_747, %reduce_sum3A_748 [1] : vector<8x128xf32> to vector<8xf32>
      %broadcast_in_dim3A_750 = vector.shape_cast %reduce_sum3A_749 : vector<8xf32> to vector<8x1xf32>
      %eq3A_751 = vector.broadcast %scan3A_720 : i32 to vector<8x128xi32>
      %eq3A_752 = arith.cmpi eq, %iota3A_591, %eq3A_751 : vector<8x128xi32>
      %jit3A_753 = arith.constant 0.000000e+00 : f32
      %broadcast_in_dim3A_754 = vector.broadcast %jit3A_753 : f32 to vector<8x128xf32>
      %select_n3A_755 = arith.select %eq3A_752, %get3A_590, %broadcast_in_dim3A_754 : vector<8x128xi1>, vector<8x128xf32>
      %reduce_sum3A_756 = arith.constant dense<0.000000e+00> : vector<8xf32>
      %reduce_sum3A_757 = vector.multi_reduction <add>, %select_n3A_755, %reduce_sum3A_756 [1] : vector<8x128xf32> to vector<8xf32>
      %broadcast_in_dim3A_758 = vector.shape_cast %reduce_sum3A_757 : vector<8xf32> to vector<8x1xf32>
      %get3A_759 = arith.constant 0 : index
      %get3A_760 = arith.constant 1536 : index
      %get3A_761 = vector.load %arg14[%get3A_759, %get3A_760] : memref<8x2048xf32, #tpu.memory_space<vmem>>, vector<8x128xf32>
      %eq3A_762 = vector.broadcast %scan3A_720 : i32 to vector<8x128xi32>
      %eq3A_763 = arith.cmpi eq, %iota3A_591, %eq3A_762 : vector<8x128xi32>
      %jit3A_764 = arith.constant 0.000000e+00 : f32
      %broadcast_in_dim3A_765 = vector.broadcast %jit3A_764 : f32 to vector<8x128xf32>
      %select_n3A_766 = arith.select %eq3A_763, %get3A_761, %broadcast_in_dim3A_765 : vector<8x128xi1>, vector<8x128xf32>
      %reduce_sum3A_767 = arith.constant dense<0.000000e+00> : vector<8xf32>
      %reduce_sum3A_768 = vector.multi_reduction <add>, %select_n3A_766, %reduce_sum3A_767 [1] : vector<8x128xf32> to vector<8xf32>
      %broadcast_in_dim3A_769 = vector.shape_cast %reduce_sum3A_768 : vector<8xf32> to vector<8x1xf32>
      %max3A_770 = vector.broadcast %broadcast_in_dim3A_726 : vector<8x1xf32> to vector<8x512xf32>
      %max3A_771 = arith.maximumf %max3A_770, %get3A_562 : vector<8x512xf32>
      %max3A_772 = vector.broadcast %broadcast_in_dim3A_734 : vector<8x1xf32> to vector<8x512xf32>
      %max3A_773 = arith.maximumf %max3A_772, %get3A_565 : vector<8x512xf32>
      %min3A_774 = vector.broadcast %broadcast_in_dim3A_742 : vector<8x1xf32> to vector<8x512xf32>
      %min3A_775 = arith.minimumf %min3A_774, %get3A_568 : vector<8x512xf32>
      %min3A_776 = vector.broadcast %broadcast_in_dim3A_750 : vector<8x1xf32> to vector<8x512xf32>
      %min3A_777 = arith.minimumf %min3A_776, %get3A_571 : vector<8x512xf32>
      %sub3A_778 = arith.subf %min3A_775, %max3A_771 : vector<8x512xf32>
      %max3A_779 = arith.constant 0.000000e+00 : f32
      %max3A_780 = vector.broadcast %max3A_779 : f32 to vector<8x512xf32>
      %max3A_781 = arith.maximumf %sub3A_778, %max3A_780 : vector<8x512xf32>
      %sub3A_782 = arith.subf %min3A_777, %max3A_773 : vector<8x512xf32>
      %max3A_783 = arith.constant 0.000000e+00 : f32
      %max3A_784 = vector.broadcast %max3A_783 : f32 to vector<8x512xf32>
      %max3A_785 = arith.maximumf %sub3A_782, %max3A_784 : vector<8x512xf32>
      %mul3A_786 = arith.mulf %max3A_781, %max3A_785 : vector<8x512xf32>
      %add3A_787 = vector.broadcast %broadcast_in_dim3A_758 : vector<8x1xf32> to vector<8x512xf32>
      %add3A_788 = arith.addf %add3A_787, %get3A_574 : vector<8x512xf32>
      %sub3A_789 = arith.subf %add3A_788, %mul3A_786 : vector<8x512xf32>
      %max3A_790 = arith.constant 9.99999971E-10 : f32
      %max3A_791 = vector.broadcast %max3A_790 : f32 to vector<8x512xf32>
      %max3A_792 = arith.maximumf %sub3A_789, %max3A_791 : vector<8x512xf32>
      %mul3A_793 = arith.constant 0.699999988 : f32
      %mul3A_794 = vector.broadcast %mul3A_793 : f32 to vector<8x512xf32>
      %mul3A_795 = arith.mulf %mul3A_794, %max3A_792 : vector<8x512xf32>
      %gt3A_796 = arith.cmpf ogt, %mul3A_786, %mul3A_795 : vector<8x512xf32>
      %gt3A_797 = vector.broadcast %scan3A_720 : i32 to vector<8x512xi32>
      %gt3A_798 = arith.cmpi sgt, %iota3A_575, %gt3A_797 : vector<8x512xi32>
      %and3A_799 = arith.andi %gt3A_796, %gt3A_798 : vector<8x512xi1>
      %convert_element_type3A_800 = arith.extui %and3A_799 : vector<8x512xi1> to vector<8x512xi32>
      %convert_element_type3A_801 = arith.sitofp %convert_element_type3A_800 : vector<8x512xi32> to vector<8x512xf32>
      %mul3A_802 = vector.broadcast %broadcast_in_dim3A_769 : vector<8x1xf32> to vector<8x512xf32>
      %mul3A_803 = arith.mulf %convert_element_type3A_801, %mul3A_802 : vector<8x512xf32>
      %get3A_804 = arith.constant 0 : index
      %get3A_805 = arith.constant 1536 : index
      %get3A_806 = vector.load %arg14[%get3A_804, %get3A_805] : memref<8x2048xf32, #tpu.memory_space<vmem>>, vector<8x512xf32>
      %sub3A_807 = arith.constant 1.000000e+00 : f32
      %sub3A_808 = vector.broadcast %sub3A_807 : f32 to vector<8x512xf32>
      %sub3A_809 = arith.subf %sub3A_808, %mul3A_803 : vector<8x512xf32>
      %mul3A_810 = arith.mulf %get3A_806, %sub3A_809 : vector<8x512xf32>
      %swap3A_811 = arith.constant 0 : index
      %swap3A_812 = arith.constant 1536 : index
      %swap3A_813 = vector.load %arg14[%swap3A_811, %swap3A_812] : memref<8x2048xf32, #tpu.memory_space<vmem>>, vector<8x512xf32>
      tpu.vector_store %arg14[%swap3A_811, %swap3A_812], %mul3A_810 {strides = array<i32>} : memref<8x2048xf32, #tpu.memory_space<vmem>>, vector<8x512xf32>,
    }
    %scan3A_596 = arith.constant 128 : i32
    %get3A_597 = arith.constant 0 : index
    %get3A_598 = arith.constant 1664 : index
    %get3A_599 = vector.load %arg9[%get3A_597, %get3A_598] : memref<8x2048xf32, #tpu.memory_space<vmem>>, vector<8x384xf32>
    %get3A_600 = arith.constant 0 : index
    %get3A_601 = arith.constant 1664 : index
    %get3A_602 = vector.load %arg10[%get3A_600, %get3A_601] : memref<8x2048xf32, #tpu.memory_space<vmem>>, vector<8x384xf32>
    %get3A_603 = arith.constant 0 : index
    %get3A_604 = arith.constant 1664 : index
    %get3A_605 = vector.load %arg11[%get3A_603, %get3A_604] : memref<8x2048xf32, #tpu.memory_space<vmem>>, vector<8x384xf32>
    %get3A_606 = arith.constant 0 : index
    %get3A_607 = arith.constant 1664 : index
    %get3A_608 = vector.load %arg12[%get3A_606, %get3A_607] : memref<8x2048xf32, #tpu.memory_space<vmem>>, vector<8x384xf32>
    %get3A_609 = arith.constant 0 : index
    %get3A_610 = arith.constant 1664 : index
    %get3A_611 = vector.load %arg15[%get3A_609, %get3A_610] : memref<8x2048xf32, #tpu.memory_space<vmem>>, vector<8x384xf32>
    %iota3A_612 = tpu.iota {dimensions = array<i32: 1>} : vector<8x384xi32>
    %get3A_613 = arith.constant 0 : index
    %get3A_614 = arith.constant 1664 : index
    %get3A_615 = vector.load %arg9[%get3A_613, %get3A_614] : memref<8x2048xf32, #tpu.memory_space<vmem>>, vector<8x128xf32>
    %get3A_616 = arith.constant 0 : index
    %get3A_617 = arith.constant 1664 : index
    %get3A_618 = vector.load %arg10[%get3A_616, %get3A_617] : memref<8x2048xf32, #tpu.memory_space<vmem>>, vector<8x128xf32>
    %get3A_619 = arith.constant 0 : index
    %get3A_620 = arith.constant 1664 : index
    %get3A_621 = vector.load %arg11[%get3A_619, %get3A_620] : memref<8x2048xf32, #tpu.memory_space<vmem>>, vector<8x128xf32>
    %get3A_622 = arith.constant 0 : index
    %get3A_623 = arith.constant 1664 : index
    %get3A_624 = vector.load %arg12[%get3A_622, %get3A_623] : memref<8x2048xf32, #tpu.memory_space<vmem>>, vector<8x128xf32>
    %get3A_625 = arith.constant 0 : index
    %get3A_626 = arith.constant 1664 : index
    %get3A_627 = vector.load %arg15[%get3A_625, %get3A_626] : memref<8x2048xf32, #tpu.memory_space<vmem>>, vector<8x128xf32>
    %iota3A_628 = tpu.iota {dimensions = array<i32: 1>} : vector<8x128xi32>
    %scan3A_629 = arith.constant 0 : i32
    %scan3A_630 = arith.constant 128 : i32
    %scan3A_631 = arith.addi %scan3A_629, %scan3A_630 : i32
    %scan3A_632 = arith.constant 1 : i32
    scf.for %scan3A_720 = %scan3A_629 to %scan3A_631 step %scan3A_632  : i32 {
      %eq3A = vector.broadcast %scan3A_720 : i32 to vector<8x128xi32>
      %eq3A_721 = arith.cmpi eq, %iota3A_628, %eq3A : vector<8x128xi32>
      %jit3A_722 = arith.constant 0.000000e+00 : f32
      %broadcast_in_dim3A_723 = vector.broadcast %jit3A_722 : f32 to vector<8x128xf32>
      %select_n3A_724 = arith.select %eq3A_721, %get3A_615, %broadcast_in_dim3A_723 : vector<8x128xi1>, vector<8x128xf32>
      %reduce_sum3A = arith.constant dense<0.000000e+00> : vector<8xf32>
      %reduce_sum3A_725 = vector.multi_reduction <add>, %select_n3A_724, %reduce_sum3A [1] : vector<8x128xf32> to vector<8xf32>
      %broadcast_in_dim3A_726 = vector.shape_cast %reduce_sum3A_725 : vector<8xf32> to vector<8x1xf32>
      %eq3A_727 = vector.broadcast %scan3A_720 : i32 to vector<8x128xi32>
      %eq3A_728 = arith.cmpi eq, %iota3A_628, %eq3A_727 : vector<8x128xi32>
      %jit3A_729 = arith.constant 0.000000e+00 : f32
      %broadcast_in_dim3A_730 = vector.broadcast %jit3A_729 : f32 to vector<8x128xf32>
      %select_n3A_731 = arith.select %eq3A_728, %get3A_618, %broadcast_in_dim3A_730 : vector<8x128xi1>, vector<8x128xf32>
      %reduce_sum3A_732 = arith.constant dense<0.000000e+00> : vector<8xf32>
      %reduce_sum3A_733 = vector.multi_reduction <add>, %select_n3A_731, %reduce_sum3A_732 [1] : vector<8x128xf32> to vector<8xf32>
      %broadcast_in_dim3A_734 = vector.shape_cast %reduce_sum3A_733 : vector<8xf32> to vector<8x1xf32>
      %eq3A_735 = vector.broadcast %scan3A_720 : i32 to vector<8x128xi32>
      %eq3A_736 = arith.cmpi eq, %iota3A_628, %eq3A_735 : vector<8x128xi32>
      %jit3A_737 = arith.constant 0.000000e+00 : f32
      %broadcast_in_dim3A_738 = vector.broadcast %jit3A_737 : f32 to vector<8x128xf32>
      %select_n3A_739 = arith.select %eq3A_736, %get3A_621, %broadcast_in_dim3A_738 : vector<8x128xi1>, vector<8x128xf32>
      %reduce_sum3A_740 = arith.constant dense<0.000000e+00> : vector<8xf32>
      %reduce_sum3A_741 = vector.multi_reduction <add>, %select_n3A_739, %reduce_sum3A_740 [1] : vector<8x128xf32> to vector<8xf32>
      %broadcast_in_dim3A_742 = vector.shape_cast %reduce_sum3A_741 : vector<8xf32> to vector<8x1xf32>
      %eq3A_743 = vector.broadcast %scan3A_720 : i32 to vector<8x128xi32>
      %eq3A_744 = arith.cmpi eq, %iota3A_628, %eq3A_743 : vector<8x128xi32>
      %jit3A_745 = arith.constant 0.000000e+00 : f32
      %broadcast_in_dim3A_746 = vector.broadcast %jit3A_745 : f32 to vector<8x128xf32>
      %select_n3A_747 = arith.select %eq3A_744, %get3A_624, %broadcast_in_dim3A_746 : vector<8x128xi1>, vector<8x128xf32>
      %reduce_sum3A_748 = arith.constant dense<0.000000e+00> : vector<8xf32>
      %reduce_sum3A_749 = vector.multi_reduction <add>, %select_n3A_747, %reduce_sum3A_748 [1] : vector<8x128xf32> to vector<8xf32>
      %broadcast_in_dim3A_750 = vector.shape_cast %reduce_sum3A_749 : vector<8xf32> to vector<8x1xf32>
      %eq3A_751 = vector.broadcast %scan3A_720 : i32 to vector<8x128xi32>
      %eq3A_752 = arith.cmpi eq, %iota3A_628, %eq3A_751 : vector<8x128xi32>
      %jit3A_753 = arith.constant 0.000000e+00 : f32
      %broadcast_in_dim3A_754 = vector.broadcast %jit3A_753 : f32 to vector<8x128xf32>
      %select_n3A_755 = arith.select %eq3A_752, %get3A_627, %broadcast_in_dim3A_754 : vector<8x128xi1>, vector<8x128xf32>
      %reduce_sum3A_756 = arith.constant dense<0.000000e+00> : vector<8xf32>
      %reduce_sum3A_757 = vector.multi_reduction <add>, %select_n3A_755, %reduce_sum3A_756 [1] : vector<8x128xf32> to vector<8xf32>
      %broadcast_in_dim3A_758 = vector.shape_cast %reduce_sum3A_757 : vector<8xf32> to vector<8x1xf32>
      %get3A_759 = arith.constant 0 : index
      %get3A_760 = arith.constant 1664 : index
      %get3A_761 = vector.load %arg14[%get3A_759, %get3A_760] : memref<8x2048xf32, #tpu.memory_space<vmem>>, vector<8x128xf32>
      %eq3A_762 = vector.broadcast %scan3A_720 : i32 to vector<8x128xi32>
      %eq3A_763 = arith.cmpi eq, %iota3A_628, %eq3A_762 : vector<8x128xi32>
      %jit3A_764 = arith.constant 0.000000e+00 : f32
      %broadcast_in_dim3A_765 = vector.broadcast %jit3A_764 : f32 to vector<8x128xf32>
      %select_n3A_766 = arith.select %eq3A_763, %get3A_761, %broadcast_in_dim3A_765 : vector<8x128xi1>, vector<8x128xf32>
      %reduce_sum3A_767 = arith.constant dense<0.000000e+00> : vector<8xf32>
      %reduce_sum3A_768 = vector.multi_reduction <add>, %select_n3A_766, %reduce_sum3A_767 [1] : vector<8x128xf32> to vector<8xf32>
      %broadcast_in_dim3A_769 = vector.shape_cast %reduce_sum3A_768 : vector<8xf32> to vector<8x1xf32>
      %max3A_770 = vector.broadcast %broadcast_in_dim3A_726 : vector<8x1xf32> to vector<8x384xf32>
      %max3A_771 = arith.maximumf %max3A_770, %get3A_599 : vector<8x384xf32>
      %max3A_772 = vector.broadcast %broadcast_in_dim3A_734 : vector<8x1xf32> to vector<8x384xf32>
      %max3A_773 = arith.maximumf %max3A_772, %get3A_602 : vector<8x384xf32>
      %min3A_774 = vector.broadcast %broadcast_in_dim3A_742 : vector<8x1xf32> to vector<8x384xf32>
      %min3A_775 = arith.minimumf %min3A_774, %get3A_605 : vector<8x384xf32>
      %min3A_776 = vector.broadcast %broadcast_in_dim3A_750 : vector<8x1xf32> to vector<8x384xf32>
      %min3A_777 = arith.minimumf %min3A_776, %get3A_608 : vector<8x384xf32>
      %sub3A_778 = arith.subf %min3A_775, %max3A_771 : vector<8x384xf32>
      %max3A_779 = arith.constant 0.000000e+00 : f32
      %max3A_780 = vector.broadcast %max3A_779 : f32 to vector<8x384xf32>
      %max3A_781 = arith.maximumf %sub3A_778, %max3A_780 : vector<8x384xf32>
      %sub3A_782 = arith.subf %min3A_777, %max3A_773 : vector<8x384xf32>
      %max3A_783 = arith.constant 0.000000e+00 : f32
      %max3A_784 = vector.broadcast %max3A_783 : f32 to vector<8x384xf32>
      %max3A_785 = arith.maximumf %sub3A_782, %max3A_784 : vector<8x384xf32>
      %mul3A_786 = arith.mulf %max3A_781, %max3A_785 : vector<8x384xf32>
      %add3A_787 = vector.broadcast %broadcast_in_dim3A_758 : vector<8x1xf32> to vector<8x384xf32>
      %add3A_788 = arith.addf %add3A_787, %get3A_611 : vector<8x384xf32>
      %sub3A_789 = arith.subf %add3A_788, %mul3A_786 : vector<8x384xf32>
      %max3A_790 = arith.constant 9.99999971E-10 : f32
      %max3A_791 = vector.broadcast %max3A_790 : f32 to vector<8x384xf32>
      %max3A_792 = arith.maximumf %sub3A_789, %max3A_791 : vector<8x384xf32>
      %mul3A_793 = arith.constant 0.699999988 : f32
      %mul3A_794 = vector.broadcast %mul3A_793 : f32 to vector<8x384xf32>
      %mul3A_795 = arith.mulf %mul3A_794, %max3A_792 : vector<8x384xf32>
      %gt3A_796 = arith.cmpf ogt, %mul3A_786, %mul3A_795 : vector<8x384xf32>
      %gt3A_797 = vector.broadcast %scan3A_720 : i32 to vector<8x384xi32>
      %gt3A_798 = arith.cmpi sgt, %iota3A_612, %gt3A_797 : vector<8x384xi32>
      %and3A_799 = arith.andi %gt3A_796, %gt3A_798 : vector<8x384xi1>
      %convert_element_type3A_800 = arith.extui %and3A_799 : vector<8x384xi1> to vector<8x384xi32>
      %convert_element_type3A_801 = arith.sitofp %convert_element_type3A_800 : vector<8x384xi32> to vector<8x384xf32>
      %mul3A_802 = vector.broadcast %broadcast_in_dim3A_769 : vector<8x1xf32> to vector<8x384xf32>
      %mul3A_803 = arith.mulf %convert_element_type3A_801, %mul3A_802 : vector<8x384xf32>
      %get3A_804 = arith.constant 0 : index
      %get3A_805 = arith.constant 1664 : index
      %get3A_806 = vector.load %arg14[%get3A_804, %get3A_805] : memref<8x2048xf32, #tpu.memory_space<vmem>>, vector<8x384xf32>
      %sub3A_807 = arith.constant 1.000000e+00 : f32
      %sub3A_808 = vector.broadcast %sub3A_807 : f32 to vector<8x384xf32>
      %sub3A_809 = arith.subf %sub3A_808, %mul3A_803 : vector<8x384xf32>
      %mul3A_810 = arith.mulf %get3A_806, %sub3A_809 : vector<8x384xf32>
      %swap3A_811 = arith.constant 0 : index
      %swap3A_812 = arith.constant 1664 : index
      %swap3A_813 = vector.load %arg14[%swap3A_811, %swap3A_812] : memref<8x2048xf32, #tpu.memory_space<vmem>>, vector<8x384xf32>
      tpu.vector_store %arg14[%swap3A_811, %swap3A_812], %mul3A_810 {strides = array<i32>} : memref<8x2048xf32, #tpu.memory_space<vmem>>, vector<8x384xf32>,
    }
    %scan3A_633 = arith.constant 128 : i32
    %get3A_634 = arith.constant 0 : index
    %get3A_635 = arith.constant 1792 : index
    %get3A_636 = vector.load %arg9[%get3A_634, %get3A_635] : memref<8x2048xf32, #tpu.memory_space<vmem>>, vector<8x256xf32>
    %get3A_637 = arith.constant 0 : index
    %get3A_638 = arith.constant 1792 : index
    %get3A_639 = vector.load %arg10[%get3A_637, %get3A_638] : memref<8x2048xf32, #tpu.memory_space<vmem>>, vector<8x256xf32>
    %get3A_640 = arith.constant 0 : index
    %get3A_641 = arith.constant 1792 : index
    %get3A_642 = vector.load %arg11[%get3A_640, %get3A_641] : memref<8x2048xf32, #tpu.memory_space<vmem>>, vector<8x256xf32>
    %get3A_643 = arith.constant 0 : index
    %get3A_644 = arith.constant 1792 : index
    %get3A_645 = vector.load %arg12[%get3A_643, %get3A_644] : memref<8x2048xf32, #tpu.memory_space<vmem>>, vector<8x256xf32>
    %get3A_646 = arith.constant 0 : index
    %get3A_647 = arith.constant 1792 : index
    %get3A_648 = vector.load %arg15[%get3A_646, %get3A_647] : memref<8x2048xf32, #tpu.memory_space<vmem>>, vector<8x256xf32>
    %iota3A_649 = tpu.iota {dimensions = array<i32: 1>} : vector<8x256xi32>
    %get3A_650 = arith.constant 0 : index
    %get3A_651 = arith.constant 1792 : index
    %get3A_652 = vector.load %arg9[%get3A_650, %get3A_651] : memref<8x2048xf32, #tpu.memory_space<vmem>>, vector<8x128xf32>
    %get3A_653 = arith.constant 0 : index
    %get3A_654 = arith.constant 1792 : index
    %get3A_655 = vector.load %arg10[%get3A_653, %get3A_654] : memref<8x2048xf32, #tpu.memory_space<vmem>>, vector<8x128xf32>
    %get3A_656 = arith.constant 0 : index
    %get3A_657 = arith.constant 1792 : index
    %get3A_658 = vector.load %arg11[%get3A_656, %get3A_657] : memref<8x2048xf32, #tpu.memory_space<vmem>>, vector<8x128xf32>
    %get3A_659 = arith.constant 0 : index
    %get3A_660 = arith.constant 1792 : index
    %get3A_661 = vector.load %arg12[%get3A_659, %get3A_660] : memref<8x2048xf32, #tpu.memory_space<vmem>>, vector<8x128xf32>
    %get3A_662 = arith.constant 0 : index
    %get3A_663 = arith.constant 1792 : index
    %get3A_664 = vector.load %arg15[%get3A_662, %get3A_663] : memref<8x2048xf32, #tpu.memory_space<vmem>>, vector<8x128xf32>
    %iota3A_665 = tpu.iota {dimensions = array<i32: 1>} : vector<8x128xi32>
    %scan3A_666 = arith.constant 0 : i32
    %scan3A_667 = arith.constant 128 : i32
    %scan3A_668 = arith.addi %scan3A_666, %scan3A_667 : i32
    %scan3A_669 = arith.constant 1 : i32
    scf.for %scan3A_720 = %scan3A_666 to %scan3A_668 step %scan3A_669  : i32 {
      %eq3A = vector.broadcast %scan3A_720 : i32 to vector<8x128xi32>
      %eq3A_721 = arith.cmpi eq, %iota3A_665, %eq3A : vector<8x128xi32>
      %jit3A_722 = arith.constant 0.000000e+00 : f32
      %broadcast_in_dim3A_723 = vector.broadcast %jit3A_722 : f32 to vector<8x128xf32>
      %select_n3A_724 = arith.select %eq3A_721, %get3A_652, %broadcast_in_dim3A_723 : vector<8x128xi1>, vector<8x128xf32>
      %reduce_sum3A = arith.constant dense<0.000000e+00> : vector<8xf32>
      %reduce_sum3A_725 = vector.multi_reduction <add>, %select_n3A_724, %reduce_sum3A [1] : vector<8x128xf32> to vector<8xf32>
      %broadcast_in_dim3A_726 = vector.shape_cast %reduce_sum3A_725 : vector<8xf32> to vector<8x1xf32>
      %eq3A_727 = vector.broadcast %scan3A_720 : i32 to vector<8x128xi32>
      %eq3A_728 = arith.cmpi eq, %iota3A_665, %eq3A_727 : vector<8x128xi32>
      %jit3A_729 = arith.constant 0.000000e+00 : f32
      %broadcast_in_dim3A_730 = vector.broadcast %jit3A_729 : f32 to vector<8x128xf32>
      %select_n3A_731 = arith.select %eq3A_728, %get3A_655, %broadcast_in_dim3A_730 : vector<8x128xi1>, vector<8x128xf32>
      %reduce_sum3A_732 = arith.constant dense<0.000000e+00> : vector<8xf32>
      %reduce_sum3A_733 = vector.multi_reduction <add>, %select_n3A_731, %reduce_sum3A_732 [1] : vector<8x128xf32> to vector<8xf32>
      %broadcast_in_dim3A_734 = vector.shape_cast %reduce_sum3A_733 : vector<8xf32> to vector<8x1xf32>
      %eq3A_735 = vector.broadcast %scan3A_720 : i32 to vector<8x128xi32>
      %eq3A_736 = arith.cmpi eq, %iota3A_665, %eq3A_735 : vector<8x128xi32>
      %jit3A_737 = arith.constant 0.000000e+00 : f32
      %broadcast_in_dim3A_738 = vector.broadcast %jit3A_737 : f32 to vector<8x128xf32>
      %select_n3A_739 = arith.select %eq3A_736, %get3A_658, %broadcast_in_dim3A_738 : vector<8x128xi1>, vector<8x128xf32>
      %reduce_sum3A_740 = arith.constant dense<0.000000e+00> : vector<8xf32>
      %reduce_sum3A_741 = vector.multi_reduction <add>, %select_n3A_739, %reduce_sum3A_740 [1] : vector<8x128xf32> to vector<8xf32>
      %broadcast_in_dim3A_742 = vector.shape_cast %reduce_sum3A_741 : vector<8xf32> to vector<8x1xf32>
      %eq3A_743 = vector.broadcast %scan3A_720 : i32 to vector<8x128xi32>
      %eq3A_744 = arith.cmpi eq, %iota3A_665, %eq3A_743 : vector<8x128xi32>
      %jit3A_745 = arith.constant 0.000000e+00 : f32
      %broadcast_in_dim3A_746 = vector.broadcast %jit3A_745 : f32 to vector<8x128xf32>
      %select_n3A_747 = arith.select %eq3A_744, %get3A_661, %broadcast_in_dim3A_746 : vector<8x128xi1>, vector<8x128xf32>
      %reduce_sum3A_748 = arith.constant dense<0.000000e+00> : vector<8xf32>
      %reduce_sum3A_749 = vector.multi_reduction <add>, %select_n3A_747, %reduce_sum3A_748 [1] : vector<8x128xf32> to vector<8xf32>
      %broadcast_in_dim3A_750 = vector.shape_cast %reduce_sum3A_749 : vector<8xf32> to vector<8x1xf32>
      %eq3A_751 = vector.broadcast %scan3A_720 : i32 to vector<8x128xi32>
      %eq3A_752 = arith.cmpi eq, %iota3A_665, %eq3A_751 : vector<8x128xi32>
      %jit3A_753 = arith.constant 0.000000e+00 : f32
      %broadcast_in_dim3A_754 = vector.broadcast %jit3A_753 : f32 to vector<8x128xf32>
      %select_n3A_755 = arith.select %eq3A_752, %get3A_664, %broadcast_in_dim3A_754 : vector<8x128xi1>, vector<8x128xf32>
      %reduce_sum3A_756 = arith.constant dense<0.000000e+00> : vector<8xf32>
      %reduce_sum3A_757 = vector.multi_reduction <add>, %select_n3A_755, %reduce_sum3A_756 [1] : vector<8x128xf32> to vector<8xf32>
      %broadcast_in_dim3A_758 = vector.shape_cast %reduce_sum3A_757 : vector<8xf32> to vector<8x1xf32>
      %get3A_759 = arith.constant 0 : index
      %get3A_760 = arith.constant 1792 : index
      %get3A_761 = vector.load %arg14[%get3A_759, %get3A_760] : memref<8x2048xf32, #tpu.memory_space<vmem>>, vector<8x128xf32>
      %eq3A_762 = vector.broadcast %scan3A_720 : i32 to vector<8x128xi32>
      %eq3A_763 = arith.cmpi eq, %iota3A_665, %eq3A_762 : vector<8x128xi32>
      %jit3A_764 = arith.constant 0.000000e+00 : f32
      %broadcast_in_dim3A_765 = vector.broadcast %jit3A_764 : f32 to vector<8x128xf32>
      %select_n3A_766 = arith.select %eq3A_763, %get3A_761, %broadcast_in_dim3A_765 : vector<8x128xi1>, vector<8x128xf32>
      %reduce_sum3A_767 = arith.constant dense<0.000000e+00> : vector<8xf32>
      %reduce_sum3A_768 = vector.multi_reduction <add>, %select_n3A_766, %reduce_sum3A_767 [1] : vector<8x128xf32> to vector<8xf32>
      %broadcast_in_dim3A_769 = vector.shape_cast %reduce_sum3A_768 : vector<8xf32> to vector<8x1xf32>
      %max3A_770 = vector.broadcast %broadcast_in_dim3A_726 : vector<8x1xf32> to vector<8x256xf32>
      %max3A_771 = arith.maximumf %max3A_770, %get3A_636 : vector<8x256xf32>
      %max3A_772 = vector.broadcast %broadcast_in_dim3A_734 : vector<8x1xf32> to vector<8x256xf32>
      %max3A_773 = arith.maximumf %max3A_772, %get3A_639 : vector<8x256xf32>
      %min3A_774 = vector.broadcast %broadcast_in_dim3A_742 : vector<8x1xf32> to vector<8x256xf32>
      %min3A_775 = arith.minimumf %min3A_774, %get3A_642 : vector<8x256xf32>
      %min3A_776 = vector.broadcast %broadcast_in_dim3A_750 : vector<8x1xf32> to vector<8x256xf32>
      %min3A_777 = arith.minimumf %min3A_776, %get3A_645 : vector<8x256xf32>
      %sub3A_778 = arith.subf %min3A_775, %max3A_771 : vector<8x256xf32>
      %max3A_779 = arith.constant 0.000000e+00 : f32
      %max3A_780 = vector.broadcast %max3A_779 : f32 to vector<8x256xf32>
      %max3A_781 = arith.maximumf %sub3A_778, %max3A_780 : vector<8x256xf32>
      %sub3A_782 = arith.subf %min3A_777, %max3A_773 : vector<8x256xf32>
      %max3A_783 = arith.constant 0.000000e+00 : f32
      %max3A_784 = vector.broadcast %max3A_783 : f32 to vector<8x256xf32>
      %max3A_785 = arith.maximumf %sub3A_782, %max3A_784 : vector<8x256xf32>
      %mul3A_786 = arith.mulf %max3A_781, %max3A_785 : vector<8x256xf32>
      %add3A_787 = vector.broadcast %broadcast_in_dim3A_758 : vector<8x1xf32> to vector<8x256xf32>
      %add3A_788 = arith.addf %add3A_787, %get3A_648 : vector<8x256xf32>
      %sub3A_789 = arith.subf %add3A_788, %mul3A_786 : vector<8x256xf32>
      %max3A_790 = arith.constant 9.99999971E-10 : f32
      %max3A_791 = vector.broadcast %max3A_790 : f32 to vector<8x256xf32>
      %max3A_792 = arith.maximumf %sub3A_789, %max3A_791 : vector<8x256xf32>
      %mul3A_793 = arith.constant 0.699999988 : f32
      %mul3A_794 = vector.broadcast %mul3A_793 : f32 to vector<8x256xf32>
      %mul3A_795 = arith.mulf %mul3A_794, %max3A_792 : vector<8x256xf32>
      %gt3A_796 = arith.cmpf ogt, %mul3A_786, %mul3A_795 : vector<8x256xf32>
      %gt3A_797 = vector.broadcast %scan3A_720 : i32 to vector<8x256xi32>
      %gt3A_798 = arith.cmpi sgt, %iota3A_649, %gt3A_797 : vector<8x256xi32>
      %and3A_799 = arith.andi %gt3A_796, %gt3A_798 : vector<8x256xi1>
      %convert_element_type3A_800 = arith.extui %and3A_799 : vector<8x256xi1> to vector<8x256xi32>
      %convert_element_type3A_801 = arith.sitofp %convert_element_type3A_800 : vector<8x256xi32> to vector<8x256xf32>
      %mul3A_802 = vector.broadcast %broadcast_in_dim3A_769 : vector<8x1xf32> to vector<8x256xf32>
      %mul3A_803 = arith.mulf %convert_element_type3A_801, %mul3A_802 : vector<8x256xf32>
      %get3A_804 = arith.constant 0 : index
      %get3A_805 = arith.constant 1792 : index
      %get3A_806 = vector.load %arg14[%get3A_804, %get3A_805] : memref<8x2048xf32, #tpu.memory_space<vmem>>, vector<8x256xf32>
      %sub3A_807 = arith.constant 1.000000e+00 : f32
      %sub3A_808 = vector.broadcast %sub3A_807 : f32 to vector<8x256xf32>
      %sub3A_809 = arith.subf %sub3A_808, %mul3A_803 : vector<8x256xf32>
      %mul3A_810 = arith.mulf %get3A_806, %sub3A_809 : vector<8x256xf32>
      %swap3A_811 = arith.constant 0 : index
      %swap3A_812 = arith.constant 1792 : index
      %swap3A_813 = vector.load %arg14[%swap3A_811, %swap3A_812] : memref<8x2048xf32, #tpu.memory_space<vmem>>, vector<8x256xf32>
      tpu.vector_store %arg14[%swap3A_811, %swap3A_812], %mul3A_810 {strides = array<i32>} : memref<8x2048xf32, #tpu.memory_space<vmem>>, vector<8x256xf32>,
    }
    %scan3A_670 = arith.constant 128 : i32
    %get3A_671 = arith.constant 0 : index
    %get3A_672 = arith.constant 1920 : index
    %get3A_673 = vector.load %arg9[%get3A_671, %get3A_672] : memref<8x2048xf32, #tpu.memory_space<vmem>>, vector<8x128xf32>
    %get3A_674 = arith.constant 0 : index
    %get3A_675 = arith.constant 1920 : index
    %get3A_676 = vector.load %arg10[%get3A_674, %get3A_675] : memref<8x2048xf32, #tpu.memory_space<vmem>>, vector<8x128xf32>
    %get3A_677 = arith.constant 0 : index
    %get3A_678 = arith.constant 1920 : index
    %get3A_679 = vector.load %arg11[%get3A_677, %get3A_678] : memref<8x2048xf32, #tpu.memory_space<vmem>>, vector<8x128xf32>
    %get3A_680 = arith.constant 0 : index
    %get3A_681 = arith.constant 1920 : index
    %get3A_682 = vector.load %arg12[%get3A_680, %get3A_681] : memref<8x2048xf32, #tpu.memory_space<vmem>>, vector<8x128xf32>
    %get3A_683 = arith.constant 0 : index
    %get3A_684 = arith.constant 1920 : index
    %get3A_685 = vector.load %arg15[%get3A_683, %get3A_684] : memref<8x2048xf32, #tpu.memory_space<vmem>>, vector<8x128xf32>
    %iota3A_686 = tpu.iota {dimensions = array<i32: 1>} : vector<8x128xi32>
    %get3A_687 = arith.constant 0 : index
    %get3A_688 = arith.constant 1920 : index
    %get3A_689 = vector.load %arg9[%get3A_687, %get3A_688] : memref<8x2048xf32, #tpu.memory_space<vmem>>, vector<8x128xf32>
    %get3A_690 = arith.constant 0 : index
    %get3A_691 = arith.constant 1920 : index
    %get3A_692 = vector.load %arg10[%get3A_690, %get3A_691] : memref<8x2048xf32, #tpu.memory_space<vmem>>, vector<8x128xf32>
    %get3A_693 = arith.constant 0 : index
    %get3A_694 = arith.constant 1920 : index
    %get3A_695 = vector.load %arg11[%get3A_693, %get3A_694] : memref<8x2048xf32, #tpu.memory_space<vmem>>, vector<8x128xf32>
    %get3A_696 = arith.constant 0 : index
    %get3A_697 = arith.constant 1920 : index
    %get3A_698 = vector.load %arg12[%get3A_696, %get3A_697] : memref<8x2048xf32, #tpu.memory_space<vmem>>, vector<8x128xf32>
    %get3A_699 = arith.constant 0 : index
    %get3A_700 = arith.constant 1920 : index
    %get3A_701 = vector.load %arg15[%get3A_699, %get3A_700] : memref<8x2048xf32, #tpu.memory_space<vmem>>, vector<8x128xf32>
    %iota3A_702 = tpu.iota {dimensions = array<i32: 1>} : vector<8x128xi32>
    %scan3A_703 = arith.constant 0 : i32
    %scan3A_704 = arith.constant 128 : i32
    %scan3A_705 = arith.addi %scan3A_703, %scan3A_704 : i32
    %scan3A_706 = arith.constant 1 : i32
    scf.for %scan3A_720 = %scan3A_703 to %scan3A_705 step %scan3A_706  : i32 {
      %eq3A = vector.broadcast %scan3A_720 : i32 to vector<8x128xi32>
      %eq3A_721 = arith.cmpi eq, %iota3A_702, %eq3A : vector<8x128xi32>
      %jit3A_722 = arith.constant 0.000000e+00 : f32
      %broadcast_in_dim3A_723 = vector.broadcast %jit3A_722 : f32 to vector<8x128xf32>
      %select_n3A_724 = arith.select %eq3A_721, %get3A_689, %broadcast_in_dim3A_723 : vector<8x128xi1>, vector<8x128xf32>
      %reduce_sum3A = arith.constant dense<0.000000e+00> : vector<8xf32>
      %reduce_sum3A_725 = vector.multi_reduction <add>, %select_n3A_724, %reduce_sum3A [1] : vector<8x128xf32> to vector<8xf32>
      %broadcast_in_dim3A_726 = vector.shape_cast %reduce_sum3A_725 : vector<8xf32> to vector<8x1xf32>
      %eq3A_727 = vector.broadcast %scan3A_720 : i32 to vector<8x128xi32>
      %eq3A_728 = arith.cmpi eq, %iota3A_702, %eq3A_727 : vector<8x128xi32>
      %jit3A_729 = arith.constant 0.000000e+00 : f32
      %broadcast_in_dim3A_730 = vector.broadcast %jit3A_729 : f32 to vector<8x128xf32>
      %select_n3A_731 = arith.select %eq3A_728, %get3A_692, %broadcast_in_dim3A_730 : vector<8x128xi1>, vector<8x128xf32>
      %reduce_sum3A_732 = arith.constant dense<0.000000e+00> : vector<8xf32>
      %reduce_sum3A_733 = vector.multi_reduction <add>, %select_n3A_731, %reduce_sum3A_732 [1] : vector<8x128xf32> to vector<8xf32>
      %broadcast_in_dim3A_734 = vector.shape_cast %reduce_sum3A_733 : vector<8xf32> to vector<8x1xf32>
      %eq3A_735 = vector.broadcast %scan3A_720 : i32 to vector<8x128xi32>
      %eq3A_736 = arith.cmpi eq, %iota3A_702, %eq3A_735 : vector<8x128xi32>
      %jit3A_737 = arith.constant 0.000000e+00 : f32
      %broadcast_in_dim3A_738 = vector.broadcast %jit3A_737 : f32 to vector<8x128xf32>
      %select_n3A_739 = arith.select %eq3A_736, %get3A_695, %broadcast_in_dim3A_738 : vector<8x128xi1>, vector<8x128xf32>
      %reduce_sum3A_740 = arith.constant dense<0.000000e+00> : vector<8xf32>
      %reduce_sum3A_741 = vector.multi_reduction <add>, %select_n3A_739, %reduce_sum3A_740 [1] : vector<8x128xf32> to vector<8xf32>
      %broadcast_in_dim3A_742 = vector.shape_cast %reduce_sum3A_741 : vector<8xf32> to vector<8x1xf32>
      %eq3A_743 = vector.broadcast %scan3A_720 : i32 to vector<8x128xi32>
      %eq3A_744 = arith.cmpi eq, %iota3A_702, %eq3A_743 : vector<8x128xi32>
      %jit3A_745 = arith.constant 0.000000e+00 : f32
      %broadcast_in_dim3A_746 = vector.broadcast %jit3A_745 : f32 to vector<8x128xf32>
      %select_n3A_747 = arith.select %eq3A_744, %get3A_698, %broadcast_in_dim3A_746 : vector<8x128xi1>, vector<8x128xf32>
      %reduce_sum3A_748 = arith.constant dense<0.000000e+00> : vector<8xf32>
      %reduce_sum3A_749 = vector.multi_reduction <add>, %select_n3A_747, %reduce_sum3A_748 [1] : vector<8x128xf32> to vector<8xf32>
      %broadcast_in_dim3A_750 = vector.shape_cast %reduce_sum3A_749 : vector<8xf32> to vector<8x1xf32>
      %eq3A_751 = vector.broadcast %scan3A_720 : i32 to vector<8x128xi32>
      %eq3A_752 = arith.cmpi eq, %iota3A_702, %eq3A_751 : vector<8x128xi32>
      %jit3A_753 = arith.constant 0.000000e+00 : f32
      %broadcast_in_dim3A_754 = vector.broadcast %jit3A_753 : f32 to vector<8x128xf32>
      %select_n3A_755 = arith.select %eq3A_752, %get3A_701, %broadcast_in_dim3A_754 : vector<8x128xi1>, vector<8x128xf32>
      %reduce_sum3A_756 = arith.constant dense<0.000000e+00> : vector<8xf32>
      %reduce_sum3A_757 = vector.multi_reduction <add>, %select_n3A_755, %reduce_sum3A_756 [1] : vector<8x128xf32> to vector<8xf32>
      %broadcast_in_dim3A_758 = vector.shape_cast %reduce_sum3A_757 : vector<8xf32> to vector<8x1xf32>
      %get3A_759 = arith.constant 0 : index
      %get3A_760 = arith.constant 1920 : index
      %get3A_761 = vector.load %arg14[%get3A_759, %get3A_760] : memref<8x2048xf32, #tpu.memory_space<vmem>>, vector<8x128xf32>
      %eq3A_762 = vector.broadcast %scan3A_720 : i32 to vector<8x128xi32>
      %eq3A_763 = arith.cmpi eq, %iota3A_702, %eq3A_762 : vector<8x128xi32>
      %jit3A_764 = arith.constant 0.000000e+00 : f32
      %broadcast_in_dim3A_765 = vector.broadcast %jit3A_764 : f32 to vector<8x128xf32>
      %select_n3A_766 = arith.select %eq3A_763, %get3A_761, %broadcast_in_dim3A_765 : vector<8x128xi1>, vector<8x128xf32>
      %reduce_sum3A_767 = arith.constant dense<0.000000e+00> : vector<8xf32>
      %reduce_sum3A_768 = vector.multi_reduction <add>, %select_n3A_766, %reduce_sum3A_767 [1] : vector<8x128xf32> to vector<8xf32>
      %broadcast_in_dim3A_769 = vector.shape_cast %reduce_sum3A_768 : vector<8xf32> to vector<8x1xf32>
      %max3A_770 = vector.broadcast %broadcast_in_dim3A_726 : vector<8x1xf32> to vector<8x128xf32>
      %max3A_771 = arith.maximumf %max3A_770, %get3A_673 : vector<8x128xf32>
      %max3A_772 = vector.broadcast %broadcast_in_dim3A_734 : vector<8x1xf32> to vector<8x128xf32>
      %max3A_773 = arith.maximumf %max3A_772, %get3A_676 : vector<8x128xf32>
      %min3A_774 = vector.broadcast %broadcast_in_dim3A_742 : vector<8x1xf32> to vector<8x128xf32>
      %min3A_775 = arith.minimumf %min3A_774, %get3A_679 : vector<8x128xf32>
      %min3A_776 = vector.broadcast %broadcast_in_dim3A_750 : vector<8x1xf32> to vector<8x128xf32>
      %min3A_777 = arith.minimumf %min3A_776, %get3A_682 : vector<8x128xf32>
      %sub3A_778 = arith.subf %min3A_775, %max3A_771 : vector<8x128xf32>
      %max3A_779 = arith.constant 0.000000e+00 : f32
      %max3A_780 = vector.broadcast %max3A_779 : f32 to vector<8x128xf32>
      %max3A_781 = arith.maximumf %sub3A_778, %max3A_780 : vector<8x128xf32>
      %sub3A_782 = arith.subf %min3A_777, %max3A_773 : vector<8x128xf32>
      %max3A_783 = arith.constant 0.000000e+00 : f32
      %max3A_784 = vector.broadcast %max3A_783 : f32 to vector<8x128xf32>
      %max3A_785 = arith.maximumf %sub3A_782, %max3A_784 : vector<8x128xf32>
      %mul3A_786 = arith.mulf %max3A_781, %max3A_785 : vector<8x128xf32>
      %add3A_787 = vector.broadcast %broadcast_in_dim3A_758 : vector<8x1xf32> to vector<8x128xf32>
      %add3A_788 = arith.addf %add3A_787, %get3A_685 : vector<8x128xf32>
      %sub3A_789 = arith.subf %add3A_788, %mul3A_786 : vector<8x128xf32>
      %max3A_790 = arith.constant 9.99999971E-10 : f32
      %max3A_791 = vector.broadcast %max3A_790 : f32 to vector<8x128xf32>
      %max3A_792 = arith.maximumf %sub3A_789, %max3A_791 : vector<8x128xf32>
      %mul3A_793 = arith.constant 0.699999988 : f32
      %mul3A_794 = vector.broadcast %mul3A_793 : f32 to vector<8x128xf32>
      %mul3A_795 = arith.mulf %mul3A_794, %max3A_792 : vector<8x128xf32>
      %gt3A_796 = arith.cmpf ogt, %mul3A_786, %mul3A_795 : vector<8x128xf32>
      %gt3A_797 = vector.broadcast %scan3A_720 : i32 to vector<8x128xi32>
      %gt3A_798 = arith.cmpi sgt, %iota3A_686, %gt3A_797 : vector<8x128xi32>
      %and3A_799 = arith.andi %gt3A_796, %gt3A_798 : vector<8x128xi1>
      %convert_element_type3A_800 = arith.extui %and3A_799 : vector<8x128xi1> to vector<8x128xi32>
      %convert_element_type3A_801 = arith.sitofp %convert_element_type3A_800 : vector<8x128xi32> to vector<8x128xf32>
      %mul3A_802 = vector.broadcast %broadcast_in_dim3A_769 : vector<8x1xf32> to vector<8x128xf32>
      %mul3A_803 = arith.mulf %convert_element_type3A_801, %mul3A_802 : vector<8x128xf32>
      %get3A_804 = arith.constant 0 : index
      %get3A_805 = arith.constant 1920 : index
      %get3A_806 = vector.load %arg14[%get3A_804, %get3A_805] : memref<8x2048xf32, #tpu.memory_space<vmem>>, vector<8x128xf32>
      %sub3A_807 = arith.constant 1.000000e+00 : f32
      %sub3A_808 = vector.broadcast %sub3A_807 : f32 to vector<8x128xf32>
      %sub3A_809 = arith.subf %sub3A_808, %mul3A_803 : vector<8x128xf32>
      %mul3A_810 = arith.mulf %get3A_806, %sub3A_809 : vector<8x128xf32>
      %swap3A_811 = arith.constant 0 : index
      %swap3A_812 = arith.constant 1920 : index
      %swap3A_813 = vector.load %arg14[%swap3A_811, %swap3A_812] : memref<8x2048xf32, #tpu.memory_space<vmem>>, vector<8x128xf32>
      tpu.vector_store %arg14[%swap3A_811, %swap3A_812], %mul3A_810 {strides = array<i32>} : memref<8x2048xf32, #tpu.memory_space<vmem>>, vector<8x128xf32>,
    }
    %scan3A_707 = arith.constant 128 : i32
    %get3A_708 = arith.constant 0 : index
    %get3A_709 = arith.constant 0 : index
    %get3A_710 = vector.load %arg14[%get3A_708, %get3A_709] : memref<8x2048xf32, #tpu.memory_space<vmem>>, vector<8x2048xf32>
    %gt3A = arith.constant 5.000000e-01 : f32
    %gt3A_711 = vector.broadcast %gt3A : f32 to vector<8x2048xf32>
    %gt3A_712 = arith.cmpf ogt, %get3A_710, %gt3A_711 : vector<8x2048xf32>
    %get3A_713 = arith.constant 0 : index
    %get3A_714 = arith.constant 0 : index
    %get3A_715 = vector.load %arg8[%get3A_713, %get3A_714] : memref<8x2048xf32, #tpu.memory_space<vmem>>, vector<8x2048xf32>
    %jit3A_716 = arith.constant 0xFF800000 : f32
    %broadcast_in_dim3A = vector.broadcast %jit3A_716 : f32 to vector<8x2048xf32>
    %select_n3A = arith.select %gt3A_712, %get3A_715, %broadcast_in_dim3A : vector<8x2048xi1>, vector<8x2048xf32>
    %swap3A_717 = arith.constant 0 : index
    %swap3A_718 = arith.constant 0 : index
    %swap3A_719 = vector.load %arg13[%swap3A_717, %swap3A_718] : memref<8x2048xf32, #tpu.memory_space<vmem>>, vector<8x2048xf32>
    tpu.vector_store %arg13[%swap3A_717, %swap3A_718], %select_n3A {strides = array<i32>} : memref<8x2048xf32, #tpu.memory_space<vmem>>, vector<8x2048xf32>,
    return
  }
}

</mosaic_0001>

<sc_bundles>
// kernel: gather_offload_async_start.1
scs
__scs_entry_jumppad:
0x0: {  	(pc) =	sbr.rel $0x88, $3  }
0x1: {  	(tag) =	ssettag $0x0;
	lr =	simm.s32 $0x1  }
0x2: {  	[smem:$0x3F9E] =	sst lr;
	_ =	strace $0xD0000000  }
0x3: {  	_ = 	snop  }
0x4: {  	_ = 	snop  }
0x5: {  	_ = 	snop  }
0x6: {  	_ = 	snop  }
0x7: {  	_ = 	snop  }
__scs_overlays_trampoline_lowered:
0x8: {  	[smem:$0x3FAD] =	sst s0  }
0x9: {  	[smem:$0x3FAE] =	sst s1  }
0xa: {  	[smem:$0x3FAF] =	sst s2  }
0xb: {  	[smem:$0x3FB0] =	sst s3  }
0xc: {  	[smem:$0x3FB1] =	sst s4  }
0xd: {  	[smem:$0x3FB2] =	sst s5  }
0xe: {  	[smem:$0x3FB3] =	sst s6  }
0xf: {  	[smem:$0x3FB4] =	sst s7  }
0x10: {  	[smem:$0x3FB5] =	sst s8  }
0x11: {  	[smem:$0x3FB6] =	sst s9;
	s0 =	simm.s32 @!p0 $0x0  }
0x12: {  	s1 =	sld [smem:$0x3F9C];
	s0 =	simm.s32 @p0 $0x1  }
0x13: {  	[smem:$0x3FB7] =	sst s0;
	s0 =	simm.s32 @!p1 $0x0  }
0x14: {  	s2 =	sld [smem:$0x3F9B];
	s0 =	simm.s32 @p1 $0x1  }
0x15: {  	[smem:$0x3FB8] =	sst s0;
	s0 =	simm.s32 @!p2 $0x0  }
0x16: {  	s3 =	sld [smem:$0x3FDB];
	s0 =	simm.s32 @p2 $0x1  }
0x17: {  	s4 =	simm.s32 $0x1BF5;
	[smem:$0x3FBA] =	sst s0  }
0x18: {  	s0 =	sld [smem:$0x3F9D];
	_ =	swait.ge [sflag:s4], $0x0  }
0x19: {  	s7 =	sld [smem:$0x3F9E]  }
0x1a: {  	s8 =	sadd.s32 $0xFFFFE003, lr  }
0x1b: {  	s9 =	sadd.s32 $0xFFFFFEF7, lr;
	s5 =	simm.s32 $0xFFFFFFFF;
	p2 =	slt.u32 s8, $0xFFFFF086  }
0x1c: {  	p1 =	slt.u32 s9, $0xF7A;
	s5 =	simm.s32 @!p2 $0x0  }
0x1d: {  	s5 =	simm.s32 @p1 $0x1;
	p0 =	seq.s32 s7, s2  }
0x1e: {  	s7 =	smul.u32 @!p0 $0xF7A, s2;
	p2 =	seq.s32 @!p0 s5, $0x0  }
0x1f: {  	s9 =	smul.u32 $0xF7A, s1;
	s8 =	simm.s32 @!p0 $0x1BF5;
	p2 =	por !p2, p0  }
0x20: {  	[sflag:s8] =	ssyncset.s32 @!p0 $0xFFFFF086;
	s6 =	sadd.s32 @!p0 s3, s7;
	s7 =	simm.s32 @!p0 $0x108  }
0x21: {  	s3 =	sadd.s32 s3, s9;
	s6 =	sadd.s32 @!p0 $0x88, s6;
	s7 =	simm.s32 @p2 $0x1082  }
0x22: {  	[simem:s7], [sflag:s8] =	dma.local @!p0 [hbm:s6], $0xF7A  }
0x23: {  	s9 =	sor.u32 $0xD0000000, s2;
	s6 =	simm.s32 $0x108;
	_ =	swait.ge @!p0 [sflag:s8], $0x0  }
0x24: {  	s3 =	sadd.s32 $0x88, s3;
	s6 =	simm.s32 @!p1 $0x1082;
	[sflag:s4] =	ssyncset.s32 $0xFFFFF086  }
0x25: {  	[simem:s6], [sflag:s4] =	dma.local [hbm:s3], $0xF7A  }
0x26: {  	[smem:$0x3F9E] =	sst s1;
	(tag) =	ssettag s2;
	_ =	strace s9  }
0x27: {  	s1 =	sld [smem:$0x3FAE]  }
0x28: {  	s2 =	sld [smem:$0x3FAF]  }
0x29: {  	s4 =	sld [smem:$0x3FB1]  }
0x2a: {  	p0 =	seq.s32 s5, $0x0;
	s5 =	sld [smem:$0x3FB2]  }
0x2b: {  	s6 =	sld [smem:$0x3FB3]  }
0x2c: {  	s7 =	sld [smem:$0x3FB4]  }
0x2d: {  	s3 =	simm.s32 $0x108;
	s8 =	sld [smem:$0x3FB5]  }
0x2e: {  	s3 =	simm.s32 @!p0 $0x1082;
	s9 =	sld [smem:$0x3FB6]  }
0x2f: {  	lr =	sadd.s32 s0, s3;
	s0 =	sld [smem:$0x3FAD]  }
0x30: {  	s3 =	sld [smem:$0x3FB0]  }
0x31: {  	[smem:$0x3FB9] =	sst s10  }
0x32: {  	s10 =	sld [smem:$0x3FB7];
	_ =	sdelay $0x3  }
0x33: {  	p0 =	seq.s32 s10, $0x1;
	s10 =	sld [smem:$0x3FB9];
	_ =	sdelay $0x3  }
0x34: {  	[smem:$0x3FB9] =	sst s10  }
0x35: {  	s10 =	sld [smem:$0x3FB8];
	_ =	sdelay $0x3  }
0x36: {  	p1 =	seq.s32 s10, $0x1;
	s10 =	sld [smem:$0x3FB9];
	_ =	sdelay $0x3  }
0x37: {  	[smem:$0x3FB9] =	sst s10  }
0x38: {  	s10 =	sld [smem:$0x3FBA]  }
0x39: {  	_ = 	snop;
	(pc) =	sbr.ind lr, $3  }
0x3a: {  	_ = 	snop  }
0x3b: {  	_ = 	snop  }
0x3c: {  	p2 =	seq.s32 s10, $0x1;
	s10 =	sld [smem:$0x3FB9]  }
0x3d: {  	_ =	shalt  }
0x3e: {  	_ =	shalt  }
0x3f: {  	_ =	shalt  }
0x40: {  	_ =	shalt  }
0x41: {  	_ =	shalt  }
0x42: {  	_ =	shalt  }
0x43: {  	_ =	shalt  }
0x44: {  	_ =	shalt  }
0x45: {  	_ =	shalt  }
0x46: {  	_ =	shalt  }
0x47: {  	_ =	shalt  }
0x48: {  	_ =	shalt  }
0x49: {  	_ =	shalt  }
0x4a: {  	_ =	shalt  }
0x4b: {  	_ =	shalt  }
0x4c: {  	_ =	shalt  }
0x4d: {  	_ =	shalt  }
0x4e: {  	_ =	shalt  }
0x4f: {  	_ =	shalt  }
0x50: {  	_ =	shalt  }
0x51: {  	_ =	shalt  }
0x52: {  	_ =	shalt  }
0x53: {  	_ =	shalt  }
0x54: {  	_ =	shalt  }
0x55: {  	_ =	shalt  }
0x56: {  	_ =	shalt  }
0x57: {  	_ =	shalt  }
0x58: {  	_ =	shalt  }
0x59: {  	_ =	shalt  }
0x5a: {  	_ =	shalt  }
0x5b: {  	_ =	shalt  }
0x5c: {  	_ =	shalt  }
0x5d: {  	_ =	shalt  }
0x5e: {  	_ =	shalt  }
0x5f: {  	_ =	shalt  }
0x60: {  	_ =	shalt  }
0x61: {  	_ =	shalt  }
0x62: {  	_ =	shalt  }
0x63: {  	_ =	shalt  }
0x64: {  	_ =	shalt  }
0x65: {  	_ =	shalt  }
0x66: {  	_ =	shalt  }
0x67: {  	_ =	shalt  }
0x68: {  	_ =	shalt  }
0x69: {  	_ =	shalt  }
0x6a: {  	_ =	shalt  }
0x6b: {  	_ =	shalt  }
0x6c: {  	_ =	shalt  }
0x6d: {  	_ =	shalt  }
0x6e: {  	_ =	shalt  }
0x6f: {  	_ =	shalt  }
0x70: {  	_ =	shalt  }
0x71: {  	_ =	shalt  }
0x72: {  	_ =	shalt  }
0x73: {  	_ =	shalt  }
0x74: {  	_ =	shalt  }
0x75: {  	_ =	shalt  }
0x76: {  	_ =	shalt  }
0x77: {  	_ =	shalt  }
0x78: {  	_ =	shalt  }
0x79: {  	_ =	shalt  }
0x7a: {  	_ =	shalt  }
0x7b: {  	_ =	shalt  }
0x7c: {  	_ =	shalt  }
0x7d: {  	_ =	shalt  }
0x7e: {  	_ =	shalt  }
0x7f: {  	_ =	shalt  }
0x80: {  	_ =	shalt  }
0x81: {  	_ =	shalt  }
0x82: {  	_ =	shalt  }
0x83: {  	_ =	shalt  }
0x84: {  	_ =	shalt  }
0x85: {  	_ =	shalt  }
0x86: {  	_ =	shalt  }
0x87: {  	_ =	shalt  }
.Lfunc_end0:
.L_simem_size_0:
called_computation.1_lowered:
.L_overlay_start_0:
0x88: {  	s2 =	sld [smem:$0x3FD9]  }
0x89: {  	s3 =	sld [smem:$0x3FFE];
	_ =	sdelay $0x1  }
0x8a: {  	s1 =	srdreg.scid  }
0x8b: {  	s0 =	sand.u32 $0x1, s1  }
0x8c: {  	s17 =	sshll.u32 s0, $0xA;
	s2 =	sadd.s32 s3, s2  }
0x8d: {  	s2 =	sadd.s32 s2, s17  }
0x8e: {  	[smem:$0x3FC5] =	sst s2  }
0x8f: {  	_ = 	snop  }
0x90: {  	s18 =	sld [smem:$0x3FD0];
	(tm) =	ssettm $0x1  }
0x91: {  	s19 =	sld [smem:$0x3FFB];
	_ =	sdelay $0x3  }
0x92: {  	_ =	strace s19  }
0x93: {  	s2 =	sld [smem:$0x3FFC];
	_ =	sdelay $0x3  }
0x94: {  	_ =	strace s2  }
0x95: {  	s2 =	sld [smem:$0x3FFD];
	_ =	sdelay $0x3  }
0x96: {  	_ =	strace s2  }
0x97: {  	_ =	strace $0x8FFFFFFF  }
0x98: {  	s20 =	sld [smem:$0x3FDB];
	_ =	sdelay $0x1  }
0x99: {  	s4 =	simm.s32 $_scs_section_size  }
0x9a: {  	s5 =	simm.s32 $_size__tile_overlayer_lowered;
	s6 =	simm.s32 $_tile_overlayer_lowered  }
0x9b: {  	s7 =	simm.s32 $0x1BFF;
	s21 =	sshll.u32 s6, $0x1;
	s4 =	sadd.s32 s4, s20  }
0x9c: {  	s22 =	simm.s32 $0x0;
	s5 =	sshll.u32 s5, $0x1;
	s6 =	sadd.s32 s21, s4  }
0x9d: {  	[timem:s22], [sflag:s7] =	dma.local [hbm:s6], s5  }
0x9e: {  	_ =	swait.ge [sflag:s7], s5  }
0x9f: {  	s5 =	ssub.s32 $0x0, s5;
	[sflag:s7] =	ssyncset.done $0x0  }
0xa0: {  	[sflag:s7] =	ssyncadd.s32 s5;
	_ =	sdelay $0x1  }
0xa1: {  	s23 =	simm.s32 $0x1B8B  }
0xa2: {  	_ =	swait.ge [sflag:s23], $0x1  }
0xa3: {  	[sflag:s23] =	ssyncset.done $0x0  }
0xa4: {  	[sflag:s23] =	ssyncadd.s32 $0xFFFFFFFF  }
0xa5: {  	s5 =	sld [smem:$0x0]  }
0xa6: {  	s6 =	sand.u32 $0xFFFFFFFE, s1  }
0xa7: {  	p0 =	sne.s32 s1, s6  }
0xa8: {  	s6 =	sshll.u32 @p0 s6, $0xE  }
0xa9: {  	s6 =	sadd.s32 @p0 $0x11B8D, s6;
	s7 =	sshll.u32 @p0 s5, $0x11  }
0xaa: {  	s6 =	sor.u32 @p0 s7, s6  }
0xab: {  	[sflag:s6] =	ssyncadd.remote.s32 @p0 $0x1;
	_ =	sdelay $0x1  }
0xac: {  	s6 =	simm.s32 @p0 $0x1B8D  }
0xad: {  	_ =	swait.eq @p0 [sflag:s6], $0x1  }
0xae: {  	[sflag:s6] =	ssyncadd.s32 @p0 $0xFFFFFFFF  }
0xaf: {  	s7 =	sshll.u32 @!p0 s1, $0xE  }
0xb0: {  	s7 =	sor.u32 @!p0 $0x4000, s7;
	s6 =	simm.s32 @!p0 $0x1B8D  }
0xb1: {  	s5 =	sshll.u32 @!p0 s5, $0x11;
	s7 =	sadd.s32 @!p0 $0x11B8D, s7;
	_ =	swait.eq @!p0 [sflag:s6], $0x1  }
0xb2: {  	s5 =	sor.u32 @!p0 s5, s7;
	[sflag:s6] =	ssyncadd.s32 @!p0 $0xFFFFFFFF  }
0xb3: {  	s25 =	simm.s32 $0x1B8E;
	s24 =	sld [smem:$0x3FFE];
	[sflag:s5] =	ssyncadd.remote.s32 @!p0 $0x1  }
0xb4: {  	s26 =	simm.s32 $execute0_lowered;
	[smem:$0x3FD2] =	sst s25  }
0xb5: {  	s6 =	sshll.u32 s26, $0x1;
	_ =	strace $0x80000049;
	[dreg:$0x1] =	wrdreg $0xFFFFFFFF  }
0xb6: {  	s28 =	simm.s32 $_size_execute0_lowered;
	s4 =	sadd.s32 s4, s6;
	[dreg:$0x0] =	wrdreg $0x0  }
0xb7: {  	s6 =	sshll.u32 s28, $0x1;
	[dreg:$0x2] =	wrdreg s4  }
0xb8: {  	[dreg:$0x3] =	wrdreg s6  }
0xb9: {  	[dreg:$0x4] =	wrdreg $0xC0  }
0xba: {  	_ =	task [dreg:s22], $0x5FFFF  }
0xbb: {  	[dreg:$0x1] =	wrdreg $0xFFFFFFFF  }
0xbc: {  	[dreg:$0x0] =	wrdreg $0x60  }
0xbd: {  	[dreg:$0x2] =	wrdreg s24  }
0xbe: {  	[dreg:$0x3] =	wrdreg s18  }
0xbf: {  	[dreg:$0x4] =	wrdreg $0xA  }
0xc0: {  	_ =	task.clear_ibuf [dreg:s22], $0x5FFFF;
	_ =	strace $0x90000049  }
0xc1: {  	s29 =	simm.s32 $0xA;
	_ =	strace $0x8000004B  }
0xc2: {  	_ =	swait.ge [sflag:s29], $0x1  }
0xc3: {  	[sflag:s29] =	ssyncadd.s32 $0xFFFFFFFF  }
0xc4: {  	_ =	strace $0x9000004B  }
0xc5: {  	_ =	sfence  }
0xc6: {  	s30 =	sld [smem:$0x0];
	_ =	sdelay $0x2  }
0xc7: {  	s31 =	sshll.u32 s1, $0xD;
	s1 =	sshrl.u32 s1, $0x2  }
0xc8: {  	s4 =	sand.u32 $0x4000, s31;
	s1 =	sadd.s32 s1, s30  }
0xc9: {  	s0 =	sor.u32 s4, s0;
	s1 =	sshll.u32 s1, $0x11  }
0xca: {  	s0 =	sor.u32 s1, s0  }
0xcb: {  	s0 =	sadd.s32 $0x8F2B, s0  }
0xcc: {  	[sflag:s0] =	ssyncadd.remote.s32 $0x1  }
0xcd: {  	_ =	sfence.sel $0xFFFF  }
0xce: {  	[dreg:$0x0] =	wrdreg $0xFFFFFFFF;
	(pc) =	sbr.abs _section_cstart, $3  }
0xcf: {  	[dreg:$0x1] =	wrdreg $0xFFFFFFFF  }
0xd0: {  	_ =	task.clear_ibuf [dreg:s22], $0x2FFFF;
	_ =	strace $0x9FFFFFFF  }
0xd1: {  	(tm) =	ssettm $0x7FFFFFFF  }
tec
execute0_lowered:
.L_overlay_start_1:
0x0: {  	(tag) =	ssettag $0x1  }
0x1: {  	s0 =	srdreg.scid  }
0x2: {  	s1 =	sshll.u32 s0, $0x4  }
0x3: {  	s0 =	stileid.u32;
	s1 =	sand.u32 $0x10, s1  }
0x4: {  	s2 =	sor.u32 s0, s1  }
0x5: {  	s1 =	smin.u32 s2, $0x12  }
0x6: {  	s1 =	sadd.s32 s2, s1  }
0x7: {  	p0 =	slt.u32 s2, $0x12;
	s2 =	simm.s32 $0x280;
	s1 =	smul.u32 $0x140, s1  }
0x8: {  	s2 =	simm.s32 @!p0 $0x140  }
0x9: {  	s2 =	sadd.s32 s2, s1  }
0xa: {  	s3 =	smin.u32 s2, $0x3E80  }
0xb: {  	s7 =	ssub.s32 s3, s1  }
0xc: {  	p0 =	sgt.s32 s7, $0x0  }
0xd: {  	s7 =	simm.s32 @!p0 $0x0  }
0xe: {  	s9 =	rddreg [dreg:$0x0];
	s31 =	smul.u32 $0xCCCD, s7  }
0xf: {  	s4 =	rddreg [dreg:$0x1];
	s6 =	simm.s32 $0x1  }
0x10: {  	s11 =	simm.s32 $0x3;
	s13 =	simm.s32 $0x0;
	s8 =	sshrl.u32 s31, $0x18  }
0x11: {  	s12 =	simm.s32 $0x0;
	s5 =	sadd.s32 $0x2B4800, s9;
	s10 =	smul.u32 $0x140, s8  }
.Ltmp0:
0x12: {  	s9 =	sadd.s32 $0x525800, s9;
	s2 =	rddreg [dreg:$0x2];
	(pc) =	sbr.rel .LBB2_1-.Ltmp0, $4  }
0x13: {  	_ =	strace $0x8000004A;
	p0 =	sne.s32 s7, s10;
	s10 =	simm.s32 $0x1  }
0x14: {  	[sflag:s6] =	ssyncpa.u1 $0x0;
	s7 =	simm.s32 $0x2;
	s10 =	simm.s32 @!p0 $0x0  }
0x15: {  	[sflag:s7] =	ssyncpa.u1 $0x0;
	p0 =	por $0x0, $0x0;
	s8 =	sadd.s32 s8, s10  }
0x16: {  	vm0 =	vmmov $0xff;
	vm1 =	vcmask $0x3F20;
	[sflag:s11] =	ssyncpa.u1 $0x0;
	s11 =	smov.u32 s1;
	s10 =	sadd.s32 $0x1, s8  }
.LBB2_6:
0x17: {  	[hbm:s17] =	stream.linear.scatter [tilespmem:s14], [sflag:$0x3], $0x400, $0x38;
	[tilespmem:$0x14280] =	vst v63  }
.LBB2_7:
0x18: {  	s13 =	sadd.s32 $0x140, s11  }
0x19: {  	s15 =	smov.u32 s1;
	p2 =	slt.s32 s13, s3  }
0x1a: {  	s15 =	smov.u32 @p2 s13;
	p2 =	sne.s32 s12, s10  }
.Ltmp1:
0x1b: {  	p1 =	slt.u32 s12, $0x2;
	(pc) =	sbr.rel @!p2 .LBB2_8-.Ltmp1, $4  }
0x1c: {  	s14 =	simm.s32 @!p1 $0x3  }
0x1d: {  	s16 =	sadd.s32 $0x1, s12;
	_ =	swait.ge @!p1 [sflag:s14], $0xA000  }
0x1e: {  	p0 =	por !p0, !p0;
	s13 =	smov.u32 s11;
	[sflag:s14] =	ssyncset.done @!p1 $0x0  }
0x1f: {  	s12 =	smov.u32 s16;
	s11 =	smov.u32 s15;
	[sflag:s14] =	ssyncadd.s32 @!p1 $0xFFFF6000  }
.LBB2_1:
0x20: {  	p1 =	sge.u32 s12, s8  }
0x21: {  	s14 =	sxor.u32 @!p1 $0xFFFFFFFF, s12  }
0x22: {  	s14 =	sand.u32 @!p1 $0x1, s14  }
0x23: {  	s14 =	smul.u32 @!p1 $0x500, s14  }
0x24: {  	s31 =	sadd.s32 $0xFFFFFFFF, s12;
	s15 =	sshrl.u32 @!p1 s11, $0x3  }
0x25: {  	s16 =	sand.u32 @!p1 $0x7, s11;
	s15 =	sadd.s32 @!p1 s4, s15;
	s14 =	sshrl.u32 @!p1 s14, $0x2  }
0x26: {  	[tilespmem:s14], [sflag:$0x2] =	stream.linear.gather @!p1 [hbm4b:s15+s16], $0x140, $0x38;
	[tilespmem:$0x14280] =	vst v63  }
0x27: {  	p1 =	sge.u32 s31, s8  }
.Ltmp2:
0x28: {  	_ = 	snop;
	(pc) =	sbr.rel @p1 .LBB2_7-.Ltmp2, $1  }
0x29: {  	_ =	sdelay $0x3  }
0x2a: {  	s14 =	simm.s32 $0x1  }
0x2b: {  	s14 =	simm.s32 @!p0 $0x0  }
0x2c: {  	s15 =	smul.u32 $0x500, s14  }
0x2d: {  	_ =	swait.ge [sflag:s7], $0x140  }
0x2e: {  	[sflag:s7] =	ssyncset.done $0x0;
	s16 =	sshrl.u32 s15, $0x2  }
0x2f: {  	[sflag:s7] =	ssyncadd.s32 $0xFFFFFEC0;
	s15 =	sadd.s32 $0x0, s16  }
0x30: {  	v0 =	vld.msk [tilespmem:s15+$0x0 ss:$0x1], $0xffff;
	_ =	sdelay $0x4  }
0x31: {  	v1 =	vand.u32 $0x7, v0;
	v2 =	vshll.u32 v0, $0x4  }
0x32: {  	vm2 =	veq.s32 v0, $0x80000000;
	v0 =	vmul.u32 $0x271000, v1;
	v1 =	vand.u32 $0x3FFF80, v2  }
0x33: {  	v1 =	vsel vm2, $0xFFFFFF80, v1  }
0x34: {  	v0 =	vsel vm2, $0xFFD8F000, v0;
	v2 =	vand.u32 $0xFFFFFC00, v1  }
0x35: {  	v1 =	vand.u32 $0x380, v1;
	v0 =	vadd.s32 v0, v2  }
0x36: {  	v0 =	vor.u32 v1, v0  }
0x37: {  	v0 =	vshrl.u32 v0, $0x3  }
0x38: {  	s14 =	smul.u32 $0x28000, s14;
	_ =	sdelay $0x1  }
0x39: {  	s14 =	sshrl.u32 s14, $0x2  }
0x3a: {  	s14 =	sor.u32 $0x280, s14  }
0x3b: {  	[tilespmem:s14], [sflag:$0x1] =	stream.indirect_vreg.gather [hbm:s5], $0x80, v0, vm0, $0x38;
	[tilespmem:$0x14280] =	vst v63  }
0x3c: {  	s17 =	sadd.s32 $0x10, s16;
	s15 =	sadd.s32 $0x400, s14  }
0x3d: {  	[tilespmem:s15], [sflag:$0x1] =	stream.indirect_vreg.gather [hbm:s5], $0x80, v0, vm1, $0x38;
	[tilespmem:$0x14280] =	vst v63  }
0x3e: {  	s18 =	simm.s32 $0x80;
	v0 =	vld.msk [tilespmem:s17+$0x0 ss:$0x1], $0xffff;
	s17 =	smov.u32 s14  }
.LBB2_3:
0x3f: {  	p1 =	sne.s32 s18, $0x4C0;
	_ =	sdelay $0x4  }
0x40: {  	v1 =	vand.u32 $0x7, v0;
	v2 =	vshll.u32 v0, $0x4  }
0x41: {  	vm2 =	veq.s32 v0, $0x80000000;
	v0 =	vmul.u32 $0x271000, v1;
	v1 =	vand.u32 $0x3FFF80, v2  }
0x42: {  	v1 =	vsel vm2, $0xFFFFFF80, v1  }
0x43: {  	v0 =	vsel vm2, $0xFFD8F000, v0;
	v2 =	vand.u32 $0xFFFFFC00, v1  }
0x44: {  	v1 =	vand.u32 $0x380, v1;
	v0 =	vadd.s32 v0, v2  }
0x45: {  	v0 =	vor.u32 v1, v0  }
0x46: {  	v0 =	vshrl.u32 v0, $0x3;
	_ =	sdelay $0x3  }
.Ltmp3:
0x47: {  	s19 =	sshra.s32 s18, $0x2;
	s17 =	sadd.s32 $0x800, s17;
	(pc) =	sbr.rel @p1 .LBB2_3-.Ltmp3, $4  }
0x48: {  	[tilespmem:s17], [sflag:$0x1] =	stream.indirect_vreg.gather [hbm:s5], $0x80, v0, vm0, $0x38;
	[tilespmem:$0x14280] =	vst v63  }
0x49: {  	s19 =	sadd.s32 s19, s16;
	s20 =	sadd.s32 $0x400, s17  }
0x4a: {  	[tilespmem:s20], [sflag:$0x1] =	stream.indirect_vreg.gather [hbm:s5], $0x80, v0, vm1, $0x38;
	[tilespmem:$0x14280] =	vst v63  }
0x4b: {  	s18 =	sadd.s32 $0x40, s18;
	v0 =	vld.msk [tilespmem:s19+$0x0 ss:$0x1], $0xffff  }
0x4c: {  	_ =	sdelay $0x3  }
0x4d: {  	v1 =	vand.u32 $0x7, v0;
	v2 =	vshll.u32 v0, $0x4  }
0x4e: {  	vm2 =	veq.s32 v0, $0x80000000;
	v61 =	vmul.u32 $0x271000, v1;
	v62 =	vand.u32 $0x3FFF80, v2  }
0x4f: {  	v1 =	vsel vm2, $0xFFFFFF80, v62  }
0x50: {  	v0 =	vsel vm2, $0xFFD8F000, v61;
	v63 =	vand.u32 $0xFFFFFC00, v1  }
0x51: {  	v1 =	vand.u32 $0x380, v1;
	v0 =	vadd.s32 v0, v63  }
0x52: {  	v0 =	vor.u32 v1, v0  }
0x53: {  	v0 =	vshrl.u32 v0, $0x3;
	_ =	sdelay $0x3  }
0x54: {  	s16 =	sadd.s32 $0x800, s17  }
0x55: {  	[tilespmem:s16], [sflag:$0x1] =	stream.indirect_vreg.gather [hbm:s5], $0x80, v0, vm0, $0x38;
	[tilespmem:$0x14280] =	vst v63  }
0x56: {  	s16 =	sadd.s32 $0x400, s16  }
0x57: {  	[tilespmem:s16], [sflag:$0x1] =	stream.indirect_vreg.gather [hbm:s5], $0x80, v0, vm1, $0x38;
	[tilespmem:$0x14280] =	vst v63  }
0x58: {  	s13 =	sshll.u32 s13, $0x4;
	_ =	swait.ge [sflag:s6], $0xA000  }
0x59: {  	s13 =	sadd.s32 s13, s9;
	[sflag:s6] =	ssyncset.done $0x0  }
0x5a: {  	s17 =	sadd.s32 $0x0, s13;
	s16 =	simm.s32 $0x80;
	[sflag:s6] =	ssyncadd.s32 $0xFFFF6000  }
.LBB2_5:
0x5b: {  	[hbm:s17] =	stream.linear.scatter [tilespmem:s14], [sflag:$0x3], $0x400, $0x38;
	[tilespmem:$0x14280] =	vst v63  }
0x5c: {  	s17 =	smov.u32 s16;
	s14 =	smov.u32 s15;
	p1 =	sne.s32 s16, $0x1380  }
.Ltmp4:
0x5d: {  	s16 =	sadd.s32 $0x80, s16;
	(pc) =	sbr.rel @p1 .LBB2_5-.Ltmp4, $2  }
0x5e: {  	_ =	sdelay $0x2  }
0x5f: {  	s15 =	sadd.s32 $0x400, s15;
	s17 =	sadd.s32 s17, s13  }
.Ltmp5:
0x60: {  	_ = 	snop;
	(pc) =	sbr.rel .LBB2_6-.Ltmp5, $1  }
0x61: {  	_ =	sdelay $0x3  }
.LBB2_8:
0x62: {  	_ =	sfence.sel $0x180000  }
0x63: {  	s1 =	simm.s32 $0x2;
	[bflag:$0x0] =	sbarrier.arrive $0xFFFF  }
0x64: {  	s30 =	simm.s32 $0x3;
	[sflag:s1] =	ssyncpa.u1 $0x1  }
0x65: {  	s31 =	simm.s32 $0x1;
	[sflag:s30] =	ssyncpa.u1 $0x1  }
0x66: {  	[sflag:s31] =	ssyncpa.u1 $0x1  }
0x67: {  	p0 =	sne.s32 s0, $0x0;
	_ =	strace $0x9000004A  }
0x68: {  	s0 =	sadd.s32 @!p0 $0x100000, s2;
	[bflag:$0x2] =	sbarrier.arrive $0xFFFF  }
0x69: {  	[sflag:s0] =	ssyncadd.tile.s32 @!p0 $0x1;
	_ =	shalt  }
.Lfunc_end2:
_tile_overlayer_lowered:
.L_overlay_start_2:
0x6a: {  	(tag) =	ssettag $0x2  }
0x6b: {  	s0 =	rddreg [dreg:$0x0];
	s2 =	stileid.u32  }
0x6c: {  	s1 =	rddreg [dreg:$0x1];
	p0 =	sne.s32 s2, $0x0  }
0x6d: {  	s3 =	rddreg [dreg:$0x2];
	[bflag:$0x3] =	sbarrier.arrive $0xFFFF;
	s2 =	simm.s32 @!p0 $0x1C01  }
0x6e: {  	[timem:s3], [sflag:s2] =	dma.local @!p0 [hbm:s0], s1  }
0x6f: {  	s0 =	simm.s32 @!p0 $0x1  }
0x70: {  	_ =	swait.ge @!p0 [sflag:s0], s1  }
0x71: {  	s1 =	ssub.s32 @!p0 $0x0, s1;
	[sflag:s0] =	ssyncset.done @!p0 $0x0  }
0x72: {  	[sflag:s0] =	ssyncadd.s32 @!p0 s1  }
0x73: {  	[bflag:$0x3] =	sbarrier.arrive $0xFFFF  }
0x74: {  	_ =	shalt  }

// kernel: gather_offload_async_start.2
scs
__scs_entry_jumppad:
0x0: {  	(pc) =	sbr.rel $0x88, $3  }
0x1: {  	(tag) =	ssettag $0x0;
	lr =	simm.s32 $0x1  }
0x2: {  	[smem:$0x3F9E] =	sst lr;
	_ =	strace $0xD0000000  }
0x3: {  	_ = 	snop  }
0x4: {  	_ = 	snop  }
0x5: {  	_ = 	snop  }
0x6: {  	_ = 	snop  }
0x7: {  	_ = 	snop  }
__scs_overlays_trampoline_lowered:
0x8: {  	[smem:$0x3FAD] =	sst s0  }
0x9: {  	[smem:$0x3FAE] =	sst s1  }
0xa: {  	[smem:$0x3FAF] =	sst s2  }
0xb: {  	[smem:$0x3FB0] =	sst s3  }
0xc: {  	[smem:$0x3FB1] =	sst s4  }
0xd: {  	[smem:$0x3FB2] =	sst s5  }
0xe: {  	[smem:$0x3FB3] =	sst s6  }
0xf: {  	[smem:$0x3FB4] =	sst s7  }
0x10: {  	[smem:$0x3FB5] =	sst s8  }
0x11: {  	[smem:$0x3FB6] =	sst s9;
	s0 =	simm.s32 @!p0 $0x0  }
0x12: {  	s1 =	sld [smem:$0x3F9C];
	s0 =	simm.s32 @p0 $0x1  }
0x13: {  	[smem:$0x3FB7] =	sst s0;
	s0 =	simm.s32 @!p1 $0x0  }
0x14: {  	s2 =	sld [smem:$0x3F9B];
	s0 =	simm.s32 @p1 $0x1  }
0x15: {  	[smem:$0x3FB8] =	sst s0;
	s0 =	simm.s32 @!p2 $0x0  }
0x16: {  	s3 =	sld [smem:$0x3FDB];
	s0 =	simm.s32 @p2 $0x1  }
0x17: {  	s4 =	simm.s32 $0x1BF5;
	[smem:$0x3FBA] =	sst s0  }
0x18: {  	s0 =	sld [smem:$0x3F9D];
	_ =	swait.ge [sflag:s4], $0x0  }
0x19: {  	s7 =	sld [smem:$0x3F9E]  }
0x1a: {  	s8 =	sadd.s32 $0xFFFFE003, lr  }
0x1b: {  	s9 =	sadd.s32 $0xFFFFFEF7, lr;
	s5 =	simm.s32 $0xFFFFFFFF;
	p2 =	slt.u32 s8, $0xFFFFF086  }
0x1c: {  	p1 =	slt.u32 s9, $0xF7A;
	s5 =	simm.s32 @!p2 $0x0  }
0x1d: {  	s5 =	simm.s32 @p1 $0x1;
	p0 =	seq.s32 s7, s2  }
0x1e: {  	s7 =	smul.u32 @!p0 $0xF7A, s2;
	p2 =	seq.s32 @!p0 s5, $0x0  }
0x1f: {  	s9 =	smul.u32 $0xF7A, s1;
	s8 =	simm.s32 @!p0 $0x1BF5;
	p2 =	por !p2, p0  }
0x20: {  	[sflag:s8] =	ssyncset.s32 @!p0 $0xFFFFF086;
	s6 =	sadd.s32 @!p0 s3, s7;
	s7 =	simm.s32 @!p0 $0x108  }
0x21: {  	s3 =	sadd.s32 s3, s9;
	s6 =	sadd.s32 @!p0 $0x88, s6;
	s7 =	simm.s32 @p2 $0x1082  }
0x22: {  	[simem:s7], [sflag:s8] =	dma.local @!p0 [hbm:s6], $0xF7A  }
0x23: {  	s9 =	sor.u32 $0xD0000000, s2;
	s6 =	simm.s32 $0x108;
	_ =	swait.ge @!p0 [sflag:s8], $0x0  }
0x24: {  	s3 =	sadd.s32 $0x88, s3;
	s6 =	simm.s32 @!p1 $0x1082;
	[sflag:s4] =	ssyncset.s32 $0xFFFFF086  }
0x25: {  	[simem:s6], [sflag:s4] =	dma.local [hbm:s3], $0xF7A  }
0x26: {  	[smem:$0x3F9E] =	sst s1;
	(tag) =	ssettag s2;
	_ =	strace s9  }
0x27: {  	s1 =	sld [smem:$0x3FAE]  }
0x28: {  	s2 =	sld [smem:$0x3FAF]  }
0x29: {  	s4 =	sld [smem:$0x3FB1]  }
0x2a: {  	p0 =	seq.s32 s5, $0x0;
	s5 =	sld [smem:$0x3FB2]  }
0x2b: {  	s6 =	sld [smem:$0x3FB3]  }
0x2c: {  	s7 =	sld [smem:$0x3FB4]  }
0x2d: {  	s3 =	simm.s32 $0x108;
	s8 =	sld [smem:$0x3FB5]  }
0x2e: {  	s3 =	simm.s32 @!p0 $0x1082;
	s9 =	sld [smem:$0x3FB6]  }
0x2f: {  	lr =	sadd.s32 s0, s3;
	s0 =	sld [smem:$0x3FAD]  }
0x30: {  	s3 =	sld [smem:$0x3FB0]  }
0x31: {  	[smem:$0x3FB9] =	sst s10  }
0x32: {  	s10 =	sld [smem:$0x3FB7];
	_ =	sdelay $0x3  }
0x33: {  	p0 =	seq.s32 s10, $0x1;
	s10 =	sld [smem:$0x3FB9];
	_ =	sdelay $0x3  }
0x34: {  	[smem:$0x3FB9] =	sst s10  }
0x35: {  	s10 =	sld [smem:$0x3FB8];
	_ =	sdelay $0x3  }
0x36: {  	p1 =	seq.s32 s10, $0x1;
	s10 =	sld [smem:$0x3FB9];
	_ =	sdelay $0x3  }
0x37: {  	[smem:$0x3FB9] =	sst s10  }
0x38: {  	s10 =	sld [smem:$0x3FBA]  }
0x39: {  	_ = 	snop;
	(pc) =	sbr.ind lr, $3  }
0x3a: {  	_ = 	snop  }
0x3b: {  	_ = 	snop  }
0x3c: {  	p2 =	seq.s32 s10, $0x1;
	s10 =	sld [smem:$0x3FB9]  }
0x3d: {  	_ =	shalt  }
0x3e: {  	_ =	shalt  }
0x3f: {  	_ =	shalt  }
0x40: {  	_ =	shalt  }
0x41: {  	_ =	shalt  }
0x42: {  	_ =	shalt  }
0x43: {  	_ =	shalt  }
0x44: {  	_ =	shalt  }
0x45: {  	_ =	shalt  }
0x46: {  	_ =	shalt  }
0x47: {  	_ =	shalt  }
0x48: {  	_ =	shalt  }
0x49: {  	_ =	shalt  }
0x4a: {  	_ =	shalt  }
0x4b: {  	_ =	shalt  }
0x4c: {  	_ =	shalt  }
0x4d: {  	_ =	shalt  }
0x4e: {  	_ =	shalt  }
0x4f: {  	_ =	shalt  }
0x50: {  	_ =	shalt  }
0x51: {  	_ =	shalt  }
0x52: {  	_ =	shalt  }
0x53: {  	_ =	shalt  }
0x54: {  	_ =	shalt  }
0x55: {  	_ =	shalt  }
0x56: {  	_ =	shalt  }
0x57: {  	_ =	shalt  }
0x58: {  	_ =	shalt  }
0x59: {  	_ =	shalt  }
0x5a: {  	_ =	shalt  }
0x5b: {  	_ =	shalt  }
0x5c: {  	_ =	shalt  }
0x5d: {  	_ =	shalt  }
0x5e: {  	_ =	shalt  }
0x5f: {  	_ =	shalt  }
0x60: {  	_ =	shalt  }
0x61: {  	_ =	shalt  }
0x62: {  	_ =	shalt  }
0x63: {  	_ =	shalt  }
0x64: {  	_ =	shalt  }
0x65: {  	_ =	shalt  }
0x66: {  	_ =	shalt  }
0x67: {  	_ =	shalt  }
0x68: {  	_ =	shalt  }
0x69: {  	_ =	shalt  }
0x6a: {  	_ =	shalt  }
0x6b: {  	_ =	shalt  }
0x6c: {  	_ =	shalt  }
0x6d: {  	_ =	shalt  }
0x6e: {  	_ =	shalt  }
0x6f: {  	_ =	shalt  }
0x70: {  	_ =	shalt  }
0x71: {  	_ =	shalt  }
0x72: {  	_ =	shalt  }
0x73: {  	_ =	shalt  }
0x74: {  	_ =	shalt  }
0x75: {  	_ =	shalt  }
0x76: {  	_ =	shalt  }
0x77: {  	_ =	shalt  }
0x78: {  	_ =	shalt  }
0x79: {  	_ =	shalt  }
0x7a: {  	_ =	shalt  }
0x7b: {  	_ =	shalt  }
0x7c: {  	_ =	shalt  }
0x7d: {  	_ =	shalt  }
0x7e: {  	_ =	shalt  }
0x7f: {  	_ =	shalt  }
0x80: {  	_ =	shalt  }
0x81: {  	_ =	shalt  }
0x82: {  	_ =	shalt  }
0x83: {  	_ =	shalt  }
0x84: {  	_ =	shalt  }
0x85: {  	_ =	shalt  }
0x86: {  	_ =	shalt  }
0x87: {  	_ =	shalt  }
.Lfunc_end0:
.L_simem_size_0:
called_computation.2_lowered:
.L_overlay_start_0:
0x88: {  	s2 =	sld [smem:$0x3FD9]  }
0x89: {  	s3 =	sld [smem:$0x3FFE];
	_ =	sdelay $0x1  }
0x8a: {  	s1 =	srdreg.scid  }
0x8b: {  	s0 =	sand.u32 $0x1, s1  }
0x8c: {  	s17 =	sshll.u32 s0, $0xA;
	s2 =	sadd.s32 s3, s2  }
0x8d: {  	s2 =	sadd.s32 s2, s17  }
0x8e: {  	[smem:$0x3FC5] =	sst s2  }
0x8f: {  	_ = 	snop  }
0x90: {  	s2 =	sld [smem:$0x3FD0];
	(tm) =	ssettm $0x1  }
0x91: {  	s18 =	sld [smem:$0x3FFB];
	_ =	sdelay $0x3  }
0x92: {  	_ =	strace s18  }
0x93: {  	s3 =	sld [smem:$0x3FFC];
	_ =	sdelay $0x3  }
0x94: {  	_ =	strace s3  }
0x95: {  	s3 =	sld [smem:$0x3FFD];
	_ =	sdelay $0x3  }
0x96: {  	_ =	strace s3  }
0x97: {  	_ =	strace $0x8FFFFFFF  }
0x98: {  	s19 =	sld [smem:$0x3FDB];
	_ =	sdelay $0x1  }
0x99: {  	s4 =	simm.s32 $_scs_section_size  }
0x9a: {  	s5 =	simm.s32 $_size__tile_overlayer_lowered;
	s6 =	simm.s32 $_tile_overlayer_lowered  }
0x9b: {  	s22 =	simm.s32 $0x1BFF;
	s21 =	sshll.u32 s6, $0x1;
	s3 =	sadd.s32 s4, s19  }
0x9c: {  	s7 =	simm.s32 $0x0;
	s20 =	sshll.u32 s5, $0x1;
	s5 =	sadd.s32 s21, s3  }
0x9d: {  	[timem:s7], [sflag:s22] =	dma.local [hbm:s5], s20  }
0x9e: {  	_ =	swait.ge [sflag:s22], s20  }
0x9f: {  	s4 =	ssub.s32 $0x0, s20;
	[sflag:s22] =	ssyncset.done $0x0  }
0xa0: {  	[sflag:s22] =	ssyncadd.s32 s4;
	_ =	sdelay $0x1  }
0xa1: {  	s23 =	simm.s32 $0x1B8B  }
0xa2: {  	_ =	swait.ge [sflag:s23], $0x1  }
0xa3: {  	[sflag:s23] =	ssyncset.done $0x0  }
0xa4: {  	s25 =	simm.s32 $0x1B8E;
	s24 =	sld [smem:$0x3FFE];
	[sflag:s23] =	ssyncadd.s32 $0xFFFFFFFF  }
0xa5: {  	s26 =	simm.s32 $execute0_lowered;
	[smem:$0x3FD2] =	sst s25  }
0xa6: {  	s5 =	sshll.u32 s26, $0x1;
	_ =	strace $0x8000004C;
	[dreg:$0x1] =	wrdreg $0xFFFFFFFF  }
0xa7: {  	s28 =	simm.s32 $_size_execute0_lowered;
	s3 =	sadd.s32 s3, s5;
	[dreg:$0x0] =	wrdreg $0x0  }
0xa8: {  	s5 =	sshll.u32 s28, $0x1;
	[dreg:$0x2] =	wrdreg s3  }
0xa9: {  	[dreg:$0x3] =	wrdreg s5  }
0xaa: {  	[dreg:$0x4] =	wrdreg $0xC0  }
0xab: {  	_ =	task [dreg:s7], $0x5FFFF  }
0xac: {  	[dreg:$0x1] =	wrdreg $0xFFFFFFFF  }
0xad: {  	[dreg:$0x0] =	wrdreg $0x60  }
0xae: {  	[dreg:$0x2] =	wrdreg s2  }
0xaf: {  	[dreg:$0x3] =	wrdreg s24  }
0xb0: {  	[dreg:$0x4] =	wrdreg $0x9  }
0xb1: {  	_ =	task.clear_ibuf [dreg:s7], $0x5FFFF;
	_ =	strace $0x9000004C  }
0xb2: {  	s29 =	simm.s32 $0x9;
	_ =	strace $0x8000004E  }
0xb3: {  	_ =	swait.ge [sflag:s29], $0x1  }
0xb4: {  	[sflag:s29] =	ssyncadd.s32 $0xFFFFFFFF  }
0xb5: {  	_ =	strace $0x9000004E  }
0xb6: {  	_ =	sfence  }
0xb7: {  	s30 =	sld [smem:$0x0];
	_ =	sdelay $0x2  }
0xb8: {  	s31 =	sshll.u32 s1, $0xD;
	s1 =	sshrl.u32 s1, $0x2  }
0xb9: {  	s3 =	sand.u32 $0x4000, s31;
	s1 =	sadd.s32 s1, s30  }
0xba: {  	s0 =	sor.u32 s3, s0;
	s1 =	sshll.u32 s1, $0x11  }
0xbb: {  	s0 =	sor.u32 s1, s0  }
0xbc: {  	s0 =	sadd.s32 $0x8F2B, s0  }
0xbd: {  	[sflag:s0] =	ssyncadd.remote.s32 $0x1  }
0xbe: {  	_ =	sfence.sel $0xFFFF  }
0xbf: {  	[dreg:$0x0] =	wrdreg $0xFFFFFFFF;
	(pc) =	sbr.abs _section_cstart, $3  }
0xc0: {  	[dreg:$0x1] =	wrdreg $0xFFFFFFFF  }
0xc1: {  	_ =	task.clear_ibuf [dreg:s7], $0x2FFFF;
	_ =	strace $0x9FFFFFFF  }
0xc2: {  	(tm) =	ssettm $0x7FFFFFFF  }
0xc3: {  	_ =	shalt  }
tec
execute0_lowered:
.L_overlay_start_1:
0x0: {  	(tag) =	ssettag $0x1  }
0x1: {  	s2 =	rddreg [dreg:$0x0];
	s0 =	stileid.u32  }
0x2: {  	s1 =	srdreg.scid;
	s8 =	rddreg [dreg:$0x1]  }
0x3: {  	s5 =	simm.s32 $0x1;
	s9 =	simm.s32 $0x1;
	s10 =	simm.s32 $0x3  }
0x4: {  	s13 =	simm.s32 $0x0;
	s3 =	sand.u32 $0x1, s1;
	s4 =	sshll.u32 s0, $0x1  }
0x5: {  	s12 =	simm.s32 $0x0;
	s1 =	rddreg [dreg:$0x2];
	s6 =	sor.u32 s4, s3  }
0x6: {  	_ =	strace $0x8000004D;
	s3 =	sadd.s32 $0x1800, s8;
	s4 =	smul.u32 $0xA0, s6  }
0x7: {  	[sflag:s5] =	ssyncpa.u1 $0x0;
	p0 =	slt.u32 s6, $0x13;
	s6 =	simm.s32 $0x1400  }
.Ltmp0:
0x8: {  	s6 =	simm.s32 @!p0 $0x0;
	s7 =	ssub.s32 $0x1F40, s4;
	(pc) =	sbr.rel .LBB2_1-.Ltmp0, $4  }
0x9: {  	s9 =	simm.s32 @!p0 $0x0;
	p0 =	sne.s32 s7, s6;
	s7 =	simm.s32 $0x1  }
0xa: {  	s8 =	sadd.s32 $0x1C00, s8;
	s6 =	simm.s32 $0x2;
	s7 =	simm.s32 @!p0 $0x0  }
0xb: {  	s11 =	smov.u32 s4;
	[sflag:s6] =	ssyncpa.u1 $0x0;
	s7 =	sadd.s32 s9, s7  }
0xc: {  	vm0 =	vmmov $0xffff;
	[sflag:s10] =	ssyncpa.u1 $0x0;
	s10 =	simm.s32 $0x0;
	s9 =	sadd.s32 $0x1, s7  }
.LBB2_4:
0xd: {  	v5 =	vld.msk [tilespmem:s18+$0x0 ss:$0x1], $0xffff  }
0xe: {  	v6 =	vand.u32 $0x7, v1;
	v7 =	vshrl.u32 v1, $0x3  }
0xf: {  	v3 =	vor.u32 v4, v3;
	vm1 =	veq.s32 v1, $0x80000000;
	v53 =	vand.u32 $0x7FF, v7  }
0x10: {  	v2 =	vor.u32 v2, v3;
	v54 =	vsel vm1, $0xFFFFFFFF, v6;
	v1 =	vsel vm1, $0xFFFFFFFF, v53  }
0x11: {  	v6 =	vshll.u32 v54, $0x7;
	v3 =	vand.u32 $0xFFFFC000, v54;
	v55 =	vand.u32 $0x7F, v1  }
0x12: {  	v1 =	vshll.u32 v1, $0x3;
	v6 =	vand.u32 $0x380, v6;
	v56 =	vshrl.u32 v5, $0x3  }
0x13: {  	v1 =	vand.u32 $0xFFFFFC00, v1;
	vm1 =	veq.s32 v5, $0x80000000;
	v57 =	vand.u32 $0x7FF, v56  }
0x14: {  	v1 =	vadd.s32 v3, v1;
	v5 =	vand.u32 $0x7, v5;
	v3 =	vsel vm1, $0xFFFFFFFF, v57  }
0x15: {  	v1 =	vor.u32 v6, v1;
	v5 =	vsel vm1, $0xFFFFFFFF, v5;
	v58 =	vshll.u32 v3, $0x3  }
0x16: {  	v59 =	vshll.u32 v5, $0x7;
	v5 =	vand.u32 $0xFFFFC000, v5;
	v6 =	vand.u32 $0xFFFFFC00, v58  }
0x17: {  	v1 =	vor.u32 v55, v1;
	v61 =	vand.u32 $0x380, v59;
	v60 =	vadd.s32 v5, v6  }
0x18: {  	[tilespmem:s16], [sflag:$0x1] =	stream.indirect_vreg.gather [hbm4b:s2+s10], $0x1, v0, vm0, $0x4038;
	v62 =	vand.u32 $0x7F, v3;
	v63 =	vor.u32 v61, v60;
	[tilespmem:$0x280] =	vst v63  }
0x19: {  	(ifvalue) =	ssetifvalue $0x7FFFFFFF;
	v0 =	vor.u32 v62, v63  }
0x1a: {  	[tilespmem:s15], [sflag:$0x1] =	stream.indirect_vreg.gather [hbm4b:s2+s10], $0x1, v2, vm0, $0x4038;
	[tilespmem:$0x280] =	vst v63  }
0x1b: {  	s29 =	sadd.s32 $0x10, s15;
	(ifvalue) =	ssetifvalue $0x7FFFFFFF  }
0x1c: {  	[tilespmem:s29], [sflag:$0x1] =	stream.indirect_vreg.gather [hbm4b:s2+s10], $0x1, v1, vm0, $0x4038;
	[tilespmem:$0x280] =	vst v63  }
0x1d: {  	s15 =	sadd.s32 $0x10, s29;
	(ifvalue) =	ssetifvalue $0x7FFFFFFF  }
0x1e: {  	[tilespmem:s15], [sflag:$0x1] =	stream.indirect_vreg.gather [hbm4b:s2+s10], $0x1, v0, vm0, $0x4038;
	[tilespmem:$0x280] =	vst v63  }
0x1f: {  	_ =	swait.ge [sflag:s5], $0xA0  }
0x20: {  	s30 =	sshrl.u32 s13, $0x3;
	[sflag:s5] =	ssyncset.done $0x0  }
0x21: {  	s31 =	sand.u32 $0x7, s13;
	s15 =	sadd.s32 s8, s30;
	[sflag:s5] =	ssyncadd.s32 $0xFFFFFF60  }
0x22: {  	[hbm4b:s15+s31] =	stream.linear.scatter [tilespmem:s14], [sflag:$0x3], $0xA0, $0x38;
	[tilespmem:$0x280] =	vst v63  }
.LBB2_5:
0x23: {  	s15 =	sadd.s32 $0x1400, s11  }
0x24: {  	p1 =	sgt.s32 s15, $0x1F3F  }
0x25: {  	s15 =	smov.u32 @p1 s4;
	p1 =	sne.s32 s12, s9  }
.Ltmp1:
0x26: {  	p0 =	slt.u32 s12, $0x2;
	(pc) =	sbr.rel @!p1 .LBB2_6-.Ltmp1, $4  }
0x27: {  	s14 =	simm.s32 @!p0 $0x3  }
0x28: {  	_ =	swait.ge @!p0 [sflag:s14], $0xA0  }
0x29: {  	s16 =	sadd.s32 $0x1, s12;
	s13 =	smov.u32 s11;
	[sflag:s14] =	ssyncset.done @!p0 $0x0  }
0x2a: {  	s12 =	smov.u32 s16;
	s11 =	smov.u32 s15;
	[sflag:s14] =	ssyncadd.s32 @!p0 $0xFFFFFF60  }
.LBB2_1:
0x2b: {  	p0 =	sge.u32 s12, s7  }
0x2c: {  	s14 =	sxor.u32 @!p0 $0x1, s12  }
0x2d: {  	s14 =	smul.u32 @!p0 $0x280, s14  }
0x2e: {  	s31 =	sadd.s32 $0xFFFFFFFF, s12;
	s15 =	sshrl.u32 @!p0 s11, $0x3  }
0x2f: {  	s16 =	sand.u32 @!p0 $0x7, s11;
	s15 =	sadd.s32 @!p0 s3, s15;
	s14 =	sshra.s32 @!p0 s14, $0x2  }
0x30: {  	[tilespmem:s14], [sflag:$0x2] =	stream.linear.gather @!p0 [hbm4b:s15+s16], $0xA0, $0x38;
	[tilespmem:$0x280] =	vst v63  }
0x31: {  	p0 =	sge.u32 s31, s7  }
.Ltmp2:
0x32: {  	_ = 	snop;
	(pc) =	sbr.rel @p0 .LBB2_5-.Ltmp2, $1  }
0x33: {  	_ =	sdelay $0x3  }
0x34: {  	s14 =	sand.u32 $0x1, s12  }
0x35: {  	_ =	swait.ge [sflag:s6], $0xA0;
	p0 =	seq.s32 s14, $0x1;
	s14 =	simm.s32 $0xA0  }
0x36: {  	[sflag:s6] =	ssyncset.done $0x0;
	s14 =	simm.s32 @!p0 $0x0  }
0x37: {  	[sflag:s6] =	ssyncadd.s32 $0xFFFFFF60;
	(ifvalue) =	ssetifvalue $0x7FFFFFFF;
	v0 =	vld.msk [tilespmem:s14+$0x0 ss:$0x1], $0xffff;
	_ =	sdelay $0x4  }
0x38: {  	s15 =	sadd.s32 $0x10, s14;
	v2 =	vshrl.u32 v0, $0x3  }
0x39: {  	v1 =	vld.msk [tilespmem:s15+$0x0 ss:$0x1], $0xffff;
	vm1 =	veq.s32 v0, $0x80000000;
	v2 =	vand.u32 $0x7FF, v2  }
0x3a: {  	v0 =	vand.u32 $0x7, v0;
	v2 =	vsel vm1, $0xFFFFFFFF, v2  }
0x3b: {  	v0 =	vsel vm1, $0xFFFFFFFF, v0;
	v3 =	vshll.u32 v2, $0x3  }
0x3c: {  	v4 =	vand.u32 $0xFFFFC000, v0;
	v0 =	vshll.u32 v0, $0x7;
	v3 =	vand.u32 $0xFFFFFC00, v3  }
0x3d: {  	v0 =	vand.u32 $0x380, v0;
	v3 =	vadd.s32 v4, v3  }
0x3e: {  	v2 =	vand.u32 $0x7F, v2;
	v4 =	vshrl.u32 v1, $0x3;
	v0 =	vor.u32 v0, v3  }
0x3f: {  	vm1 =	veq.s32 v1, $0x80000000;
	v4 =	vand.u32 $0x7FF, v4;
	v0 =	vor.u32 v2, v0  }
0x40: {  	s15 =	sadd.s32 $0x10, s15;
	v1 =	vand.u32 $0x7, v1;
	v3 =	vsel vm1, $0xFFFFFFFF, v4  }
0x41: {  	s14 =	sor.u32 $0x140, s14;
	v2 =	vsel vm1, $0xFFFFFFFF, v1;
	v1 =	vld.msk [tilespmem:s15+$0x0 ss:$0x1], $0xffff;
	v4 =	vshll.u32 v3, $0x3  }
0x42: {  	s17 =	simm.s32 $0x30;
	s16 =	smov.u32 s14;
	v5 =	vshll.u32 v2, $0x7;
	v6 =	vand.u32 $0xFFFFC000, v2;
	v4 =	vand.u32 $0xFFFFFC00, v4  }
0x43: {  	s18 =	sadd.s32 $0x10, s15;
	(ifvalue) =	ssetifvalue $0x7FFFFFFF;
	s15 =	sadd.s32 $0x10, s14;
	v2 =	vand.u32 $0x7F, v3;
	v3 =	vadd.s32 v6, v4;
	v4 =	vand.u32 $0x380, v5  }
.LBB2_3:
0x44: {  	[tilespmem:s16], [sflag:$0x1] =	stream.indirect_vreg.gather [hbm4b:s2+s10], $0x1, v0, vm0, $0x4038;
	[tilespmem:$0x280] =	vst v63  }
0x45: {  	s17 =	sadd.s32 $0x10, s17  }
0x46: {  	v5 =	vand.u32 $0x7, v1;
	v6 =	vshrl.u32 v1, $0x3;
	v3 =	vor.u32 v4, v3;
	v0 =	vmovc v1;
	v1 =	vld.msk [tilespmem:s18+$0x0 ss:$0x1], $0xffff;
	p0 =	slt.u32 s17, $0x90  }
.Ltmp3:
0x47: {  	s16 =	smov.u32 s15;
	vm1 =	veq.s32 v0, $0x80000000;
	v4 =	vand.u32 $0x7FF, v6;
	v0 =	vor.u32 v2, v3;
	(pc) =	sbr.rel @p0 .LBB2_3-.Ltmp3, $4  }
0x48: {  	v3 =	vsel vm1, $0xFFFFFFFF, v5;
	v4 =	vsel vm1, $0xFFFFFFFF, v4  }
0x49: {  	v2 =	vand.u32 $0x7F, v4;
	v4 =	vshll.u32 v4, $0x3;
	v5 =	vshll.u32 v3, $0x7  }
0x4a: {  	v3 =	vand.u32 $0xFFFFC000, v3;
	v4 =	vand.u32 $0xFFFFFC00, v4  }
0x4b: {  	s18 =	sadd.s32 $0x10, s18;
	s15 =	sadd.s32 $0x10, s15;
	v3 =	vadd.s32 v3, v4;
	v4 =	vand.u32 $0x380, v5;
	(ifvalue) =	ssetifvalue $0x7FFFFFFF  }
.Ltmp4:
0x4c: {  	_ = 	snop;
	(pc) =	sbr.rel .LBB2_4-.Ltmp4, $1  }
0x4d: {  	_ =	sdelay $0x3  }
.LBB2_6:
0x4e: {  	_ =	sfence.sel $0x180000  }
0x4f: {  	s2 =	simm.s32 $0x2;
	[bflag:$0x0] =	sbarrier.arrive $0xFFFF  }
0x50: {  	s30 =	simm.s32 $0x3;
	[sflag:s2] =	ssyncpa.u1 $0x1  }
0x51: {  	s31 =	simm.s32 $0x1;
	[sflag:s30] =	ssyncpa.u1 $0x1  }
0x52: {  	[sflag:s31] =	ssyncpa.u1 $0x1  }
0x53: {  	p0 =	sne.s32 s0, $0x0;
	_ =	strace $0x9000004D  }
0x54: {  	s0 =	sadd.s32 @!p0 $0x100000, s1;
	[bflag:$0x2] =	sbarrier.arrive $0xFFFF  }
0x55: {  	[sflag:s0] =	ssyncadd.tile.s32 @!p0 $0x1;
	_ =	shalt  }
.Lfunc_end2:
_tile_overlayer_lowered:
.L_overlay_start_2:
0x56: {  	(tag) =	ssettag $0x2  }
0x57: {  	s0 =	rddreg [dreg:$0x0];
	s2 =	stileid.u32  }
0x58: {  	s1 =	rddreg [dreg:$0x1];
	p0 =	sne.s32 s2, $0x0  }
0x59: {  	s3 =	rddreg [dreg:$0x2];
	[bflag:$0x3] =	sbarrier.arrive $0xFFFF;
	s2 =	simm.s32 @!p0 $0x1C01  }
0x5a: {  	[timem:s3], [sflag:s2] =	dma.local @!p0 [hbm:s0], s1  }
0x5b: {  	s0 =	simm.s32 @!p0 $0x1  }
0x5c: {  	_ =	swait.ge @!p0 [sflag:s0], s1  }
0x5d: {  	s1 =	ssub.s32 @!p0 $0x0, s1;
	[sflag:s0] =	ssyncset.done @!p0 $0x0  }
0x5e: {  	[sflag:s0] =	ssyncadd.s32 @!p0 s1  }
0x5f: {  	[bflag:$0x3] =	sbarrier.arrive $0xFFFF  }
0x60: {  	_ =	shalt  }

// kernel: gather_offload_async_start.3
scs
__scs_entry_jumppad:
0x0: {  	(pc) =	sbr.rel $0x88, $3  }
0x1: {  	(tag) =	ssettag $0x0;
	lr =	simm.s32 $0x1  }
0x2: {  	[smem:$0x3F9E] =	sst lr;
	_ =	strace $0xD0000000  }
0x3: {  	_ = 	snop  }
0x4: {  	_ = 	snop  }
0x5: {  	_ = 	snop  }
0x6: {  	_ = 	snop  }
0x7: {  	_ = 	snop  }
__scs_overlays_trampoline_lowered:
0x8: {  	[smem:$0x3FAD] =	sst s0  }
0x9: {  	[smem:$0x3FAE] =	sst s1  }
0xa: {  	[smem:$0x3FAF] =	sst s2  }
0xb: {  	[smem:$0x3FB0] =	sst s3  }
0xc: {  	[smem:$0x3FB1] =	sst s4  }
0xd: {  	[smem:$0x3FB2] =	sst s5  }
0xe: {  	[smem:$0x3FB3] =	sst s6  }
0xf: {  	[smem:$0x3FB4] =	sst s7  }
0x10: {  	[smem:$0x3FB5] =	sst s8  }
0x11: {  	[smem:$0x3FB6] =	sst s9;
	s0 =	simm.s32 @!p0 $0x0  }
0x12: {  	s1 =	sld [smem:$0x3F9C];
	s0 =	simm.s32 @p0 $0x1  }
0x13: {  	[smem:$0x3FB7] =	sst s0;
	s0 =	simm.s32 @!p1 $0x0  }
0x14: {  	s2 =	sld [smem:$0x3F9B];
	s0 =	simm.s32 @p1 $0x1  }
0x15: {  	[smem:$0x3FB8] =	sst s0;
	s0 =	simm.s32 @!p2 $0x0  }
0x16: {  	s3 =	sld [smem:$0x3FDB];
	s0 =	simm.s32 @p2 $0x1  }
0x17: {  	s4 =	simm.s32 $0x1BF5;
	[smem:$0x3FBA] =	sst s0  }
0x18: {  	s0 =	sld [smem:$0x3F9D];
	_ =	swait.ge [sflag:s4], $0x0  }
0x19: {  	s7 =	sld [smem:$0x3F9E]  }
0x1a: {  	s8 =	sadd.s32 $0xFFFFE003, lr  }
0x1b: {  	s9 =	sadd.s32 $0xFFFFFEF7, lr;
	s5 =	simm.s32 $0xFFFFFFFF;
	p2 =	slt.u32 s8, $0xFFFFF086  }
0x1c: {  	p1 =	slt.u32 s9, $0xF7A;
	s5 =	simm.s32 @!p2 $0x0  }
0x1d: {  	s5 =	simm.s32 @p1 $0x1;
	p0 =	seq.s32 s7, s2  }
0x1e: {  	s7 =	smul.u32 @!p0 $0xF7A, s2;
	p2 =	seq.s32 @!p0 s5, $0x0  }
0x1f: {  	s9 =	smul.u32 $0xF7A, s1;
	s8 =	simm.s32 @!p0 $0x1BF5;
	p2 =	por !p2, p0  }
0x20: {  	[sflag:s8] =	ssyncset.s32 @!p0 $0xFFFFF086;
	s6 =	sadd.s32 @!p0 s3, s7;
	s7 =	simm.s32 @!p0 $0x108  }
0x21: {  	s3 =	sadd.s32 s3, s9;
	s6 =	sadd.s32 @!p0 $0x88, s6;
	s7 =	simm.s32 @p2 $0x1082  }
0x22: {  	[simem:s7], [sflag:s8] =	dma.local @!p0 [hbm:s6], $0xF7A  }
0x23: {  	s9 =	sor.u32 $0xD0000000, s2;
	s6 =	simm.s32 $0x108;
	_ =	swait.ge @!p0 [sflag:s8], $0x0  }
0x24: {  	s3 =	sadd.s32 $0x88, s3;
	s6 =	simm.s32 @!p1 $0x1082;
	[sflag:s4] =	ssyncset.s32 $0xFFFFF086  }
0x25: {  	[simem:s6], [sflag:s4] =	dma.local [hbm:s3], $0xF7A  }
0x26: {  	[smem:$0x3F9E] =	sst s1;
	(tag) =	ssettag s2;
	_ =	strace s9  }
0x27: {  	s1 =	sld [smem:$0x3FAE]  }
0x28: {  	s2 =	sld [smem:$0x3FAF]  }
0x29: {  	s4 =	sld [smem:$0x3FB1]  }
0x2a: {  	p0 =	seq.s32 s5, $0x0;
	s5 =	sld [smem:$0x3FB2]  }
0x2b: {  	s6 =	sld [smem:$0x3FB3]  }
0x2c: {  	s7 =	sld [smem:$0x3FB4]  }
0x2d: {  	s3 =	simm.s32 $0x108;
	s8 =	sld [smem:$0x3FB5]  }
0x2e: {  	s3 =	simm.s32 @!p0 $0x1082;
	s9 =	sld [smem:$0x3FB6]  }
0x2f: {  	lr =	sadd.s32 s0, s3;
	s0 =	sld [smem:$0x3FAD]  }
0x30: {  	s3 =	sld [smem:$0x3FB0]  }
0x31: {  	[smem:$0x3FB9] =	sst s10  }
0x32: {  	s10 =	sld [smem:$0x3FB7];
	_ =	sdelay $0x3  }
0x33: {  	p0 =	seq.s32 s10, $0x1;
	s10 =	sld [smem:$0x3FB9];
	_ =	sdelay $0x3  }
0x34: {  	[smem:$0x3FB9] =	sst s10  }
0x35: {  	s10 =	sld [smem:$0x3FB8];
	_ =	sdelay $0x3  }
0x36: {  	p1 =	seq.s32 s10, $0x1;
	s10 =	sld [smem:$0x3FB9];
	_ =	sdelay $0x3  }
0x37: {  	[smem:$0x3FB9] =	sst s10  }
0x38: {  	s10 =	sld [smem:$0x3FBA]  }
0x39: {  	_ = 	snop;
	(pc) =	sbr.ind lr, $3  }
0x3a: {  	_ = 	snop  }
0x3b: {  	_ = 	snop  }
0x3c: {  	p2 =	seq.s32 s10, $0x1;
	s10 =	sld [smem:$0x3FB9]  }
0x3d: {  	_ =	shalt  }
0x3e: {  	_ =	shalt  }
0x3f: {  	_ =	shalt  }
0x40: {  	_ =	shalt  }
0x41: {  	_ =	shalt  }
0x42: {  	_ =	shalt  }
0x43: {  	_ =	shalt  }
0x44: {  	_ =	shalt  }
0x45: {  	_ =	shalt  }
0x46: {  	_ =	shalt  }
0x47: {  	_ =	shalt  }
0x48: {  	_ =	shalt  }
0x49: {  	_ =	shalt  }
0x4a: {  	_ =	shalt  }
0x4b: {  	_ =	shalt  }
0x4c: {  	_ =	shalt  }
0x4d: {  	_ =	shalt  }
0x4e: {  	_ =	shalt  }
0x4f: {  	_ =	shalt  }
0x50: {  	_ =	shalt  }
0x51: {  	_ =	shalt  }
0x52: {  	_ =	shalt  }
0x53: {  	_ =	shalt  }
0x54: {  	_ =	shalt  }
0x55: {  	_ =	shalt  }
0x56: {  	_ =	shalt  }
0x57: {  	_ =	shalt  }
0x58: {  	_ =	shalt  }
0x59: {  	_ =	shalt  }
0x5a: {  	_ =	shalt  }
0x5b: {  	_ =	shalt  }
0x5c: {  	_ =	shalt  }
0x5d: {  	_ =	shalt  }
0x5e: {  	_ =	shalt  }
0x5f: {  	_ =	shalt  }
0x60: {  	_ =	shalt  }
0x61: {  	_ =	shalt  }
0x62: {  	_ =	shalt  }
0x63: {  	_ =	shalt  }
0x64: {  	_ =	shalt  }
0x65: {  	_ =	shalt  }
0x66: {  	_ =	shalt  }
0x67: {  	_ =	shalt  }
0x68: {  	_ =	shalt  }
0x69: {  	_ =	shalt  }
0x6a: {  	_ =	shalt  }
0x6b: {  	_ =	shalt  }
0x6c: {  	_ =	shalt  }
0x6d: {  	_ =	shalt  }
0x6e: {  	_ =	shalt  }
0x6f: {  	_ =	shalt  }
0x70: {  	_ =	shalt  }
0x71: {  	_ =	shalt  }
0x72: {  	_ =	shalt  }
0x73: {  	_ =	shalt  }
0x74: {  	_ =	shalt  }
0x75: {  	_ =	shalt  }
0x76: {  	_ =	shalt  }
0x77: {  	_ =	shalt  }
0x78: {  	_ =	shalt  }
0x79: {  	_ =	shalt  }
0x7a: {  	_ =	shalt  }
0x7b: {  	_ =	shalt  }
0x7c: {  	_ =	shalt  }
0x7d: {  	_ =	shalt  }
0x7e: {  	_ =	shalt  }
0x7f: {  	_ =	shalt  }
0x80: {  	_ =	shalt  }
0x81: {  	_ =	shalt  }
0x82: {  	_ =	shalt  }
0x83: {  	_ =	shalt  }
0x84: {  	_ =	shalt  }
0x85: {  	_ =	shalt  }
0x86: {  	_ =	shalt  }
0x87: {  	_ =	shalt  }
.Lfunc_end0:
.L_simem_size_0:
called_computation.3_lowered:
.L_overlay_start_0:
0x88: {  	s2 =	sld [smem:$0x3FD9]  }
0x89: {  	s3 =	sld [smem:$0x3FFE];
	_ =	sdelay $0x1  }
0x8a: {  	s1 =	srdreg.scid  }
0x8b: {  	s0 =	sand.u32 $0x1, s1  }
0x8c: {  	s17 =	sshll.u32 s0, $0xA;
	s2 =	sadd.s32 s3, s2  }
0x8d: {  	s2 =	sadd.s32 s2, s17  }
0x8e: {  	[smem:$0x3FC5] =	sst s2  }
0x8f: {  	_ = 	snop  }
0x90: {  	s18 =	sld [smem:$0x3FD0];
	(tm) =	ssettm $0x1  }
0x91: {  	s19 =	sld [smem:$0x3FFB];
	_ =	sdelay $0x3  }
0x92: {  	_ =	strace s19  }
0x93: {  	s2 =	sld [smem:$0x3FFC];
	_ =	sdelay $0x3  }
0x94: {  	_ =	strace s2  }
0x95: {  	s2 =	sld [smem:$0x3FFD];
	_ =	sdelay $0x3  }
0x96: {  	_ =	strace s2  }
0x97: {  	_ =	strace $0x8FFFFFFF  }
0x98: {  	s20 =	sld [smem:$0x3FDB];
	_ =	sdelay $0x1  }
0x99: {  	s4 =	simm.s32 $_scs_section_size  }
0x9a: {  	s5 =	simm.s32 $_size__tile_overlayer_lowered;
	s6 =	simm.s32 $_tile_overlayer_lowered  }
0x9b: {  	s7 =	simm.s32 $0x1BFF;
	s21 =	sshll.u32 s6, $0x1;
	s4 =	sadd.s32 s4, s20  }
0x9c: {  	s22 =	simm.s32 $0x0;
	s5 =	sshll.u32 s5, $0x1;
	s6 =	sadd.s32 s21, s4  }
0x9d: {  	[timem:s22], [sflag:s7] =	dma.local [hbm:s6], s5  }
0x9e: {  	_ =	swait.ge [sflag:s7], s5  }
0x9f: {  	s5 =	ssub.s32 $0x0, s5;
	[sflag:s7] =	ssyncset.done $0x0  }
0xa0: {  	[sflag:s7] =	ssyncadd.s32 s5;
	_ =	sdelay $0x1  }
0xa1: {  	s23 =	simm.s32 $0x1B8B  }
0xa2: {  	_ =	swait.ge [sflag:s23], $0x1  }
0xa3: {  	[sflag:s23] =	ssyncset.done $0x0  }
0xa4: {  	[sflag:s23] =	ssyncadd.s32 $0xFFFFFFFF  }
0xa5: {  	s5 =	sld [smem:$0x0]  }
0xa6: {  	s6 =	sand.u32 $0xFFFFFFFE, s1  }
0xa7: {  	p0 =	sne.s32 s1, s6  }
0xa8: {  	s6 =	sshll.u32 @p0 s6, $0xE  }
0xa9: {  	s6 =	sadd.s32 @p0 $0x11B8D, s6;
	s7 =	sshll.u32 @p0 s5, $0x11  }
0xaa: {  	s6 =	sor.u32 @p0 s7, s6  }
0xab: {  	[sflag:s6] =	ssyncadd.remote.s32 @p0 $0x1;
	_ =	sdelay $0x1  }
0xac: {  	s6 =	simm.s32 @p0 $0x1B8D  }
0xad: {  	_ =	swait.eq @p0 [sflag:s6], $0x1  }
0xae: {  	[sflag:s6] =	ssyncadd.s32 @p0 $0xFFFFFFFF  }
0xaf: {  	s7 =	sshll.u32 @!p0 s1, $0xE  }
0xb0: {  	s7 =	sor.u32 @!p0 $0x4000, s7;
	s6 =	simm.s32 @!p0 $0x1B8D  }
0xb1: {  	s5 =	sshll.u32 @!p0 s5, $0x11;
	s7 =	sadd.s32 @!p0 $0x11B8D, s7;
	_ =	swait.eq @!p0 [sflag:s6], $0x1  }
0xb2: {  	s5 =	sor.u32 @!p0 s5, s7;
	[sflag:s6] =	ssyncadd.s32 @!p0 $0xFFFFFFFF  }
0xb3: {  	s25 =	simm.s32 $0x1B8E;
	s24 =	sld [smem:$0x3FFE];
	[sflag:s5] =	ssyncadd.remote.s32 @!p0 $0x1  }
0xb4: {  	s26 =	simm.s32 $execute0_lowered;
	[smem:$0x3FD2] =	sst s25  }
0xb5: {  	s6 =	sshll.u32 s26, $0x1;
	_ =	strace $0x80000055;
	[dreg:$0x1] =	wrdreg $0xFFFFFFFF  }
0xb6: {  	s28 =	simm.s32 $_size_execute0_lowered;
	s4 =	sadd.s32 s4, s6;
	[dreg:$0x0] =	wrdreg $0x0  }
0xb7: {  	s6 =	sshll.u32 s28, $0x1;
	[dreg:$0x2] =	wrdreg s4  }
0xb8: {  	[dreg:$0x3] =	wrdreg s6  }
0xb9: {  	[dreg:$0x4] =	wrdreg $0xC0  }
0xba: {  	_ =	task [dreg:s22], $0x5FFFF  }
0xbb: {  	[dreg:$0x1] =	wrdreg $0xFFFFFFFF  }
0xbc: {  	[dreg:$0x0] =	wrdreg $0x60  }
0xbd: {  	[dreg:$0x2] =	wrdreg s24  }
0xbe: {  	[dreg:$0x3] =	wrdreg s18  }
0xbf: {  	[dreg:$0x4] =	wrdreg $0x9  }
0xc0: {  	_ =	task.clear_ibuf [dreg:s22], $0x5FFFF;
	_ =	strace $0x90000055  }
0xc1: {  	s29 =	simm.s32 $0x9;
	_ =	strace $0x80000057  }
0xc2: {  	_ =	swait.ge [sflag:s29], $0x1  }
0xc3: {  	[sflag:s29] =	ssyncadd.s32 $0xFFFFFFFF  }
0xc4: {  	_ =	strace $0x90000057  }
0xc5: {  	_ =	sfence  }
0xc6: {  	s30 =	sld [smem:$0x0];
	_ =	sdelay $0x2  }
0xc7: {  	s31 =	sshll.u32 s1, $0xD;
	s1 =	sshrl.u32 s1, $0x2  }
0xc8: {  	s4 =	sand.u32 $0x4000, s31;
	s1 =	sadd.s32 s1, s30  }
0xc9: {  	s0 =	sor.u32 s4, s0;
	s1 =	sshll.u32 s1, $0x11  }
0xca: {  	s0 =	sor.u32 s1, s0  }
0xcb: {  	s0 =	sadd.s32 $0x8F2B, s0  }
0xcc: {  	[sflag:s0] =	ssyncadd.remote.s32 $0x1  }
0xcd: {  	_ =	sfence.sel $0xFFFF  }
0xce: {  	[dreg:$0x0] =	wrdreg $0xFFFFFFFF;
	(pc) =	sbr.abs _section_cstart, $3  }
0xcf: {  	[dreg:$0x1] =	wrdreg $0xFFFFFFFF  }
0xd0: {  	_ =	task.clear_ibuf [dreg:s22], $0x2FFFF;
	_ =	strace $0x9FFFFFFF  }
0xd1: {  	(tm) =	ssettm $0x7FFFFFFF  }
tec
execute0_lowered:
.L_overlay_start_1:
0x0: {  	(tag) =	ssettag $0x1  }
0x1: {  	s2 =	rddreg [dreg:$0x0]  }
0x2: {  	s0 =	stileid.u32;
	s1 =	srdreg.scid  }
0x3: {  	s3 =	rddreg [dreg:$0x1];
	s8 =	simm.s32 $0x1;
	s9 =	simm.s32 $0x3  }
0x4: {  	s10 =	simm.s32 $0x0;
	s4 =	sand.u32 $0x1, s1;
	s5 =	sshll.u32 s0, $0x1  }
0x5: {  	s13 =	simm.s32 $0x0;
	s12 =	simm.s32 $0x0;
	s6 =	sor.u32 s5, s4  }
0x6: {  	s1 =	rddreg [dreg:$0x2];
	_ =	strace $0x80000056;
	s4 =	smul.u32 $0xA0, s6  }
0x7: {  	s5 =	simm.s32 $0x1;
	p0 =	slt.u32 s6, $0x13;
	s6 =	simm.s32 $0x1400  }
.Ltmp0:
0x8: {  	s6 =	simm.s32 @!p0 $0x0;
	s7 =	ssub.s32 $0x1F40, s4;
	(pc) =	sbr.rel .LBB2_1-.Ltmp0, $4  }
0x9: {  	s8 =	simm.s32 @!p0 $0x0;
	p0 =	sne.s32 s7, s6;
	s7 =	simm.s32 $0x1  }
0xa: {  	[sflag:s5] =	ssyncpa.u1 $0x0;
	s6 =	simm.s32 $0x2;
	s7 =	simm.s32 @!p0 $0x0  }
0xb: {  	s11 =	smov.u32 s4;
	[sflag:s6] =	ssyncpa.u1 $0x0;
	s7 =	sadd.s32 s8, s7  }
0xc: {  	vm0 =	vmmov $0xffff;
	s8 =	sadd.s32 $0x1800, s2;
	[sflag:s9] =	ssyncpa.u1 $0x0;
	s9 =	sadd.s32 $0x1, s7  }
.LBB2_4:
0xd: {  	v5 =	vld.msk [tilespmem:s18+$0x0 ss:$0x1], $0xffff  }
0xe: {  	v6 =	vand.u32 $0x7, v1;
	v7 =	vshrl.u32 v1, $0x3  }
0xf: {  	v3 =	vor.u32 v4, v3;
	vm1 =	veq.s32 v1, $0x80000000;
	v53 =	vand.u32 $0x7FF, v7  }
0x10: {  	v2 =	vor.u32 v2, v3;
	v54 =	vsel vm1, $0xFFFFFFFF, v6;
	v1 =	vsel vm1, $0xFFFFFFFF, v53  }
0x11: {  	v6 =	vshll.u32 v54, $0x7;
	v3 =	vand.u32 $0xFFFFC000, v54;
	v55 =	vand.u32 $0x7F, v1  }
0x12: {  	v1 =	vshll.u32 v1, $0x3;
	v6 =	vand.u32 $0x380, v6;
	v56 =	vshrl.u32 v5, $0x3  }
0x13: {  	v1 =	vand.u32 $0xFFFFFC00, v1;
	vm1 =	veq.s32 v5, $0x80000000;
	v57 =	vand.u32 $0x7FF, v56  }
0x14: {  	v1 =	vadd.s32 v3, v1;
	v5 =	vand.u32 $0x7, v5;
	v3 =	vsel vm1, $0xFFFFFFFF, v57  }
0x15: {  	v1 =	vor.u32 v6, v1;
	v5 =	vsel vm1, $0xFFFFFFFF, v5;
	v58 =	vshll.u32 v3, $0x3  }
0x16: {  	v59 =	vshll.u32 v5, $0x7;
	v5 =	vand.u32 $0xFFFFC000, v5;
	v6 =	vand.u32 $0xFFFFFC00, v58  }
0x17: {  	v1 =	vor.u32 v55, v1;
	v61 =	vand.u32 $0x380, v59;
	v60 =	vadd.s32 v5, v6  }
0x18: {  	[tilespmem:s16], [sflag:$0x1] =	stream.indirect_vreg.gather [hbm4b:s2+s10], $0x1, v0, vm0, $0x4038;
	v62 =	vand.u32 $0x7F, v3;
	v63 =	vor.u32 v61, v60;
	[tilespmem:$0x280] =	vst v63  }
0x19: {  	(ifvalue) =	ssetifvalue $0x7FFFFFFF;
	v0 =	vor.u32 v62, v63  }
0x1a: {  	[tilespmem:s15], [sflag:$0x1] =	stream.indirect_vreg.gather [hbm4b:s2+s10], $0x1, v2, vm0, $0x4038;
	[tilespmem:$0x280] =	vst v63  }
0x1b: {  	s29 =	sadd.s32 $0x10, s15;
	(ifvalue) =	ssetifvalue $0x7FFFFFFF  }
0x1c: {  	[tilespmem:s29], [sflag:$0x1] =	stream.indirect_vreg.gather [hbm4b:s2+s10], $0x1, v1, vm0, $0x4038;
	[tilespmem:$0x280] =	vst v63  }
0x1d: {  	s15 =	sadd.s32 $0x10, s29;
	(ifvalue) =	ssetifvalue $0x7FFFFFFF  }
0x1e: {  	[tilespmem:s15], [sflag:$0x1] =	stream.indirect_vreg.gather [hbm4b:s2+s10], $0x1, v0, vm0, $0x4038;
	[tilespmem:$0x280] =	vst v63  }
0x1f: {  	_ =	swait.ge [sflag:s5], $0xA0  }
0x20: {  	s30 =	sshrl.u32 s13, $0x3;
	[sflag:s5] =	ssyncset.done $0x0  }
0x21: {  	s31 =	sand.u32 $0x7, s13;
	s15 =	sadd.s32 s3, s30;
	[sflag:s5] =	ssyncadd.s32 $0xFFFFFF60  }
0x22: {  	[hbm4b:s15+s31] =	stream.linear.scatter [tilespmem:s14], [sflag:$0x3], $0xA0, $0x38;
	[tilespmem:$0x280] =	vst v63  }
.LBB2_5:
0x23: {  	s15 =	sadd.s32 $0x1400, s11  }
0x24: {  	p1 =	sgt.s32 s15, $0x1F3F  }
0x25: {  	s15 =	smov.u32 @p1 s4;
	p1 =	sne.s32 s12, s9  }
.Ltmp1:
0x26: {  	p0 =	slt.u32 s12, $0x2;
	(pc) =	sbr.rel @!p1 .LBB2_6-.Ltmp1, $4  }
0x27: {  	s14 =	simm.s32 @!p0 $0x3  }
0x28: {  	_ =	swait.ge @!p0 [sflag:s14], $0xA0  }
0x29: {  	s16 =	sadd.s32 $0x1, s12;
	s13 =	smov.u32 s11;
	[sflag:s14] =	ssyncset.done @!p0 $0x0  }
0x2a: {  	s12 =	smov.u32 s16;
	s11 =	smov.u32 s15;
	[sflag:s14] =	ssyncadd.s32 @!p0 $0xFFFFFF60  }
.LBB2_1:
0x2b: {  	p0 =	sge.u32 s12, s7  }
0x2c: {  	s14 =	sxor.u32 @!p0 $0x1, s12  }
0x2d: {  	s14 =	smul.u32 @!p0 $0x280, s14  }
0x2e: {  	s31 =	sadd.s32 $0xFFFFFFFF, s12;
	s15 =	sshrl.u32 @!p0 s11, $0x3  }
0x2f: {  	s16 =	sand.u32 @!p0 $0x7, s11;
	s15 =	sadd.s32 @!p0 s8, s15;
	s14 =	sshra.s32 @!p0 s14, $0x2  }
0x30: {  	[tilespmem:s14], [sflag:$0x2] =	stream.linear.gather @!p0 [hbm4b:s15+s16], $0xA0, $0x38;
	[tilespmem:$0x280] =	vst v63  }
0x31: {  	p0 =	sge.u32 s31, s7  }
.Ltmp2:
0x32: {  	_ = 	snop;
	(pc) =	sbr.rel @p0 .LBB2_5-.Ltmp2, $1  }
0x33: {  	_ =	sdelay $0x3  }
0x34: {  	s14 =	sand.u32 $0x1, s12  }
0x35: {  	_ =	swait.ge [sflag:s6], $0xA0;
	p0 =	seq.s32 s14, $0x1;
	s14 =	simm.s32 $0xA0  }
0x36: {  	[sflag:s6] =	ssyncset.done $0x0;
	s14 =	simm.s32 @!p0 $0x0  }
0x37: {  	[sflag:s6] =	ssyncadd.s32 $0xFFFFFF60;
	(ifvalue) =	ssetifvalue $0x7FFFFFFF;
	v0 =	vld.msk [tilespmem:s14+$0x0 ss:$0x1], $0xffff;
	_ =	sdelay $0x4  }
0x38: {  	s15 =	sadd.s32 $0x10, s14;
	v2 =	vshrl.u32 v0, $0x3  }
0x39: {  	v1 =	vld.msk [tilespmem:s15+$0x0 ss:$0x1], $0xffff;
	vm1 =	veq.s32 v0, $0x80000000;
	v2 =	vand.u32 $0x7FF, v2  }
0x3a: {  	v0 =	vand.u32 $0x7, v0;
	v2 =	vsel vm1, $0xFFFFFFFF, v2  }
0x3b: {  	v0 =	vsel vm1, $0xFFFFFFFF, v0;
	v3 =	vshll.u32 v2, $0x3  }
0x3c: {  	v4 =	vand.u32 $0xFFFFC000, v0;
	v0 =	vshll.u32 v0, $0x7;
	v3 =	vand.u32 $0xFFFFFC00, v3  }
0x3d: {  	v0 =	vand.u32 $0x380, v0;
	v3 =	vadd.s32 v4, v3  }
0x3e: {  	v2 =	vand.u32 $0x7F, v2;
	v4 =	vshrl.u32 v1, $0x3;
	v0 =	vor.u32 v0, v3  }
0x3f: {  	vm1 =	veq.s32 v1, $0x80000000;
	v4 =	vand.u32 $0x7FF, v4;
	v0 =	vor.u32 v2, v0  }
0x40: {  	s15 =	sadd.s32 $0x10, s15;
	v1 =	vand.u32 $0x7, v1;
	v3 =	vsel vm1, $0xFFFFFFFF, v4  }
0x41: {  	s14 =	sor.u32 $0x140, s14;
	v2 =	vsel vm1, $0xFFFFFFFF, v1;
	v1 =	vld.msk [tilespmem:s15+$0x0 ss:$0x1], $0xffff;
	v4 =	vshll.u32 v3, $0x3  }
0x42: {  	s17 =	simm.s32 $0x30;
	s16 =	smov.u32 s14;
	v5 =	vshll.u32 v2, $0x7;
	v6 =	vand.u32 $0xFFFFC000, v2;
	v4 =	vand.u32 $0xFFFFFC00, v4  }
0x43: {  	s18 =	sadd.s32 $0x10, s15;
	(ifvalue) =	ssetifvalue $0x7FFFFFFF;
	s15 =	sadd.s32 $0x10, s14;
	v2 =	vand.u32 $0x7F, v3;
	v3 =	vadd.s32 v6, v4;
	v4 =	vand.u32 $0x380, v5  }
.LBB2_3:
0x44: {  	[tilespmem:s16], [sflag:$0x1] =	stream.indirect_vreg.gather [hbm4b:s2+s10], $0x1, v0, vm0, $0x4038;
	[tilespmem:$0x280] =	vst v63  }
0x45: {  	s17 =	sadd.s32 $0x10, s17  }
0x46: {  	v5 =	vand.u32 $0x7, v1;
	v6 =	vshrl.u32 v1, $0x3;
	v3 =	vor.u32 v4, v3;
	v0 =	vmovc v1;
	v1 =	vld.msk [tilespmem:s18+$0x0 ss:$0x1], $0xffff;
	p0 =	slt.u32 s17, $0x90  }
.Ltmp3:
0x47: {  	s16 =	smov.u32 s15;
	vm1 =	veq.s32 v0, $0x80000000;
	v4 =	vand.u32 $0x7FF, v6;
	v0 =	vor.u32 v2, v3;
	(pc) =	sbr.rel @p0 .LBB2_3-.Ltmp3, $4  }
0x48: {  	v3 =	vsel vm1, $0xFFFFFFFF, v5;
	v4 =	vsel vm1, $0xFFFFFFFF, v4  }
0x49: {  	v2 =	vand.u32 $0x7F, v4;
	v4 =	vshll.u32 v4, $0x3;
	v5 =	vshll.u32 v3, $0x7  }
0x4a: {  	v3 =	vand.u32 $0xFFFFC000, v3;
	v4 =	vand.u32 $0xFFFFFC00, v4  }
0x4b: {  	s18 =	sadd.s32 $0x10, s18;
	s15 =	sadd.s32 $0x10, s15;
	v3 =	vadd.s32 v3, v4;
	v4 =	vand.u32 $0x380, v5;
	(ifvalue) =	ssetifvalue $0x7FFFFFFF  }
.Ltmp4:
0x4c: {  	_ = 	snop;
	(pc) =	sbr.rel .LBB2_4-.Ltmp4, $1  }
0x4d: {  	_ =	sdelay $0x3  }
.LBB2_6:
0x4e: {  	_ =	sfence.sel $0x180000  }
0x4f: {  	s2 =	simm.s32 $0x2;
	[bflag:$0x0] =	sbarrier.arrive $0xFFFF  }
0x50: {  	s30 =	simm.s32 $0x3;
	[sflag:s2] =	ssyncpa.u1 $0x1  }
0x51: {  	s31 =	simm.s32 $0x1;
	[sflag:s30] =	ssyncpa.u1 $0x1  }
0x52: {  	[sflag:s31] =	ssyncpa.u1 $0x1  }
0x53: {  	p0 =	sne.s32 s0, $0x0;
	_ =	strace $0x90000056  }
0x54: {  	s0 =	sadd.s32 @!p0 $0x100000, s1;
	[bflag:$0x2] =	sbarrier.arrive $0xFFFF  }
0x55: {  	[sflag:s0] =	ssyncadd.tile.s32 @!p0 $0x1;
	_ =	shalt  }
.Lfunc_end2:
_tile_overlayer_lowered:
.L_overlay_start_2:
0x56: {  	(tag) =	ssettag $0x2  }
0x57: {  	s0 =	rddreg [dreg:$0x0];
	s2 =	stileid.u32  }
0x58: {  	s1 =	rddreg [dreg:$0x1];
	p0 =	sne.s32 s2, $0x0  }
0x59: {  	s3 =	rddreg [dreg:$0x2];
	[bflag:$0x3] =	sbarrier.arrive $0xFFFF;
	s2 =	simm.s32 @!p0 $0x1C01  }
0x5a: {  	[timem:s3], [sflag:s2] =	dma.local @!p0 [hbm:s0], s1  }
0x5b: {  	s0 =	simm.s32 @!p0 $0x1  }
0x5c: {  	_ =	swait.ge @!p0 [sflag:s0], s1  }
0x5d: {  	s1 =	ssub.s32 @!p0 $0x0, s1;
	[sflag:s0] =	ssyncset.done @!p0 $0x0  }
0x5e: {  	[sflag:s0] =	ssyncadd.s32 @!p0 s1  }
0x5f: {  	[bflag:$0x3] =	sbarrier.arrive $0xFFFF  }
0x60: {  	_ =	shalt  }

// kernel: gather_offload_async_start.4
scs
__scs_entry_jumppad:
0x0: {  	(pc) =	sbr.rel $0x88, $3  }
0x1: {  	(tag) =	ssettag $0x0;
	lr =	simm.s32 $0x1  }
0x2: {  	[smem:$0x3F9E] =	sst lr;
	_ =	strace $0xD0000000  }
0x3: {  	_ = 	snop  }
0x4: {  	_ = 	snop  }
0x5: {  	_ = 	snop  }
0x6: {  	_ = 	snop  }
0x7: {  	_ = 	snop  }
__scs_overlays_trampoline_lowered:
0x8: {  	[smem:$0x3FAD] =	sst s0  }
0x9: {  	[smem:$0x3FAE] =	sst s1  }
0xa: {  	[smem:$0x3FAF] =	sst s2  }
0xb: {  	[smem:$0x3FB0] =	sst s3  }
0xc: {  	[smem:$0x3FB1] =	sst s4  }
0xd: {  	[smem:$0x3FB2] =	sst s5  }
0xe: {  	[smem:$0x3FB3] =	sst s6  }
0xf: {  	[smem:$0x3FB4] =	sst s7  }
0x10: {  	[smem:$0x3FB5] =	sst s8  }
0x11: {  	[smem:$0x3FB6] =	sst s9;
	s0 =	simm.s32 @!p0 $0x0  }
0x12: {  	s1 =	sld [smem:$0x3F9C];
	s0 =	simm.s32 @p0 $0x1  }
0x13: {  	[smem:$0x3FB7] =	sst s0;
	s0 =	simm.s32 @!p1 $0x0  }
0x14: {  	s2 =	sld [smem:$0x3F9B];
	s0 =	simm.s32 @p1 $0x1  }
0x15: {  	[smem:$0x3FB8] =	sst s0;
	s0 =	simm.s32 @!p2 $0x0  }
0x16: {  	s3 =	sld [smem:$0x3FDB];
	s0 =	simm.s32 @p2 $0x1  }
0x17: {  	s4 =	simm.s32 $0x1BF5;
	[smem:$0x3FBA] =	sst s0  }
0x18: {  	s0 =	sld [smem:$0x3F9D];
	_ =	swait.ge [sflag:s4], $0x0  }
0x19: {  	s7 =	sld [smem:$0x3F9E]  }
0x1a: {  	s8 =	sadd.s32 $0xFFFFE003, lr  }
0x1b: {  	s9 =	sadd.s32 $0xFFFFFEF7, lr;
	s5 =	simm.s32 $0xFFFFFFFF;
	p2 =	slt.u32 s8, $0xFFFFF086  }
0x1c: {  	p1 =	slt.u32 s9, $0xF7A;
	s5 =	simm.s32 @!p2 $0x0  }
0x1d: {  	s5 =	simm.s32 @p1 $0x1;
	p0 =	seq.s32 s7, s2  }
0x1e: {  	s7 =	smul.u32 @!p0 $0xF7A, s2;
	p2 =	seq.s32 @!p0 s5, $0x0  }
0x1f: {  	s9 =	smul.u32 $0xF7A, s1;
	s8 =	simm.s32 @!p0 $0x1BF5;
	p2 =	por !p2, p0  }
0x20: {  	[sflag:s8] =	ssyncset.s32 @!p0 $0xFFFFF086;
	s6 =	sadd.s32 @!p0 s3, s7;
	s7 =	simm.s32 @!p0 $0x108  }
0x21: {  	s3 =	sadd.s32 s3, s9;
	s6 =	sadd.s32 @!p0 $0x88, s6;
	s7 =	simm.s32 @p2 $0x1082  }
0x22: {  	[simem:s7], [sflag:s8] =	dma.local @!p0 [hbm:s6], $0xF7A  }
0x23: {  	s9 =	sor.u32 $0xD0000000, s2;
	s6 =	simm.s32 $0x108;
	_ =	swait.ge @!p0 [sflag:s8], $0x0  }
0x24: {  	s3 =	sadd.s32 $0x88, s3;
	s6 =	simm.s32 @!p1 $0x1082;
	[sflag:s4] =	ssyncset.s32 $0xFFFFF086  }
0x25: {  	[simem:s6], [sflag:s4] =	dma.local [hbm:s3], $0xF7A  }
0x26: {  	[smem:$0x3F9E] =	sst s1;
	(tag) =	ssettag s2;
	_ =	strace s9  }
0x27: {  	s1 =	sld [smem:$0x3FAE]  }
0x28: {  	s2 =	sld [smem:$0x3FAF]  }
0x29: {  	s4 =	sld [smem:$0x3FB1]  }
0x2a: {  	p0 =	seq.s32 s5, $0x0;
	s5 =	sld [smem:$0x3FB2]  }
0x2b: {  	s6 =	sld [smem:$0x3FB3]  }
0x2c: {  	s7 =	sld [smem:$0x3FB4]  }
0x2d: {  	s3 =	simm.s32 $0x108;
	s8 =	sld [smem:$0x3FB5]  }
0x2e: {  	s3 =	simm.s32 @!p0 $0x1082;
	s9 =	sld [smem:$0x3FB6]  }
0x2f: {  	lr =	sadd.s32 s0, s3;
	s0 =	sld [smem:$0x3FAD]  }
0x30: {  	s3 =	sld [smem:$0x3FB0]  }
0x31: {  	[smem:$0x3FB9] =	sst s10  }
0x32: {  	s10 =	sld [smem:$0x3FB7];
	_ =	sdelay $0x3  }
0x33: {  	p0 =	seq.s32 s10, $0x1;
	s10 =	sld [smem:$0x3FB9];
	_ =	sdelay $0x3  }
0x34: {  	[smem:$0x3FB9] =	sst s10  }
0x35: {  	s10 =	sld [smem:$0x3FB8];
	_ =	sdelay $0x3  }
0x36: {  	p1 =	seq.s32 s10, $0x1;
	s10 =	sld [smem:$0x3FB9];
	_ =	sdelay $0x3  }
0x37: {  	[smem:$0x3FB9] =	sst s10  }
0x38: {  	s10 =	sld [smem:$0x3FBA]  }
0x39: {  	_ = 	snop;
	(pc) =	sbr.ind lr, $3  }
0x3a: {  	_ = 	snop  }
0x3b: {  	_ = 	snop  }
0x3c: {  	p2 =	seq.s32 s10, $0x1;
	s10 =	sld [smem:$0x3FB9]  }
0x3d: {  	_ =	shalt  }
0x3e: {  	_ =	shalt  }
0x3f: {  	_ =	shalt  }
0x40: {  	_ =	shalt  }
0x41: {  	_ =	shalt  }
0x42: {  	_ =	shalt  }
0x43: {  	_ =	shalt  }
0x44: {  	_ =	shalt  }
0x45: {  	_ =	shalt  }
0x46: {  	_ =	shalt  }
0x47: {  	_ =	shalt  }
0x48: {  	_ =	shalt  }
0x49: {  	_ =	shalt  }
0x4a: {  	_ =	shalt  }
0x4b: {  	_ =	shalt  }
0x4c: {  	_ =	shalt  }
0x4d: {  	_ =	shalt  }
0x4e: {  	_ =	shalt  }
0x4f: {  	_ =	shalt  }
0x50: {  	_ =	shalt  }
0x51: {  	_ =	shalt  }
0x52: {  	_ =	shalt  }
0x53: {  	_ =	shalt  }
0x54: {  	_ =	shalt  }
0x55: {  	_ =	shalt  }
0x56: {  	_ =	shalt  }
0x57: {  	_ =	shalt  }
0x58: {  	_ =	shalt  }
0x59: {  	_ =	shalt  }
0x5a: {  	_ =	shalt  }
0x5b: {  	_ =	shalt  }
0x5c: {  	_ =	shalt  }
0x5d: {  	_ =	shalt  }
0x5e: {  	_ =	shalt  }
0x5f: {  	_ =	shalt  }
0x60: {  	_ =	shalt  }
0x61: {  	_ =	shalt  }
0x62: {  	_ =	shalt  }
0x63: {  	_ =	shalt  }
0x64: {  	_ =	shalt  }
0x65: {  	_ =	shalt  }
0x66: {  	_ =	shalt  }
0x67: {  	_ =	shalt  }
0x68: {  	_ =	shalt  }
0x69: {  	_ =	shalt  }
0x6a: {  	_ =	shalt  }
0x6b: {  	_ =	shalt  }
0x6c: {  	_ =	shalt  }
0x6d: {  	_ =	shalt  }
0x6e: {  	_ =	shalt  }
0x6f: {  	_ =	shalt  }
0x70: {  	_ =	shalt  }
0x71: {  	_ =	shalt  }
0x72: {  	_ =	shalt  }
0x73: {  	_ =	shalt  }
0x74: {  	_ =	shalt  }
0x75: {  	_ =	shalt  }
0x76: {  	_ =	shalt  }
0x77: {  	_ =	shalt  }
0x78: {  	_ =	shalt  }
0x79: {  	_ =	shalt  }
0x7a: {  	_ =	shalt  }
0x7b: {  	_ =	shalt  }
0x7c: {  	_ =	shalt  }
0x7d: {  	_ =	shalt  }
0x7e: {  	_ =	shalt  }
0x7f: {  	_ =	shalt  }
0x80: {  	_ =	shalt  }
0x81: {  	_ =	shalt  }
0x82: {  	_ =	shalt  }
0x83: {  	_ =	shalt  }
0x84: {  	_ =	shalt  }
0x85: {  	_ =	shalt  }
0x86: {  	_ =	shalt  }
0x87: {  	_ =	shalt  }
.Lfunc_end0:
.L_simem_size_0:
called_computation.4_lowered:
.L_overlay_start_0:
0x88: {  	s2 =	sld [smem:$0x3FD9]  }
0x89: {  	s3 =	sld [smem:$0x3FFE];
	_ =	sdelay $0x1  }
0x8a: {  	s1 =	srdreg.scid  }
0x8b: {  	s0 =	sand.u32 $0x1, s1  }
0x8c: {  	s16 =	sshll.u32 s0, $0xA;
	s2 =	sadd.s32 s3, s2  }
0x8d: {  	s2 =	sadd.s32 s2, s16  }
0x8e: {  	[smem:$0x3FC5] =	sst s2  }
0x8f: {  	_ = 	snop  }
0x90: {  	(tm) =	ssettm $0x1  }
0x91: {  	s17 =	sld [smem:$0x3FFB];
	_ =	sdelay $0x3  }
0x92: {  	_ =	strace s17  }
0x93: {  	s2 =	sld [smem:$0x3FFC];
	_ =	sdelay $0x3  }
0x94: {  	_ =	strace s2  }
0x95: {  	s2 =	sld [smem:$0x3FFD];
	_ =	sdelay $0x3  }
0x96: {  	_ =	strace s2  }
0x97: {  	_ =	strace $0x8FFFFFFF  }
0x98: {  	s18 =	sld [smem:$0x3FDB];
	_ =	sdelay $0x1  }
0x99: {  	s19 =	simm.s32 $_scs_section_size  }
0x9a: {  	s4 =	simm.s32 $_size__tile_overlayer_lowered;
	s5 =	simm.s32 $_tile_overlayer_lowered  }
0x9b: {  	s22 =	simm.s32 $0x1BFF;
	s21 =	sshll.u32 s5, $0x1;
	s2 =	sadd.s32 s19, s18  }
0x9c: {  	s6 =	simm.s32 $0x0;
	s20 =	sshll.u32 s4, $0x1;
	s4 =	sadd.s32 s21, s2  }
0x9d: {  	[timem:s6], [sflag:s22] =	dma.local [hbm:s4], s20  }
0x9e: {  	_ =	swait.ge [sflag:s22], s20  }
0x9f: {  	s3 =	ssub.s32 $0x0, s20;
	[sflag:s22] =	ssyncset.done $0x0  }
0xa0: {  	[sflag:s22] =	ssyncadd.s32 s3;
	_ =	sdelay $0x1  }
0xa1: {  	s23 =	simm.s32 $0x1B8B  }
0xa2: {  	_ =	swait.ge [sflag:s23], $0x1  }
0xa3: {  	[sflag:s23] =	ssyncset.done $0x0  }
0xa4: {  	s25 =	simm.s32 $0x1B8E;
	s24 =	sld [smem:$0x3FFE];
	[sflag:s23] =	ssyncadd.s32 $0xFFFFFFFF  }
0xa5: {  	s26 =	simm.s32 $execute0_lowered;
	[smem:$0x3FD2] =	sst s25  }
0xa6: {  	s4 =	sshll.u32 s26, $0x1;
	_ =	strace $0x80000052;
	[dreg:$0x1] =	wrdreg $0xFFFFFFFF  }
0xa7: {  	s28 =	simm.s32 $_size_execute0_lowered;
	s2 =	sadd.s32 s2, s4;
	[dreg:$0x0] =	wrdreg $0x0  }
0xa8: {  	s4 =	sshll.u32 s28, $0x1;
	[dreg:$0x2] =	wrdreg s2  }
0xa9: {  	[dreg:$0x3] =	wrdreg s4  }
0xaa: {  	[dreg:$0x4] =	wrdreg $0xC0  }
0xab: {  	_ =	task [dreg:s6], $0x5FFFF  }
0xac: {  	[dreg:$0x1] =	wrdreg $0xFFFFFFFF  }
0xad: {  	[dreg:$0x0] =	wrdreg $0x60  }
0xae: {  	[dreg:$0x2] =	wrdreg s24  }
0xaf: {  	[dreg:$0x3] =	wrdreg $0xA  }
0xb0: {  	_ =	task.clear_ibuf [dreg:s6], $0x4FFFF;
	_ =	strace $0x90000052  }
0xb1: {  	s29 =	simm.s32 $0xA;
	_ =	strace $0x80000054  }
0xb2: {  	_ =	swait.ge [sflag:s29], $0x1  }
0xb3: {  	[sflag:s29] =	ssyncadd.s32 $0xFFFFFFFF  }
0xb4: {  	_ =	strace $0x90000054  }
0xb5: {  	_ =	sfence  }
0xb6: {  	s30 =	sld [smem:$0x0];
	_ =	sdelay $0x2  }
0xb7: {  	s31 =	sshll.u32 s1, $0xD;
	s1 =	sshrl.u32 s1, $0x2  }
0xb8: {  	s3 =	sand.u32 $0x4000, s31;
	s1 =	sadd.s32 s1, s30  }
0xb9: {  	s0 =	sor.u32 s3, s0;
	s1 =	sshll.u32 s1, $0x11  }
0xba: {  	s0 =	sor.u32 s1, s0  }
0xbb: {  	s0 =	sadd.s32 $0x8F2B, s0  }
0xbc: {  	[sflag:s0] =	ssyncadd.remote.s32 $0x1  }
0xbd: {  	_ =	sfence.sel $0xFFFF  }
0xbe: {  	[dreg:$0x0] =	wrdreg $0xFFFFFFFF;
	(pc) =	sbr.abs _section_cstart, $3  }
0xbf: {  	[dreg:$0x1] =	wrdreg $0xFFFFFFFF  }
0xc0: {  	_ =	task.clear_ibuf [dreg:s6], $0x2FFFF;
	_ =	strace $0x9FFFFFFF  }
0xc1: {  	(tm) =	ssettm $0x7FFFFFFF  }
tec
execute0_lowered:
.L_overlay_start_1:
0x0: {  	(tag) =	ssettag $0x1  }
0x1: {  	s8 =	rddreg [dreg:$0x0];
	s1 =	stileid.u32  }
0x2: {  	s2 =	srdreg.scid;
	s0 =	rddreg [dreg:$0x1]  }
0x3: {  	_ =	strace $0x80000053;
	s5 =	simm.s32 $0x1;
	s9 =	simm.s32 $0x1  }
0x4: {  	s10 =	simm.s32 $0x3;
	s2 =	sand.u32 $0x1, s2;
	s3 =	sshll.u32 s1, $0x1  }
0x5: {  	s13 =	simm.s32 $0x0;
	s12 =	simm.s32 $0x0;
	s6 =	sor.u32 s3, s2  }
0x6: {  	[sflag:s5] =	ssyncpa.u1 $0x0;
	s2 =	sadd.s32 $0x800, s8;
	s4 =	smul.u32 $0xA0, s6  }
0x7: {  	s3 =	sadd.s32 $0x1800, s8;
	p0 =	slt.u32 s6, $0x13;
	s6 =	simm.s32 $0x1400  }
.Ltmp0:
0x8: {  	s6 =	simm.s32 @!p0 $0x0;
	s7 =	ssub.s32 $0x1F40, s4;
	(pc) =	sbr.rel .LBB2_1-.Ltmp0, $4  }
0x9: {  	s9 =	simm.s32 @!p0 $0x0;
	p0 =	sne.s32 s7, s6;
	s7 =	simm.s32 $0x1  }
0xa: {  	s8 =	sadd.s32 $0x1000, s8;
	s6 =	simm.s32 $0x2;
	s7 =	simm.s32 @!p0 $0x0  }
0xb: {  	s11 =	smov.u32 s4;
	[sflag:s6] =	ssyncpa.u1 $0x0;
	s7 =	sadd.s32 s9, s7  }
0xc: {  	vm0 =	vmmov $0xffff;
	[sflag:s10] =	ssyncpa.u1 $0x0;
	s10 =	simm.s32 $0x0;
	s9 =	sadd.s32 $0x1, s7  }
.LBB2_4:
0xd: {  	v5 =	vld.msk [tilespmem:s18+$0x0 ss:$0x1], $0xffff  }
0xe: {  	v6 =	vand.u32 $0x7, v1;
	v7 =	vshrl.u32 v1, $0x3  }
0xf: {  	v3 =	vor.u32 v4, v3;
	vm1 =	veq.s32 v1, $0x80000000;
	v53 =	vand.u32 $0x7FF, v7  }
0x10: {  	v2 =	vor.u32 v2, v3;
	v54 =	vsel vm1, $0xFFFFFFFF, v6;
	v1 =	vsel vm1, $0xFFFFFFFF, v53  }
0x11: {  	v6 =	vshll.u32 v54, $0x7;
	v3 =	vand.u32 $0xFFFFC000, v54;
	v55 =	vand.u32 $0x7F, v1  }
0x12: {  	v1 =	vshll.u32 v1, $0x3;
	v6 =	vand.u32 $0x380, v6;
	v56 =	vshrl.u32 v5, $0x3  }
0x13: {  	v1 =	vand.u32 $0xFFFFFC00, v1;
	vm1 =	veq.s32 v5, $0x80000000;
	v57 =	vand.u32 $0x7FF, v56  }
0x14: {  	v1 =	vadd.s32 v3, v1;
	v5 =	vand.u32 $0x7, v5;
	v3 =	vsel vm1, $0xFFFFFFFF, v57  }
0x15: {  	v1 =	vor.u32 v6, v1;
	v5 =	vsel vm1, $0xFFFFFFFF, v5;
	v58 =	vshll.u32 v3, $0x3  }
0x16: {  	v59 =	vshll.u32 v5, $0x7;
	v5 =	vand.u32 $0xFFFFC000, v5;
	v6 =	vand.u32 $0xFFFFFC00, v58  }
0x17: {  	v1 =	vor.u32 v55, v1;
	v61 =	vand.u32 $0x380, v59;
	v60 =	vadd.s32 v5, v6  }
0x18: {  	[tilespmem:s16], [sflag:$0x1] =	stream.indirect_vreg.gather [hbm4b:s2+s10], $0x1, v0, vm0, $0x4038;
	v62 =	vand.u32 $0x7F, v3;
	v63 =	vor.u32 v61, v60;
	[tilespmem:$0x280] =	vst v63  }
0x19: {  	(ifvalue) =	ssetifvalue $0x7FFFFFFF;
	v0 =	vor.u32 v62, v63  }
0x1a: {  	[tilespmem:s15], [sflag:$0x1] =	stream.indirect_vreg.gather [hbm4b:s2+s10], $0x1, v2, vm0, $0x4038;
	[tilespmem:$0x280] =	vst v63  }
0x1b: {  	s29 =	sadd.s32 $0x10, s15;
	(ifvalue) =	ssetifvalue $0x7FFFFFFF  }
0x1c: {  	[tilespmem:s29], [sflag:$0x1] =	stream.indirect_vreg.gather [hbm4b:s2+s10], $0x1, v1, vm0, $0x4038;
	[tilespmem:$0x280] =	vst v63  }
0x1d: {  	s15 =	sadd.s32 $0x10, s29;
	(ifvalue) =	ssetifvalue $0x7FFFFFFF  }
0x1e: {  	[tilespmem:s15], [sflag:$0x1] =	stream.indirect_vreg.gather [hbm4b:s2+s10], $0x1, v0, vm0, $0x4038;
	[tilespmem:$0x280] =	vst v63  }
0x1f: {  	_ =	swait.ge [sflag:s5], $0xA0  }
0x20: {  	s30 =	sshrl.u32 s13, $0x3;
	[sflag:s5] =	ssyncset.done $0x0  }
0x21: {  	s31 =	sand.u32 $0x7, s13;
	s15 =	sadd.s32 s8, s30;
	[sflag:s5] =	ssyncadd.s32 $0xFFFFFF60  }
0x22: {  	[hbm4b:s15+s31] =	stream.linear.scatter [tilespmem:s14], [sflag:$0x3], $0xA0, $0x38;
	[tilespmem:$0x280] =	vst v63  }
.LBB2_5:
0x23: {  	s15 =	sadd.s32 $0x1400, s11  }
0x24: {  	p1 =	sgt.s32 s15, $0x1F3F  }
0x25: {  	s15 =	smov.u32 @p1 s4;
	p1 =	sne.s32 s12, s9  }
.Ltmp1:
0x26: {  	p0 =	slt.u32 s12, $0x2;
	(pc) =	sbr.rel @!p1 .LBB2_6-.Ltmp1, $4  }
0x27: {  	s14 =	simm.s32 @!p0 $0x3  }
0x28: {  	_ =	swait.ge @!p0 [sflag:s14], $0xA0  }
0x29: {  	s16 =	sadd.s32 $0x1, s12;
	s13 =	smov.u32 s11;
	[sflag:s14] =	ssyncset.done @!p0 $0x0  }
0x2a: {  	s12 =	smov.u32 s16;
	s11 =	smov.u32 s15;
	[sflag:s14] =	ssyncadd.s32 @!p0 $0xFFFFFF60  }
.LBB2_1:
0x2b: {  	p0 =	sge.u32 s12, s7  }
0x2c: {  	s14 =	sxor.u32 @!p0 $0x1, s12  }
0x2d: {  	s14 =	smul.u32 @!p0 $0x280, s14  }
0x2e: {  	s31 =	sadd.s32 $0xFFFFFFFF, s12;
	s15 =	sshrl.u32 @!p0 s11, $0x3  }
0x2f: {  	s16 =	sand.u32 @!p0 $0x7, s11;
	s15 =	sadd.s32 @!p0 s3, s15;
	s14 =	sshra.s32 @!p0 s14, $0x2  }
0x30: {  	[tilespmem:s14], [sflag:$0x2] =	stream.linear.gather @!p0 [hbm4b:s15+s16], $0xA0, $0x38;
	[tilespmem:$0x280] =	vst v63  }
0x31: {  	p0 =	sge.u32 s31, s7  }
.Ltmp2:
0x32: {  	_ = 	snop;
	(pc) =	sbr.rel @p0 .LBB2_5-.Ltmp2, $1  }
0x33: {  	_ =	sdelay $0x3  }
0x34: {  	s14 =	sand.u32 $0x1, s12  }
0x35: {  	_ =	swait.ge [sflag:s6], $0xA0;
	p0 =	seq.s32 s14, $0x1;
	s14 =	simm.s32 $0xA0  }
0x36: {  	[sflag:s6] =	ssyncset.done $0x0;
	s14 =	simm.s32 @!p0 $0x0  }
0x37: {  	[sflag:s6] =	ssyncadd.s32 $0xFFFFFF60;
	(ifvalue) =	ssetifvalue $0x7FFFFFFF;
	v0 =	vld.msk [tilespmem:s14+$0x0 ss:$0x1], $0xffff;
	_ =	sdelay $0x4  }
0x38: {  	s15 =	sadd.s32 $0x10, s14;
	v2 =	vshrl.u32 v0, $0x3  }
0x39: {  	v1 =	vld.msk [tilespmem:s15+$0x0 ss:$0x1], $0xffff;
	vm1 =	veq.s32 v0, $0x80000000;
	v2 =	vand.u32 $0x7FF, v2  }
0x3a: {  	v0 =	vand.u32 $0x7, v0;
	v2 =	vsel vm1, $0xFFFFFFFF, v2  }
0x3b: {  	v0 =	vsel vm1, $0xFFFFFFFF, v0;
	v3 =	vshll.u32 v2, $0x3  }
0x3c: {  	v4 =	vand.u32 $0xFFFFC000, v0;
	v0 =	vshll.u32 v0, $0x7;
	v3 =	vand.u32 $0xFFFFFC00, v3  }
0x3d: {  	v0 =	vand.u32 $0x380, v0;
	v3 =	vadd.s32 v4, v3  }
0x3e: {  	v2 =	vand.u32 $0x7F, v2;
	v4 =	vshrl.u32 v1, $0x3;
	v0 =	vor.u32 v0, v3  }
0x3f: {  	vm1 =	veq.s32 v1, $0x80000000;
	v4 =	vand.u32 $0x7FF, v4;
	v0 =	vor.u32 v2, v0  }
0x40: {  	s15 =	sadd.s32 $0x10, s15;
	v1 =	vand.u32 $0x7, v1;
	v3 =	vsel vm1, $0xFFFFFFFF, v4  }
0x41: {  	s14 =	sor.u32 $0x140, s14;
	v2 =	vsel vm1, $0xFFFFFFFF, v1;
	v1 =	vld.msk [tilespmem:s15+$0x0 ss:$0x1], $0xffff;
	v4 =	vshll.u32 v3, $0x3  }
0x42: {  	s17 =	simm.s32 $0x30;
	s16 =	smov.u32 s14;
	v5 =	vshll.u32 v2, $0x7;
	v6 =	vand.u32 $0xFFFFC000, v2;
	v4 =	vand.u32 $0xFFFFFC00, v4  }
0x43: {  	s18 =	sadd.s32 $0x10, s15;
	(ifvalue) =	ssetifvalue $0x7FFFFFFF;
	s15 =	sadd.s32 $0x10, s14;
	v2 =	vand.u32 $0x7F, v3;
	v3 =	vadd.s32 v6, v4;
	v4 =	vand.u32 $0x380, v5  }
.LBB2_3:
0x44: {  	[tilespmem:s16], [sflag:$0x1] =	stream.indirect_vreg.gather [hbm4b:s2+s10], $0x1, v0, vm0, $0x4038;
	[tilespmem:$0x280] =	vst v63  }
0x45: {  	s17 =	sadd.s32 $0x10, s17  }
0x46: {  	v5 =	vand.u32 $0x7, v1;
	v6 =	vshrl.u32 v1, $0x3;
	v3 =	vor.u32 v4, v3;
	v0 =	vmovc v1;
	v1 =	vld.msk [tilespmem:s18+$0x0 ss:$0x1], $0xffff;
	p0 =	slt.u32 s17, $0x90  }
.Ltmp3:
0x47: {  	s16 =	smov.u32 s15;
	vm1 =	veq.s32 v0, $0x80000000;
	v4 =	vand.u32 $0x7FF, v6;
	v0 =	vor.u32 v2, v3;
	(pc) =	sbr.rel @p0 .LBB2_3-.Ltmp3, $4  }
0x48: {  	v3 =	vsel vm1, $0xFFFFFFFF, v5;
	v4 =	vsel vm1, $0xFFFFFFFF, v4  }
0x49: {  	v2 =	vand.u32 $0x7F, v4;
	v4 =	vshll.u32 v4, $0x3;
	v5 =	vshll.u32 v3, $0x7  }
0x4a: {  	v3 =	vand.u32 $0xFFFFC000, v3;
	v4 =	vand.u32 $0xFFFFFC00, v4  }
0x4b: {  	s18 =	sadd.s32 $0x10, s18;
	s15 =	sadd.s32 $0x10, s15;
	v3 =	vadd.s32 v3, v4;
	v4 =	vand.u32 $0x380, v5;
	(ifvalue) =	ssetifvalue $0x7FFFFFFF  }
.Ltmp4:
0x4c: {  	_ = 	snop;
	(pc) =	sbr.rel .LBB2_4-.Ltmp4, $1  }
0x4d: {  	_ =	sdelay $0x3  }
.LBB2_6:
0x4e: {  	_ =	sfence.sel $0x180000  }
0x4f: {  	s2 =	simm.s32 $0x2;
	[bflag:$0x0] =	sbarrier.arrive $0xFFFF  }
0x50: {  	s30 =	simm.s32 $0x3;
	[sflag:s2] =	ssyncpa.u1 $0x1  }
0x51: {  	s31 =	simm.s32 $0x1;
	[sflag:s30] =	ssyncpa.u1 $0x1  }
0x52: {  	[sflag:s31] =	ssyncpa.u1 $0x1  }
0x53: {  	p0 =	sne.s32 s1, $0x0;
	_ =	strace $0x90000053  }
0x54: {  	s0 =	sadd.s32 @!p0 $0x100000, s0;
	[bflag:$0x2] =	sbarrier.arrive $0xFFFF  }
0x55: {  	[sflag:s0] =	ssyncadd.tile.s32 @!p0 $0x1;
	_ =	shalt  }
.Lfunc_end2:
_tile_overlayer_lowered:
.L_overlay_start_2:
0x56: {  	(tag) =	ssettag $0x2  }
0x57: {  	s0 =	rddreg [dreg:$0x0];
	s2 =	stileid.u32  }
0x58: {  	s1 =	rddreg [dreg:$0x1];
	p0 =	sne.s32 s2, $0x0  }
0x59: {  	s3 =	rddreg [dreg:$0x2];
	[bflag:$0x3] =	sbarrier.arrive $0xFFFF;
	s2 =	simm.s32 @!p0 $0x1C01  }
0x5a: {  	[timem:s3], [sflag:s2] =	dma.local @!p0 [hbm:s0], s1  }
0x5b: {  	s0 =	simm.s32 @!p0 $0x1  }
0x5c: {  	_ =	swait.ge @!p0 [sflag:s0], s1  }
0x5d: {  	s1 =	ssub.s32 @!p0 $0x0, s1;
	[sflag:s0] =	ssyncset.done @!p0 $0x0  }
0x5e: {  	[sflag:s0] =	ssyncadd.s32 @!p0 s1  }
0x5f: {  	[bflag:$0x3] =	sbarrier.arrive $0xFFFF  }
0x60: {  	_ =	shalt  }

// kernel: gather_offload_async_start.5
scs
__scs_entry_jumppad:
0x0: {  	(pc) =	sbr.rel $0x88, $3  }
0x1: {  	(tag) =	ssettag $0x0;
	lr =	simm.s32 $0x1  }
0x2: {  	[smem:$0x3F9E] =	sst lr;
	_ =	strace $0xD0000000  }
0x3: {  	_ = 	snop  }
0x4: {  	_ = 	snop  }
0x5: {  	_ = 	snop  }
0x6: {  	_ = 	snop  }
0x7: {  	_ = 	snop  }
__scs_overlays_trampoline_lowered:
0x8: {  	[smem:$0x3FAD] =	sst s0  }
0x9: {  	[smem:$0x3FAE] =	sst s1  }
0xa: {  	[smem:$0x3FAF] =	sst s2  }
0xb: {  	[smem:$0x3FB0] =	sst s3  }
0xc: {  	[smem:$0x3FB1] =	sst s4  }
0xd: {  	[smem:$0x3FB2] =	sst s5  }
0xe: {  	[smem:$0x3FB3] =	sst s6  }
0xf: {  	[smem:$0x3FB4] =	sst s7  }
0x10: {  	[smem:$0x3FB5] =	sst s8  }
0x11: {  	[smem:$0x3FB6] =	sst s9;
	s0 =	simm.s32 @!p0 $0x0  }
0x12: {  	s1 =	sld [smem:$0x3F9C];
	s0 =	simm.s32 @p0 $0x1  }
0x13: {  	[smem:$0x3FB7] =	sst s0;
	s0 =	simm.s32 @!p1 $0x0  }
0x14: {  	s2 =	sld [smem:$0x3F9B];
	s0 =	simm.s32 @p1 $0x1  }
0x15: {  	[smem:$0x3FB8] =	sst s0;
	s0 =	simm.s32 @!p2 $0x0  }
0x16: {  	s3 =	sld [smem:$0x3FDB];
	s0 =	simm.s32 @p2 $0x1  }
0x17: {  	s4 =	simm.s32 $0x1BF5;
	[smem:$0x3FBA] =	sst s0  }
0x18: {  	s0 =	sld [smem:$0x3F9D];
	_ =	swait.ge [sflag:s4], $0x0  }
0x19: {  	s7 =	sld [smem:$0x3F9E]  }
0x1a: {  	s8 =	sadd.s32 $0xFFFFE003, lr  }
0x1b: {  	s9 =	sadd.s32 $0xFFFFFEF7, lr;
	s5 =	simm.s32 $0xFFFFFFFF;
	p2 =	slt.u32 s8, $0xFFFFF086  }
0x1c: {  	p1 =	slt.u32 s9, $0xF7A;
	s5 =	simm.s32 @!p2 $0x0  }
0x1d: {  	s5 =	simm.s32 @p1 $0x1;
	p0 =	seq.s32 s7, s2  }
0x1e: {  	s7 =	smul.u32 @!p0 $0xF7A, s2;
	p2 =	seq.s32 @!p0 s5, $0x0  }
0x1f: {  	s9 =	smul.u32 $0xF7A, s1;
	s8 =	simm.s32 @!p0 $0x1BF5;
	p2 =	por !p2, p0  }
0x20: {  	[sflag:s8] =	ssyncset.s32 @!p0 $0xFFFFF086;
	s6 =	sadd.s32 @!p0 s3, s7;
	s7 =	simm.s32 @!p0 $0x108  }
0x21: {  	s3 =	sadd.s32 s3, s9;
	s6 =	sadd.s32 @!p0 $0x88, s6;
	s7 =	simm.s32 @p2 $0x1082  }
0x22: {  	[simem:s7], [sflag:s8] =	dma.local @!p0 [hbm:s6], $0xF7A  }
0x23: {  	s9 =	sor.u32 $0xD0000000, s2;
	s6 =	simm.s32 $0x108;
	_ =	swait.ge @!p0 [sflag:s8], $0x0  }
0x24: {  	s3 =	sadd.s32 $0x88, s3;
	s6 =	simm.s32 @!p1 $0x1082;
	[sflag:s4] =	ssyncset.s32 $0xFFFFF086  }
0x25: {  	[simem:s6], [sflag:s4] =	dma.local [hbm:s3], $0xF7A  }
0x26: {  	[smem:$0x3F9E] =	sst s1;
	(tag) =	ssettag s2;
	_ =	strace s9  }
0x27: {  	s1 =	sld [smem:$0x3FAE]  }
0x28: {  	s2 =	sld [smem:$0x3FAF]  }
0x29: {  	s4 =	sld [smem:$0x3FB1]  }
0x2a: {  	p0 =	seq.s32 s5, $0x0;
	s5 =	sld [smem:$0x3FB2]  }
0x2b: {  	s6 =	sld [smem:$0x3FB3]  }
0x2c: {  	s7 =	sld [smem:$0x3FB4]  }
0x2d: {  	s3 =	simm.s32 $0x108;
	s8 =	sld [smem:$0x3FB5]  }
0x2e: {  	s3 =	simm.s32 @!p0 $0x1082;
	s9 =	sld [smem:$0x3FB6]  }
0x2f: {  	lr =	sadd.s32 s0, s3;
	s0 =	sld [smem:$0x3FAD]  }
0x30: {  	s3 =	sld [smem:$0x3FB0]  }
0x31: {  	[smem:$0x3FB9] =	sst s10  }
0x32: {  	s10 =	sld [smem:$0x3FB7];
	_ =	sdelay $0x3  }
0x33: {  	p0 =	seq.s32 s10, $0x1;
	s10 =	sld [smem:$0x3FB9];
	_ =	sdelay $0x3  }
0x34: {  	[smem:$0x3FB9] =	sst s10  }
0x35: {  	s10 =	sld [smem:$0x3FB8];
	_ =	sdelay $0x3  }
0x36: {  	p1 =	seq.s32 s10, $0x1;
	s10 =	sld [smem:$0x3FB9];
	_ =	sdelay $0x3  }
0x37: {  	[smem:$0x3FB9] =	sst s10  }
0x38: {  	s10 =	sld [smem:$0x3FBA]  }
0x39: {  	_ = 	snop;
	(pc) =	sbr.ind lr, $3  }
0x3a: {  	_ = 	snop  }
0x3b: {  	_ = 	snop  }
0x3c: {  	p2 =	seq.s32 s10, $0x1;
	s10 =	sld [smem:$0x3FB9]  }
0x3d: {  	_ =	shalt  }
0x3e: {  	_ =	shalt  }
0x3f: {  	_ =	shalt  }
0x40: {  	_ =	shalt  }
0x41: {  	_ =	shalt  }
0x42: {  	_ =	shalt  }
0x43: {  	_ =	shalt  }
0x44: {  	_ =	shalt  }
0x45: {  	_ =	shalt  }
0x46: {  	_ =	shalt  }
0x47: {  	_ =	shalt  }
0x48: {  	_ =	shalt  }
0x49: {  	_ =	shalt  }
0x4a: {  	_ =	shalt  }
0x4b: {  	_ =	shalt  }
0x4c: {  	_ =	shalt  }
0x4d: {  	_ =	shalt  }
0x4e: {  	_ =	shalt  }
0x4f: {  	_ =	shalt  }
0x50: {  	_ =	shalt  }
0x51: {  	_ =	shalt  }
0x52: {  	_ =	shalt  }
0x53: {  	_ =	shalt  }
0x54: {  	_ =	shalt  }
0x55: {  	_ =	shalt  }
0x56: {  	_ =	shalt  }
0x57: {  	_ =	shalt  }
0x58: {  	_ =	shalt  }
0x59: {  	_ =	shalt  }
0x5a: {  	_ =	shalt  }
0x5b: {  	_ =	shalt  }
0x5c: {  	_ =	shalt  }
0x5d: {  	_ =	shalt  }
0x5e: {  	_ =	shalt  }
0x5f: {  	_ =	shalt  }
0x60: {  	_ =	shalt  }
0x61: {  	_ =	shalt  }
0x62: {  	_ =	shalt  }
0x63: {  	_ =	shalt  }
0x64: {  	_ =	shalt  }
0x65: {  	_ =	shalt  }
0x66: {  	_ =	shalt  }
0x67: {  	_ =	shalt  }
0x68: {  	_ =	shalt  }
0x69: {  	_ =	shalt  }
0x6a: {  	_ =	shalt  }
0x6b: {  	_ =	shalt  }
0x6c: {  	_ =	shalt  }
0x6d: {  	_ =	shalt  }
0x6e: {  	_ =	shalt  }
0x6f: {  	_ =	shalt  }
0x70: {  	_ =	shalt  }
0x71: {  	_ =	shalt  }
0x72: {  	_ =	shalt  }
0x73: {  	_ =	shalt  }
0x74: {  	_ =	shalt  }
0x75: {  	_ =	shalt  }
0x76: {  	_ =	shalt  }
0x77: {  	_ =	shalt  }
0x78: {  	_ =	shalt  }
0x79: {  	_ =	shalt  }
0x7a: {  	_ =	shalt  }
0x7b: {  	_ =	shalt  }
0x7c: {  	_ =	shalt  }
0x7d: {  	_ =	shalt  }
0x7e: {  	_ =	shalt  }
0x7f: {  	_ =	shalt  }
0x80: {  	_ =	shalt  }
0x81: {  	_ =	shalt  }
0x82: {  	_ =	shalt  }
0x83: {  	_ =	shalt  }
0x84: {  	_ =	shalt  }
0x85: {  	_ =	shalt  }
0x86: {  	_ =	shalt  }
0x87: {  	_ =	shalt  }
.Lfunc_end0:
.L_simem_size_0:
called_computation.5_lowered:
.L_overlay_start_0:
0x88: {  	s2 =	sld [smem:$0x3FD9]  }
0x89: {  	s3 =	sld [smem:$0x3FFE];
	_ =	sdelay $0x1  }
0x8a: {  	s1 =	srdreg.scid  }
0x8b: {  	s0 =	sand.u32 $0x1, s1  }
0x8c: {  	s17 =	sshll.u32 s0, $0xA;
	s2 =	sadd.s32 s3, s2  }
0x8d: {  	s2 =	sadd.s32 s2, s17  }
0x8e: {  	[smem:$0x3FC5] =	sst s2  }
0x8f: {  	_ = 	snop  }
0x90: {  	s2 =	sld [smem:$0x3FD0];
	(tm) =	ssettm $0x1  }
0x91: {  	s18 =	sld [smem:$0x3FFB];
	_ =	sdelay $0x3  }
0x92: {  	_ =	strace s18  }
0x93: {  	s3 =	sld [smem:$0x3FFC];
	_ =	sdelay $0x3  }
0x94: {  	_ =	strace s3  }
0x95: {  	s3 =	sld [smem:$0x3FFD];
	_ =	sdelay $0x3  }
0x96: {  	_ =	strace s3  }
0x97: {  	_ =	strace $0x8FFFFFFF  }
0x98: {  	s19 =	sld [smem:$0x3FDB];
	_ =	sdelay $0x1  }
0x99: {  	s4 =	simm.s32 $_scs_section_size  }
0x9a: {  	s5 =	simm.s32 $_size__tile_overlayer_lowered;
	s6 =	simm.s32 $_tile_overlayer_lowered  }
0x9b: {  	s22 =	simm.s32 $0x1BFF;
	s21 =	sshll.u32 s6, $0x1;
	s3 =	sadd.s32 s4, s19  }
0x9c: {  	s7 =	simm.s32 $0x0;
	s20 =	sshll.u32 s5, $0x1;
	s5 =	sadd.s32 s21, s3  }
0x9d: {  	[timem:s7], [sflag:s22] =	dma.local [hbm:s5], s20  }
0x9e: {  	_ =	swait.ge [sflag:s22], s20  }
0x9f: {  	s4 =	ssub.s32 $0x0, s20;
	[sflag:s22] =	ssyncset.done $0x0  }
0xa0: {  	[sflag:s22] =	ssyncadd.s32 s4;
	_ =	sdelay $0x1  }
0xa1: {  	s23 =	simm.s32 $0x1B8B  }
0xa2: {  	_ =	swait.ge [sflag:s23], $0x1  }
0xa3: {  	[sflag:s23] =	ssyncset.done $0x0  }
0xa4: {  	s25 =	simm.s32 $0x1B8E;
	s24 =	sld [smem:$0x3FFE];
	[sflag:s23] =	ssyncadd.s32 $0xFFFFFFFF  }
0xa5: {  	s26 =	simm.s32 $execute0_lowered;
	[smem:$0x3FD2] =	sst s25  }
0xa6: {  	s5 =	sshll.u32 s26, $0x1;
	_ =	strace $0x8000004F;
	[dreg:$0x1] =	wrdreg $0xFFFFFFFF  }
0xa7: {  	s28 =	simm.s32 $_size_execute0_lowered;
	s3 =	sadd.s32 s3, s5;
	[dreg:$0x0] =	wrdreg $0x0  }
0xa8: {  	s5 =	sshll.u32 s28, $0x1;
	[dreg:$0x2] =	wrdreg s3  }
0xa9: {  	[dreg:$0x3] =	wrdreg s5  }
0xaa: {  	[dreg:$0x4] =	wrdreg $0xC0  }
0xab: {  	_ =	task [dreg:s7], $0x5FFFF  }
0xac: {  	[dreg:$0x1] =	wrdreg $0xFFFFFFFF  }
0xad: {  	[dreg:$0x0] =	wrdreg $0x60  }
0xae: {  	[dreg:$0x2] =	wrdreg s24  }
0xaf: {  	[dreg:$0x3] =	wrdreg s2  }
0xb0: {  	[dreg:$0x4] =	wrdreg $0x9  }
0xb1: {  	_ =	task.clear_ibuf [dreg:s7], $0x5FFFF;
	_ =	strace $0x9000004F  }
0xb2: {  	s29 =	simm.s32 $0x9;
	_ =	strace $0x80000051  }
0xb3: {  	_ =	swait.ge [sflag:s29], $0x1  }
0xb4: {  	[sflag:s29] =	ssyncadd.s32 $0xFFFFFFFF  }
0xb5: {  	_ =	strace $0x90000051  }
0xb6: {  	_ =	sfence  }
0xb7: {  	s30 =	sld [smem:$0x0];
	_ =	sdelay $0x2  }
0xb8: {  	s31 =	sshll.u32 s1, $0xD;
	s1 =	sshrl.u32 s1, $0x2  }
0xb9: {  	s3 =	sand.u32 $0x4000, s31;
	s1 =	sadd.s32 s1, s30  }
0xba: {  	s0 =	sor.u32 s3, s0;
	s1 =	sshll.u32 s1, $0x11  }
0xbb: {  	s0 =	sor.u32 s1, s0  }
0xbc: {  	s0 =	sadd.s32 $0x8F2B, s0  }
0xbd: {  	[sflag:s0] =	ssyncadd.remote.s32 $0x1  }
0xbe: {  	_ =	sfence.sel $0xFFFF  }
0xbf: {  	[dreg:$0x0] =	wrdreg $0xFFFFFFFF;
	(pc) =	sbr.abs _section_cstart, $3  }
0xc0: {  	[dreg:$0x1] =	wrdreg $0xFFFFFFFF  }
0xc1: {  	_ =	task.clear_ibuf [dreg:s7], $0x2FFFF;
	_ =	strace $0x9FFFFFFF  }
0xc2: {  	(tm) =	ssettm $0x7FFFFFFF  }
0xc3: {  	_ =	shalt  }
tec
execute0_lowered:
.L_overlay_start_1:
0x0: {  	(tag) =	ssettag $0x1  }
0x1: {  	s8 =	rddreg [dreg:$0x0];
	s0 =	stileid.u32  }
0x2: {  	s1 =	srdreg.scid;
	s2 =	rddreg [dreg:$0x1]  }
0x3: {  	s5 =	simm.s32 $0x1;
	s9 =	simm.s32 $0x1;
	s10 =	simm.s32 $0x3  }
0x4: {  	s13 =	simm.s32 $0x0;
	s3 =	sand.u32 $0x1, s1;
	s4 =	sshll.u32 s0, $0x1  }
0x5: {  	s12 =	simm.s32 $0x0;
	s1 =	rddreg [dreg:$0x2];
	s6 =	sor.u32 s4, s3  }
0x6: {  	_ =	strace $0x80000050;
	s3 =	sadd.s32 $0x1000, s8;
	s4 =	smul.u32 $0xA0, s6  }
0x7: {  	[sflag:s5] =	ssyncpa.u1 $0x0;
	p0 =	slt.u32 s6, $0x13;
	s6 =	simm.s32 $0x1400  }
.Ltmp0:
0x8: {  	s6 =	simm.s32 @!p0 $0x0;
	s7 =	ssub.s32 $0x1F40, s4;
	(pc) =	sbr.rel .LBB2_1-.Ltmp0, $4  }
0x9: {  	s9 =	simm.s32 @!p0 $0x0;
	p0 =	sne.s32 s7, s6;
	s7 =	simm.s32 $0x1  }
0xa: {  	s8 =	sadd.s32 $0x1800, s8;
	s6 =	simm.s32 $0x2;
	s7 =	simm.s32 @!p0 $0x0  }
0xb: {  	s11 =	smov.u32 s4;
	[sflag:s6] =	ssyncpa.u1 $0x0;
	s7 =	sadd.s32 s9, s7  }
0xc: {  	vm0 =	vmmov $0xffff;
	[sflag:s10] =	ssyncpa.u1 $0x0;
	s10 =	simm.s32 $0x0;
	s9 =	sadd.s32 $0x1, s7  }
.LBB2_4:
0xd: {  	v5 =	vld.msk [tilespmem:s18+$0x0 ss:$0x1], $0xffff  }
0xe: {  	v6 =	vand.u32 $0x7, v1;
	v7 =	vshrl.u32 v1, $0x3  }
0xf: {  	v3 =	vor.u32 v4, v3;
	vm1 =	veq.s32 v1, $0x80000000;
	v53 =	vand.u32 $0x7FF, v7  }
0x10: {  	v2 =	vor.u32 v2, v3;
	v54 =	vsel vm1, $0xFFFFFFFF, v6;
	v1 =	vsel vm1, $0xFFFFFFFF, v53  }
0x11: {  	v6 =	vshll.u32 v54, $0x7;
	v3 =	vand.u32 $0xFFFFC000, v54;
	v55 =	vand.u32 $0x7F, v1  }
0x12: {  	v1 =	vshll.u32 v1, $0x3;
	v6 =	vand.u32 $0x380, v6;
	v56 =	vshrl.u32 v5, $0x3  }
0x13: {  	v1 =	vand.u32 $0xFFFFFC00, v1;
	vm1 =	veq.s32 v5, $0x80000000;
	v57 =	vand.u32 $0x7FF, v56  }
0x14: {  	v1 =	vadd.s32 v3, v1;
	v5 =	vand.u32 $0x7, v5;
	v3 =	vsel vm1, $0xFFFFFFFF, v57  }
0x15: {  	v1 =	vor.u32 v6, v1;
	v5 =	vsel vm1, $0xFFFFFFFF, v5;
	v58 =	vshll.u32 v3, $0x3  }
0x16: {  	v59 =	vshll.u32 v5, $0x7;
	v5 =	vand.u32 $0xFFFFC000, v5;
	v6 =	vand.u32 $0xFFFFFC00, v58  }
0x17: {  	v1 =	vor.u32 v55, v1;
	v61 =	vand.u32 $0x380, v59;
	v60 =	vadd.s32 v5, v6  }
0x18: {  	[tilespmem:s16], [sflag:$0x1] =	stream.indirect_vreg.gather [hbm4b:s3+s10], $0x1, v0, vm0, $0x4038;
	v62 =	vand.u32 $0x7F, v3;
	v63 =	vor.u32 v61, v60;
	[tilespmem:$0x280] =	vst v63  }
0x19: {  	(ifvalue) =	ssetifvalue $0x7FFFFFFF;
	v0 =	vor.u32 v62, v63  }
0x1a: {  	[tilespmem:s15], [sflag:$0x1] =	stream.indirect_vreg.gather [hbm4b:s3+s10], $0x1, v2, vm0, $0x4038;
	[tilespmem:$0x280] =	vst v63  }
0x1b: {  	s29 =	sadd.s32 $0x10, s15;
	(ifvalue) =	ssetifvalue $0x7FFFFFFF  }
0x1c: {  	[tilespmem:s29], [sflag:$0x1] =	stream.indirect_vreg.gather [hbm4b:s3+s10], $0x1, v1, vm0, $0x4038;
	[tilespmem:$0x280] =	vst v63  }
0x1d: {  	s15 =	sadd.s32 $0x10, s29;
	(ifvalue) =	ssetifvalue $0x7FFFFFFF  }
0x1e: {  	[tilespmem:s15], [sflag:$0x1] =	stream.indirect_vreg.gather [hbm4b:s3+s10], $0x1, v0, vm0, $0x4038;
	[tilespmem:$0x280] =	vst v63  }
0x1f: {  	_ =	swait.ge [sflag:s5], $0xA0  }
0x20: {  	s30 =	sshrl.u32 s13, $0x3;
	[sflag:s5] =	ssyncset.done $0x0  }
0x21: {  	s31 =	sand.u32 $0x7, s13;
	s15 =	sadd.s32 s2, s30;
	[sflag:s5] =	ssyncadd.s32 $0xFFFFFF60  }
0x22: {  	[hbm4b:s15+s31] =	stream.linear.scatter [tilespmem:s14], [sflag:$0x3], $0xA0, $0x38;
	[tilespmem:$0x280] =	vst v63  }
.LBB2_5:
0x23: {  	s15 =	sadd.s32 $0x1400, s11  }
0x24: {  	p1 =	sgt.s32 s15, $0x1F3F  }
0x25: {  	s15 =	smov.u32 @p1 s4;
	p1 =	sne.s32 s12, s9  }
.Ltmp1:
0x26: {  	p0 =	slt.u32 s12, $0x2;
	(pc) =	sbr.rel @!p1 .LBB2_6-.Ltmp1, $4  }
0x27: {  	s14 =	simm.s32 @!p0 $0x3  }
0x28: {  	_ =	swait.ge @!p0 [sflag:s14], $0xA0  }
0x29: {  	s16 =	sadd.s32 $0x1, s12;
	s13 =	smov.u32 s11;
	[sflag:s14] =	ssyncset.done @!p0 $0x0  }
0x2a: {  	s12 =	smov.u32 s16;
	s11 =	smov.u32 s15;
	[sflag:s14] =	ssyncadd.s32 @!p0 $0xFFFFFF60  }
.LBB2_1:
0x2b: {  	p0 =	sge.u32 s12, s7  }
0x2c: {  	s14 =	sxor.u32 @!p0 $0x1, s12  }
0x2d: {  	s14 =	smul.u32 @!p0 $0x280, s14  }
0x2e: {  	s31 =	sadd.s32 $0xFFFFFFFF, s12;
	s15 =	sshrl.u32 @!p0 s11, $0x3  }
0x2f: {  	s16 =	sand.u32 @!p0 $0x7, s11;
	s15 =	sadd.s32 @!p0 s8, s15;
	s14 =	sshra.s32 @!p0 s14, $0x2  }
0x30: {  	[tilespmem:s14], [sflag:$0x2] =	stream.linear.gather @!p0 [hbm4b:s15+s16], $0xA0, $0x38;
	[tilespmem:$0x280] =	vst v63  }
0x31: {  	p0 =	sge.u32 s31, s7  }
.Ltmp2:
0x32: {  	_ = 	snop;
	(pc) =	sbr.rel @p0 .LBB2_5-.Ltmp2, $1  }
0x33: {  	_ =	sdelay $0x3  }
0x34: {  	s14 =	sand.u32 $0x1, s12  }
0x35: {  	_ =	swait.ge [sflag:s6], $0xA0;
	p0 =	seq.s32 s14, $0x1;
	s14 =	simm.s32 $0xA0  }
0x36: {  	[sflag:s6] =	ssyncset.done $0x0;
	s14 =	simm.s32 @!p0 $0x0  }
0x37: {  	[sflag:s6] =	ssyncadd.s32 $0xFFFFFF60;
	(ifvalue) =	ssetifvalue $0x7FFFFFFF;
	v0 =	vld.msk [tilespmem:s14+$0x0 ss:$0x1], $0xffff;
	_ =	sdelay $0x4  }
0x38: {  	s15 =	sadd.s32 $0x10, s14;
	v2 =	vshrl.u32 v0, $0x3  }
0x39: {  	v1 =	vld.msk [tilespmem:s15+$0x0 ss:$0x1], $0xffff;
	vm1 =	veq.s32 v0, $0x80000000;
	v2 =	vand.u32 $0x7FF, v2  }
0x3a: {  	v0 =	vand.u32 $0x7, v0;
	v2 =	vsel vm1, $0xFFFFFFFF, v2  }
0x3b: {  	v0 =	vsel vm1, $0xFFFFFFFF, v0;
	v3 =	vshll.u32 v2, $0x3  }
0x3c: {  	v4 =	vand.u32 $0xFFFFC000, v0;
	v0 =	vshll.u32 v0, $0x7;
	v3 =	vand.u32 $0xFFFFFC00, v3  }
0x3d: {  	v0 =	vand.u32 $0x380, v0;
	v3 =	vadd.s32 v4, v3  }
0x3e: {  	v2 =	vand.u32 $0x7F, v2;
	v4 =	vshrl.u32 v1, $0x3;
	v0 =	vor.u32 v0, v3  }
0x3f: {  	vm1 =	veq.s32 v1, $0x80000000;
	v4 =	vand.u32 $0x7FF, v4;
	v0 =	vor.u32 v2, v0  }
0x40: {  	s15 =	sadd.s32 $0x10, s15;
	v1 =	vand.u32 $0x7, v1;
	v3 =	vsel vm1, $0xFFFFFFFF, v4  }
0x41: {  	s14 =	sor.u32 $0x140, s14;
	v2 =	vsel vm1, $0xFFFFFFFF, v1;
	v1 =	vld.msk [tilespmem:s15+$0x0 ss:$0x1], $0xffff;
	v4 =	vshll.u32 v3, $0x3  }
0x42: {  	s17 =	simm.s32 $0x30;
	s16 =	smov.u32 s14;
	v5 =	vshll.u32 v2, $0x7;
	v6 =	vand.u32 $0xFFFFC000, v2;
	v4 =	vand.u32 $0xFFFFFC00, v4  }
0x43: {  	s18 =	sadd.s32 $0x10, s15;
	(ifvalue) =	ssetifvalue $0x7FFFFFFF;
	s15 =	sadd.s32 $0x10, s14;
	v2 =	vand.u32 $0x7F, v3;
	v3 =	vadd.s32 v6, v4;
	v4 =	vand.u32 $0x380, v5  }
.LBB2_3:
0x44: {  	[tilespmem:s16], [sflag:$0x1] =	stream.indirect_vreg.gather [hbm4b:s3+s10], $0x1, v0, vm0, $0x4038;
	[tilespmem:$0x280] =	vst v63  }
0x45: {  	s17 =	sadd.s32 $0x10, s17  }
0x46: {  	v5 =	vand.u32 $0x7, v1;
	v6 =	vshrl.u32 v1, $0x3;
	v3 =	vor.u32 v4, v3;
	v0 =	vmovc v1;
	v1 =	vld.msk [tilespmem:s18+$0x0 ss:$0x1], $0xffff;
	p0 =	slt.u32 s17, $0x90  }
.Ltmp3:
0x47: {  	s16 =	smov.u32 s15;
	vm1 =	veq.s32 v0, $0x80000000;
	v4 =	vand.u32 $0x7FF, v6;
	v0 =	vor.u32 v2, v3;
	(pc) =	sbr.rel @p0 .LBB2_3-.Ltmp3, $4  }
0x48: {  	v3 =	vsel vm1, $0xFFFFFFFF, v5;
	v4 =	vsel vm1, $0xFFFFFFFF, v4  }
0x49: {  	v2 =	vand.u32 $0x7F, v4;
	v4 =	vshll.u32 v4, $0x3;
	v5 =	vshll.u32 v3, $0x7  }
0x4a: {  	v3 =	vand.u32 $0xFFFFC000, v3;
	v4 =	vand.u32 $0xFFFFFC00, v4  }
0x4b: {  	s18 =	sadd.s32 $0x10, s18;
	s15 =	sadd.s32 $0x10, s15;
	v3 =	vadd.s32 v3, v4;
	v4 =	vand.u32 $0x380, v5;
	(ifvalue) =	ssetifvalue $0x7FFFFFFF  }
.Ltmp4:
0x4c: {  	_ = 	snop;
	(pc) =	sbr.rel .LBB2_4-.Ltmp4, $1  }
0x4d: {  	_ =	sdelay $0x3  }
.LBB2_6:
0x4e: {  	_ =	sfence.sel $0x180000  }
0x4f: {  	s2 =	simm.s32 $0x2;
	[bflag:$0x0] =	sbarrier.arrive $0xFFFF  }
0x50: {  	s30 =	simm.s32 $0x3;
	[sflag:s2] =	ssyncpa.u1 $0x1  }
0x51: {  	s31 =	simm.s32 $0x1;
	[sflag:s30] =	ssyncpa.u1 $0x1  }
0x52: {  	[sflag:s31] =	ssyncpa.u1 $0x1  }
0x53: {  	p0 =	sne.s32 s0, $0x0;
	_ =	strace $0x90000050  }
0x54: {  	s0 =	sadd.s32 @!p0 $0x100000, s1;
	[bflag:$0x2] =	sbarrier.arrive $0xFFFF  }
0x55: {  	[sflag:s0] =	ssyncadd.tile.s32 @!p0 $0x1;
	_ =	shalt  }
.Lfunc_end2:
_tile_overlayer_lowered:
.L_overlay_start_2:
0x56: {  	(tag) =	ssettag $0x2  }
0x57: {  	s0 =	rddreg [dreg:$0x0];
	s2 =	stileid.u32  }
0x58: {  	s1 =	rddreg [dreg:$0x1];
	p0 =	sne.s32 s2, $0x0  }
0x59: {  	s3 =	rddreg [dreg:$0x2];
	[bflag:$0x3] =	sbarrier.arrive $0xFFFF;
	s2 =	simm.s32 @!p0 $0x1C01  }
0x5a: {  	[timem:s3], [sflag:s2] =	dma.local @!p0 [hbm:s0], s1  }
0x5b: {  	s0 =	simm.s32 @!p0 $0x1  }
0x5c: {  	_ =	swait.ge @!p0 [sflag:s0], s1  }
0x5d: {  	s1 =	ssub.s32 @!p0 $0x0, s1;
	[sflag:s0] =	ssyncset.done @!p0 $0x0  }
0x5e: {  	[sflag:s0] =	ssyncadd.s32 @!p0 s1  }
0x5f: {  	[bflag:$0x3] =	sbarrier.arrive $0xFFFF  }
0x60: {  	_ =	shalt  }

// kernel: gather_offload_async_start
scs
__scs_entry_jumppad:
0x0: {  	(pc) =	sbr.rel $0x88, $3  }
0x1: {  	(tag) =	ssettag $0x0;
	lr =	simm.s32 $0x1  }
0x2: {  	[smem:$0x3F9E] =	sst lr;
	_ =	strace $0xD0000000  }
0x3: {  	_ = 	snop  }
0x4: {  	_ = 	snop  }
0x5: {  	_ = 	snop  }
0x6: {  	_ = 	snop  }
0x7: {  	_ = 	snop  }
__scs_overlays_trampoline_lowered:
0x8: {  	[smem:$0x3FAD] =	sst s0  }
0x9: {  	[smem:$0x3FAE] =	sst s1  }
0xa: {  	[smem:$0x3FAF] =	sst s2  }
0xb: {  	[smem:$0x3FB0] =	sst s3  }
0xc: {  	[smem:$0x3FB1] =	sst s4  }
0xd: {  	[smem:$0x3FB2] =	sst s5  }
0xe: {  	[smem:$0x3FB3] =	sst s6  }
0xf: {  	[smem:$0x3FB4] =	sst s7  }
0x10: {  	[smem:$0x3FB5] =	sst s8  }
0x11: {  	[smem:$0x3FB6] =	sst s9;
	s0 =	simm.s32 @!p0 $0x0  }
0x12: {  	s1 =	sld [smem:$0x3F9C];
	s0 =	simm.s32 @p0 $0x1  }
0x13: {  	[smem:$0x3FB7] =	sst s0;
	s0 =	simm.s32 @!p1 $0x0  }
0x14: {  	s2 =	sld [smem:$0x3F9B];
	s0 =	simm.s32 @p1 $0x1  }
0x15: {  	[smem:$0x3FB8] =	sst s0;
	s0 =	simm.s32 @!p2 $0x0  }
0x16: {  	s3 =	sld [smem:$0x3FDB];
	s0 =	simm.s32 @p2 $0x1  }
0x17: {  	s4 =	simm.s32 $0x1BF5;
	[smem:$0x3FBA] =	sst s0  }
0x18: {  	s0 =	sld [smem:$0x3F9D];
	_ =	swait.ge [sflag:s4], $0x0  }
0x19: {  	s7 =	sld [smem:$0x3F9E]  }
0x1a: {  	s8 =	sadd.s32 $0xFFFFE003, lr  }
0x1b: {  	s9 =	sadd.s32 $0xFFFFFEF7, lr;
	s5 =	simm.s32 $0xFFFFFFFF;
	p2 =	slt.u32 s8, $0xFFFFF086  }
0x1c: {  	p1 =	slt.u32 s9, $0xF7A;
	s5 =	simm.s32 @!p2 $0x0  }
0x1d: {  	s5 =	simm.s32 @p1 $0x1;
	p0 =	seq.s32 s7, s2  }
0x1e: {  	s7 =	smul.u32 @!p0 $0xF7A, s2;
	p2 =	seq.s32 @!p0 s5, $0x0  }
0x1f: {  	s9 =	smul.u32 $0xF7A, s1;
	s8 =	simm.s32 @!p0 $0x1BF5;
	p2 =	por !p2, p0  }
0x20: {  	[sflag:s8] =	ssyncset.s32 @!p0 $0xFFFFF086;
	s6 =	sadd.s32 @!p0 s3, s7;
	s7 =	simm.s32 @!p0 $0x108  }
0x21: {  	s3 =	sadd.s32 s3, s9;
	s6 =	sadd.s32 @!p0 $0x88, s6;
	s7 =	simm.s32 @p2 $0x1082  }
0x22: {  	[simem:s7], [sflag:s8] =	dma.local @!p0 [hbm:s6], $0xF7A  }
0x23: {  	s9 =	sor.u32 $0xD0000000, s2;
	s6 =	simm.s32 $0x108;
	_ =	swait.ge @!p0 [sflag:s8], $0x0  }
0x24: {  	s3 =	sadd.s32 $0x88, s3;
	s6 =	simm.s32 @!p1 $0x1082;
	[sflag:s4] =	ssyncset.s32 $0xFFFFF086  }
0x25: {  	[simem:s6], [sflag:s4] =	dma.local [hbm:s3], $0xF7A  }
0x26: {  	[smem:$0x3F9E] =	sst s1;
	(tag) =	ssettag s2;
	_ =	strace s9  }
0x27: {  	s1 =	sld [smem:$0x3FAE]  }
0x28: {  	s2 =	sld [smem:$0x3FAF]  }
0x29: {  	s4 =	sld [smem:$0x3FB1]  }
0x2a: {  	p0 =	seq.s32 s5, $0x0;
	s5 =	sld [smem:$0x3FB2]  }
0x2b: {  	s6 =	sld [smem:$0x3FB3]  }
0x2c: {  	s7 =	sld [smem:$0x3FB4]  }
0x2d: {  	s3 =	simm.s32 $0x108;
	s8 =	sld [smem:$0x3FB5]  }
0x2e: {  	s3 =	simm.s32 @!p0 $0x1082;
	s9 =	sld [smem:$0x3FB6]  }
0x2f: {  	lr =	sadd.s32 s0, s3;
	s0 =	sld [smem:$0x3FAD]  }
0x30: {  	s3 =	sld [smem:$0x3FB0]  }
0x31: {  	[smem:$0x3FB9] =	sst s10  }
0x32: {  	s10 =	sld [smem:$0x3FB7];
	_ =	sdelay $0x3  }
0x33: {  	p0 =	seq.s32 s10, $0x1;
	s10 =	sld [smem:$0x3FB9];
	_ =	sdelay $0x3  }
0x34: {  	[smem:$0x3FB9] =	sst s10  }
0x35: {  	s10 =	sld [smem:$0x3FB8];
	_ =	sdelay $0x3  }
0x36: {  	p1 =	seq.s32 s10, $0x1;
	s10 =	sld [smem:$0x3FB9];
	_ =	sdelay $0x3  }
0x37: {  	[smem:$0x3FB9] =	sst s10  }
0x38: {  	s10 =	sld [smem:$0x3FBA]  }
0x39: {  	_ = 	snop;
	(pc) =	sbr.ind lr, $3  }
0x3a: {  	_ = 	snop  }
0x3b: {  	_ = 	snop  }
0x3c: {  	p2 =	seq.s32 s10, $0x1;
	s10 =	sld [smem:$0x3FB9]  }
0x3d: {  	_ =	shalt  }
0x3e: {  	_ =	shalt  }
0x3f: {  	_ =	shalt  }
0x40: {  	_ =	shalt  }
0x41: {  	_ =	shalt  }
0x42: {  	_ =	shalt  }
0x43: {  	_ =	shalt  }
0x44: {  	_ =	shalt  }
0x45: {  	_ =	shalt  }
0x46: {  	_ =	shalt  }
0x47: {  	_ =	shalt  }
0x48: {  	_ =	shalt  }
0x49: {  	_ =	shalt  }
0x4a: {  	_ =	shalt  }
0x4b: {  	_ =	shalt  }
0x4c: {  	_ =	shalt  }
0x4d: {  	_ =	shalt  }
0x4e: {  	_ =	shalt  }
0x4f: {  	_ =	shalt  }
0x50: {  	_ =	shalt  }
0x51: {  	_ =	shalt  }
0x52: {  	_ =	shalt  }
0x53: {  	_ =	shalt  }
0x54: {  	_ =	shalt  }
0x55: {  	_ =	shalt  }
0x56: {  	_ =	shalt  }
0x57: {  	_ =	shalt  }
0x58: {  	_ =	shalt  }
0x59: {  	_ =	shalt  }
0x5a: {  	_ =	shalt  }
0x5b: {  	_ =	shalt  }
0x5c: {  	_ =	shalt  }
0x5d: {  	_ =	shalt  }
0x5e: {  	_ =	shalt  }
0x5f: {  	_ =	shalt  }
0x60: {  	_ =	shalt  }
0x61: {  	_ =	shalt  }
0x62: {  	_ =	shalt  }
0x63: {  	_ =	shalt  }
0x64: {  	_ =	shalt  }
0x65: {  	_ =	shalt  }
0x66: {  	_ =	shalt  }
0x67: {  	_ =	shalt  }
0x68: {  	_ =	shalt  }
0x69: {  	_ =	shalt  }
0x6a: {  	_ =	shalt  }
0x6b: {  	_ =	shalt  }
0x6c: {  	_ =	shalt  }
0x6d: {  	_ =	shalt  }
0x6e: {  	_ =	shalt  }
0x6f: {  	_ =	shalt  }
0x70: {  	_ =	shalt  }
0x71: {  	_ =	shalt  }
0x72: {  	_ =	shalt  }
0x73: {  	_ =	shalt  }
0x74: {  	_ =	shalt  }
0x75: {  	_ =	shalt  }
0x76: {  	_ =	shalt  }
0x77: {  	_ =	shalt  }
0x78: {  	_ =	shalt  }
0x79: {  	_ =	shalt  }
0x7a: {  	_ =	shalt  }
0x7b: {  	_ =	shalt  }
0x7c: {  	_ =	shalt  }
0x7d: {  	_ =	shalt  }
0x7e: {  	_ =	shalt  }
0x7f: {  	_ =	shalt  }
0x80: {  	_ =	shalt  }
0x81: {  	_ =	shalt  }
0x82: {  	_ =	shalt  }
0x83: {  	_ =	shalt  }
0x84: {  	_ =	shalt  }
0x85: {  	_ =	shalt  }
0x86: {  	_ =	shalt  }
0x87: {  	_ =	shalt  }
.Lfunc_end0:
.L_simem_size_0:
called_computation_lowered:
.L_overlay_start_0:
0x88: {  	s2 =	sld [smem:$0x3FD9]  }
0x89: {  	s3 =	sld [smem:$0x3FFE];
	_ =	sdelay $0x1  }
0x8a: {  	s1 =	srdreg.scid  }
0x8b: {  	s0 =	sand.u32 $0x1, s1  }
0x8c: {  	s17 =	sshll.u32 s0, $0xA;
	s2 =	sadd.s32 s3, s2  }
0x8d: {  	s2 =	sadd.s32 s2, s17  }
0x8e: {  	[smem:$0x3FC5] =	sst s2  }
0x8f: {  	_ = 	snop  }
0x90: {  	s2 =	sld [smem:$0x3FD0];
	(tm) =	ssettm $0x1  }
0x91: {  	s18 =	sld [smem:$0x3FFB];
	_ =	sdelay $0x3  }
0x92: {  	_ =	strace s18  }
0x93: {  	s3 =	sld [smem:$0x3FFC];
	_ =	sdelay $0x3  }
0x94: {  	_ =	strace s3  }
0x95: {  	s3 =	sld [smem:$0x3FFD];
	_ =	sdelay $0x3  }
0x96: {  	_ =	strace s3  }
0x97: {  	_ =	strace $0x8FFFFFFF  }
0x98: {  	s19 =	sld [smem:$0x3FDB];
	_ =	sdelay $0x1  }
0x99: {  	s4 =	simm.s32 $_scs_section_size  }
0x9a: {  	s5 =	simm.s32 $_size__tile_overlayer_lowered;
	s6 =	simm.s32 $_tile_overlayer_lowered  }
0x9b: {  	s22 =	simm.s32 $0x1BFF;
	s21 =	sshll.u32 s6, $0x1;
	s3 =	sadd.s32 s4, s19  }
0x9c: {  	s7 =	simm.s32 $0x0;
	s20 =	sshll.u32 s5, $0x1;
	s5 =	sadd.s32 s21, s3  }
0x9d: {  	[timem:s7], [sflag:s22] =	dma.local [hbm:s5], s20  }
0x9e: {  	_ =	swait.ge [sflag:s22], s20  }
0x9f: {  	s4 =	ssub.s32 $0x0, s20;
	[sflag:s22] =	ssyncset.done $0x0  }
0xa0: {  	[sflag:s22] =	ssyncadd.s32 s4;
	_ =	sdelay $0x1  }
0xa1: {  	s23 =	simm.s32 $0x1B8B  }
0xa2: {  	_ =	swait.ge [sflag:s23], $0x1  }
0xa3: {  	[sflag:s23] =	ssyncset.done $0x0  }
0xa4: {  	s25 =	simm.s32 $0x1B8E;
	s24 =	sld [smem:$0x3FFE];
	[sflag:s23] =	ssyncadd.s32 $0xFFFFFFFF  }
0xa5: {  	s26 =	simm.s32 $execute0_lowered;
	[smem:$0x3FD2] =	sst s25  }
0xa6: {  	s5 =	sshll.u32 s26, $0x1;
	_ =	strace $0x80000046;
	[dreg:$0x1] =	wrdreg $0xFFFFFFFF  }
0xa7: {  	s28 =	simm.s32 $_size_execute0_lowered;
	s3 =	sadd.s32 s3, s5;
	[dreg:$0x0] =	wrdreg $0x0  }
0xa8: {  	s5 =	sshll.u32 s28, $0x1;
	[dreg:$0x2] =	wrdreg s3  }
0xa9: {  	[dreg:$0x3] =	wrdreg s5  }
0xaa: {  	[dreg:$0x4] =	wrdreg $0xC0  }
0xab: {  	_ =	task [dreg:s7], $0x5FFFF  }
0xac: {  	[dreg:$0x1] =	wrdreg $0xFFFFFFFF  }
0xad: {  	[dreg:$0x0] =	wrdreg $0x60  }
0xae: {  	[dreg:$0x2] =	wrdreg s24  }
0xaf: {  	[dreg:$0x3] =	wrdreg s2  }
0xb0: {  	[dreg:$0x4] =	wrdreg $0x9  }
0xb1: {  	_ =	task.clear_ibuf [dreg:s7], $0x5FFFF;
	_ =	strace $0x90000046  }
0xb2: {  	s29 =	simm.s32 $0x9;
	_ =	strace $0x80000048  }
0xb3: {  	_ =	swait.ge [sflag:s29], $0x1  }
0xb4: {  	[sflag:s29] =	ssyncadd.s32 $0xFFFFFFFF  }
0xb5: {  	_ =	strace $0x90000048  }
0xb6: {  	_ =	sfence  }
0xb7: {  	s30 =	sld [smem:$0x0];
	_ =	sdelay $0x2  }
0xb8: {  	s31 =	sshll.u32 s1, $0xD;
	s1 =	sshrl.u32 s1, $0x2  }
0xb9: {  	s3 =	sand.u32 $0x4000, s31;
	s1 =	sadd.s32 s1, s30  }
0xba: {  	s0 =	sor.u32 s3, s0;
	s1 =	sshll.u32 s1, $0x11  }
0xbb: {  	s0 =	sor.u32 s1, s0  }
0xbc: {  	s0 =	sadd.s32 $0x8F2B, s0  }
0xbd: {  	[sflag:s0] =	ssyncadd.remote.s32 $0x1  }
0xbe: {  	_ =	sfence.sel $0xFFFF  }
0xbf: {  	[dreg:$0x0] =	wrdreg $0xFFFFFFFF;
	(pc) =	sbr.abs _section_cstart, $3  }
0xc0: {  	[dreg:$0x1] =	wrdreg $0xFFFFFFFF  }
0xc1: {  	_ =	task.clear_ibuf [dreg:s7], $0x2FFFF;
	_ =	strace $0x9FFFFFFF  }
0xc2: {  	(tm) =	ssettm $0x7FFFFFFF  }
0xc3: {  	_ =	shalt  }
tec
execute0_lowered:
.L_overlay_start_1:
0x0: {  	(tag) =	ssettag $0x1  }
0x1: {  	s0 =	srdreg.scid  }
0x2: {  	s1 =	sshll.u32 s0, $0x4  }
0x3: {  	s0 =	stileid.u32;
	s1 =	sand.u32 $0x10, s1  }
0x4: {  	s2 =	sor.u32 s0, s1  }
0x5: {  	s1 =	smin.u32 s2, $0x12  }
0x6: {  	s1 =	sadd.s32 s2, s1  }
0x7: {  	p0 =	slt.u32 s2, $0x12;
	s2 =	simm.s32 $0x280;
	s1 =	smul.u32 $0x140, s1  }
0x8: {  	s2 =	simm.s32 @!p0 $0x140  }
0x9: {  	s2 =	sadd.s32 s2, s1  }
0xa: {  	s3 =	smin.u32 s2, $0x3E80  }
0xb: {  	s7 =	ssub.s32 s3, s1  }
0xc: {  	p0 =	sgt.s32 s7, $0x0  }
0xd: {  	s7 =	simm.s32 @!p0 $0x0  }
0xe: {  	s9 =	rddreg [dreg:$0x0];
	s31 =	smul.u32 $0xCCCD, s7  }
0xf: {  	s4 =	rddreg [dreg:$0x1];
	s6 =	simm.s32 $0x1  }
0x10: {  	s11 =	simm.s32 $0x3;
	s13 =	simm.s32 $0x0;
	s8 =	sshrl.u32 s31, $0x18  }
0x11: {  	s12 =	simm.s32 $0x0;
	s5 =	sadd.s32 $0x5000, s9;
	s10 =	smul.u32 $0x140, s8  }
.Ltmp0:
0x12: {  	s9 =	sadd.s32 $0x276000, s9;
	s2 =	rddreg [dreg:$0x2];
	(pc) =	sbr.rel .LBB2_1-.Ltmp0, $4  }
0x13: {  	_ =	strace $0x80000047;
	p0 =	sne.s32 s7, s10;
	s10 =	simm.s32 $0x1  }
0x14: {  	[sflag:s6] =	ssyncpa.u1 $0x0;
	s7 =	simm.s32 $0x2;
	s10 =	simm.s32 @!p0 $0x0  }
0x15: {  	[sflag:s7] =	ssyncpa.u1 $0x0;
	p0 =	por $0x0, $0x0;
	s8 =	sadd.s32 s8, s10  }
0x16: {  	vm0 =	vmmov $0xff;
	vm1 =	vcmask $0x3F20;
	[sflag:s11] =	ssyncpa.u1 $0x0;
	s11 =	smov.u32 s1;
	s10 =	sadd.s32 $0x1, s8  }
.LBB2_6:
0x17: {  	[hbm:s17] =	stream.linear.scatter [tilespmem:s14], [sflag:$0x3], $0x400, $0x38;
	[tilespmem:$0x14280] =	vst v63  }
.LBB2_7:
0x18: {  	s13 =	sadd.s32 $0x140, s11  }
0x19: {  	s15 =	smov.u32 s1;
	p2 =	slt.s32 s13, s3  }
0x1a: {  	s15 =	smov.u32 @p2 s13;
	p2 =	sne.s32 s12, s10  }
.Ltmp1:
0x1b: {  	p1 =	slt.u32 s12, $0x2;
	(pc) =	sbr.rel @!p2 .LBB2_8-.Ltmp1, $4  }
0x1c: {  	s14 =	simm.s32 @!p1 $0x3  }
0x1d: {  	s16 =	sadd.s32 $0x1, s12;
	_ =	swait.ge @!p1 [sflag:s14], $0xA000  }
0x1e: {  	p0 =	por !p0, !p0;
	s13 =	smov.u32 s11;
	[sflag:s14] =	ssyncset.done @!p1 $0x0  }
0x1f: {  	s12 =	smov.u32 s16;
	s11 =	smov.u32 s15;
	[sflag:s14] =	ssyncadd.s32 @!p1 $0xFFFF6000  }
.LBB2_1:
0x20: {  	p1 =	sge.u32 s12, s8  }
0x21: {  	s14 =	sxor.u32 @!p1 $0xFFFFFFFF, s12  }
0x22: {  	s14 =	sand.u32 @!p1 $0x1, s14  }
0x23: {  	s14 =	smul.u32 @!p1 $0x500, s14  }
0x24: {  	s31 =	sadd.s32 $0xFFFFFFFF, s12;
	s15 =	sshrl.u32 @!p1 s11, $0x3  }
0x25: {  	s16 =	sand.u32 @!p1 $0x7, s11;
	s15 =	sadd.s32 @!p1 s4, s15;
	s14 =	sshrl.u32 @!p1 s14, $0x2  }
0x26: {  	[tilespmem:s14], [sflag:$0x2] =	stream.linear.gather @!p1 [hbm4b:s15+s16], $0x140, $0x38;
	[tilespmem:$0x14280] =	vst v63  }
0x27: {  	p1 =	sge.u32 s31, s8  }
.Ltmp2:
0x28: {  	_ = 	snop;
	(pc) =	sbr.rel @p1 .LBB2_7-.Ltmp2, $1  }
0x29: {  	_ =	sdelay $0x3  }
0x2a: {  	s14 =	simm.s32 $0x1  }
0x2b: {  	s14 =	simm.s32 @!p0 $0x0  }
0x2c: {  	s15 =	smul.u32 $0x500, s14  }
0x2d: {  	_ =	swait.ge [sflag:s7], $0x140  }
0x2e: {  	[sflag:s7] =	ssyncset.done $0x0;
	s16 =	sshrl.u32 s15, $0x2  }
0x2f: {  	[sflag:s7] =	ssyncadd.s32 $0xFFFFFEC0;
	s15 =	sadd.s32 $0x0, s16  }
0x30: {  	v0 =	vld.msk [tilespmem:s15+$0x0 ss:$0x1], $0xffff;
	_ =	sdelay $0x4  }
0x31: {  	v1 =	vand.u32 $0x7, v0;
	v2 =	vshll.u32 v0, $0x4  }
0x32: {  	vm2 =	veq.s32 v0, $0x80000000;
	v0 =	vmul.u32 $0x271000, v1;
	v1 =	vand.u32 $0x3FFF80, v2  }
0x33: {  	v1 =	vsel vm2, $0xFFFFFF80, v1  }
0x34: {  	v0 =	vsel vm2, $0xFFD8F000, v0;
	v2 =	vand.u32 $0xFFFFFC00, v1  }
0x35: {  	v1 =	vand.u32 $0x380, v1;
	v0 =	vadd.s32 v0, v2  }
0x36: {  	v0 =	vor.u32 v1, v0  }
0x37: {  	v0 =	vshrl.u32 v0, $0x3  }
0x38: {  	s14 =	smul.u32 $0x28000, s14;
	_ =	sdelay $0x1  }
0x39: {  	s14 =	sshrl.u32 s14, $0x2  }
0x3a: {  	s14 =	sor.u32 $0x280, s14  }
0x3b: {  	[tilespmem:s14], [sflag:$0x1] =	stream.indirect_vreg.gather [hbm:s5], $0x80, v0, vm0, $0x38;
	[tilespmem:$0x14280] =	vst v63  }
0x3c: {  	s17 =	sadd.s32 $0x10, s16;
	s15 =	sadd.s32 $0x400, s14  }
0x3d: {  	[tilespmem:s15], [sflag:$0x1] =	stream.indirect_vreg.gather [hbm:s5], $0x80, v0, vm1, $0x38;
	[tilespmem:$0x14280] =	vst v63  }
0x3e: {  	s18 =	simm.s32 $0x80;
	v0 =	vld.msk [tilespmem:s17+$0x0 ss:$0x1], $0xffff;
	s17 =	smov.u32 s14  }
.LBB2_3:
0x3f: {  	p1 =	sne.s32 s18, $0x4C0;
	_ =	sdelay $0x4  }
0x40: {  	v1 =	vand.u32 $0x7, v0;
	v2 =	vshll.u32 v0, $0x4  }
0x41: {  	vm2 =	veq.s32 v0, $0x80000000;
	v0 =	vmul.u32 $0x271000, v1;
	v1 =	vand.u32 $0x3FFF80, v2  }
0x42: {  	v1 =	vsel vm2, $0xFFFFFF80, v1  }
0x43: {  	v0 =	vsel vm2, $0xFFD8F000, v0;
	v2 =	vand.u32 $0xFFFFFC00, v1  }
0x44: {  	v1 =	vand.u32 $0x380, v1;
	v0 =	vadd.s32 v0, v2  }
0x45: {  	v0 =	vor.u32 v1, v0  }
0x46: {  	v0 =	vshrl.u32 v0, $0x3;
	_ =	sdelay $0x3  }
.Ltmp3:
0x47: {  	s19 =	sshra.s32 s18, $0x2;
	s17 =	sadd.s32 $0x800, s17;
	(pc) =	sbr.rel @p1 .LBB2_3-.Ltmp3, $4  }
0x48: {  	[tilespmem:s17], [sflag:$0x1] =	stream.indirect_vreg.gather [hbm:s5], $0x80, v0, vm0, $0x38;
	[tilespmem:$0x14280] =	vst v63  }
0x49: {  	s19 =	sadd.s32 s19, s16;
	s20 =	sadd.s32 $0x400, s17  }
0x4a: {  	[tilespmem:s20], [sflag:$0x1] =	stream.indirect_vreg.gather [hbm:s5], $0x80, v0, vm1, $0x38;
	[tilespmem:$0x14280] =	vst v63  }
0x4b: {  	s18 =	sadd.s32 $0x40, s18;
	v0 =	vld.msk [tilespmem:s19+$0x0 ss:$0x1], $0xffff  }
0x4c: {  	_ =	sdelay $0x3  }
0x4d: {  	v1 =	vand.u32 $0x7, v0;
	v2 =	vshll.u32 v0, $0x4  }
0x4e: {  	vm2 =	veq.s32 v0, $0x80000000;
	v61 =	vmul.u32 $0x271000, v1;
	v62 =	vand.u32 $0x3FFF80, v2  }
0x4f: {  	v1 =	vsel vm2, $0xFFFFFF80, v62  }
0x50: {  	v0 =	vsel vm2, $0xFFD8F000, v61;
	v63 =	vand.u32 $0xFFFFFC00, v1  }
0x51: {  	v1 =	vand.u32 $0x380, v1;
	v0 =	vadd.s32 v0, v63  }
0x52: {  	v0 =	vor.u32 v1, v0  }
0x53: {  	v0 =	vshrl.u32 v0, $0x3;
	_ =	sdelay $0x3  }
0x54: {  	s16 =	sadd.s32 $0x800, s17  }
0x55: {  	[tilespmem:s16], [sflag:$0x1] =	stream.indirect_vreg.gather [hbm:s5], $0x80, v0, vm0, $0x38;
	[tilespmem:$0x14280] =	vst v63  }
0x56: {  	s16 =	sadd.s32 $0x400, s16  }
0x57: {  	[tilespmem:s16], [sflag:$0x1] =	stream.indirect_vreg.gather [hbm:s5], $0x80, v0, vm1, $0x38;
	[tilespmem:$0x14280] =	vst v63  }
0x58: {  	s13 =	sshll.u32 s13, $0x4;
	_ =	swait.ge [sflag:s6], $0xA000  }
0x59: {  	s13 =	sadd.s32 s13, s9;
	[sflag:s6] =	ssyncset.done $0x0  }
0x5a: {  	s17 =	sadd.s32 $0x0, s13;
	s16 =	simm.s32 $0x80;
	[sflag:s6] =	ssyncadd.s32 $0xFFFF6000  }
.LBB2_5:
0x5b: {  	[hbm:s17] =	stream.linear.scatter [tilespmem:s14], [sflag:$0x3], $0x400, $0x38;
	[tilespmem:$0x14280] =	vst v63  }
0x5c: {  	s17 =	smov.u32 s16;
	s14 =	smov.u32 s15;
	p1 =	sne.s32 s16, $0x1380  }
.Ltmp4:
0x5d: {  	s16 =	sadd.s32 $0x80, s16;
	(pc) =	sbr.rel @p1 .LBB2_5-.Ltmp4, $2  }
0x5e: {  	_ =	sdelay $0x2  }
0x5f: {  	s15 =	sadd.s32 $0x400, s15;
	s17 =	sadd.s32 s17, s13  }
.Ltmp5:
0x60: {  	_ = 	snop;
	(pc) =	sbr.rel .LBB2_6-.Ltmp5, $1  }
0x61: {  	_ =	sdelay $0x3  }
.LBB2_8:
0x62: {  	_ =	sfence.sel $0x180000  }
0x63: {  	s1 =	simm.s32 $0x2;
	[bflag:$0x0] =	sbarrier.arrive $0xFFFF  }
0x64: {  	s30 =	simm.s32 $0x3;
	[sflag:s1] =	ssyncpa.u1 $0x1  }
0x65: {  	s31 =	simm.s32 $0x1;
	[sflag:s30] =	ssyncpa.u1 $0x1  }
0x66: {  	[sflag:s31] =	ssyncpa.u1 $0x1  }
0x67: {  	p0 =	sne.s32 s0, $0x0;
	_ =	strace $0x90000047  }
0x68: {  	s0 =	sadd.s32 @!p0 $0x100000, s2;
	[bflag:$0x2] =	sbarrier.arrive $0xFFFF  }
0x69: {  	[sflag:s0] =	ssyncadd.tile.s32 @!p0 $0x1;
	_ =	shalt  }
.Lfunc_end2:
_tile_overlayer_lowered:
.L_overlay_start_2:
0x6a: {  	(tag) =	ssettag $0x2  }
0x6b: {  	s0 =	rddreg [dreg:$0x0];
	s2 =	stileid.u32  }
0x6c: {  	s1 =	rddreg [dreg:$0x1];
	p0 =	sne.s32 s2, $0x0  }
0x6d: {  	s3 =	rddreg [dreg:$0x2];
	[bflag:$0x3] =	sbarrier.arrive $0xFFFF;
	s2 =	simm.s32 @!p0 $0x1C01  }
0x6e: {  	[timem:s3], [sflag:s2] =	dma.local @!p0 [hbm:s0], s1  }
0x6f: {  	s0 =	simm.s32 @!p0 $0x1  }
0x70: {  	_ =	swait.ge @!p0 [sflag:s0], s1  }
0x71: {  	s1 =	ssub.s32 @!p0 $0x0, s1;
	[sflag:s0] =	ssyncset.done @!p0 $0x0  }
0x72: {  	[sflag:s0] =	ssyncadd.s32 @!p0 s1  }
0x73: {  	[bflag:$0x3] =	sbarrier.arrive $0xFFFF  }
0x74: {  	_ =	shalt  }

</sc_bundles>
